<compile_context>
chip_gen: v7x
topology: tpu7x:2x2x1
jax: 0.10.2.dev20260603
libtpu: 0.0.44.dev20260713+nightly
codegen_flags: <defaults>
</compile_context>

<pallas_src>
import functools

import jax
import jax.numpy as jnp
from jax import lax
from jax.experimental import pallas as pl
from jax.experimental.pallas import tpu as pltpu
from jax.experimental.pallas import tpu_sc as plsc

MIN_N = 4
HID = 32
FEAT = 64
L = 16
NEG = -3.0e38


def _sc_call(pts_flat, ppre, nlen, W1b, b1b, W2b, b2b, Whead, defaults):
    P = pts_flat.shape[0]
    NW = 32
    PW = P // NW
    CH = min(PW, 64)
    NCHUNK = PW // CH
    mesh = plsc.VectorSubcoreMesh(core_axis_name="c", subcore_axis_name="s")

    @functools.partial(
        pl.kernel,
        mesh=mesh,
        compiler_params=pltpu.CompilerParams(
            needs_layout_passes=False, use_tc_tiling_on_sc=False
        ),
        out_type=jax.ShapeDtypeStruct((P, L), jnp.float32),
        scratch_types=[
            pltpu.VMEM((CH, 3 * 256), jnp.float32),
            pltpu.VMEM((CH, L), jnp.float32),
            pltpu.VMEM((CH,), jnp.int32),
            pltpu.VMEM((3, HID, L), jnp.float32),
            pltpu.VMEM((HID, L), jnp.float32),
            pltpu.VMEM((HID, FEAT, L), jnp.float32),
            pltpu.VMEM((FEAT, L), jnp.float32),
            pltpu.VMEM((2 * FEAT, L), jnp.float32),
            pltpu.VMEM((L,), jnp.float32),
            pltpu.VMEM((FEAT, L), jnp.float32),
            pltpu.VMEM((FEAT, L), jnp.float32),
            pltpu.VMEM((CH, L), jnp.float32),
        ],
    )
    def body(pts_h, ppre_h, nlen_h, W1b_h, b1b_h, W2b_h, b2b_h, Wh_h, df_h,
             out_h, pts_v, ppre_v, nlen_v, W1v, b1v, W2v, b2v, Whv, dfv,
             amax, asum, outv):
        wid = lax.axis_index("s") * 2 + lax.axis_index("c")
        pltpu.sync_copy(W1b_h, W1v)
        pltpu.sync_copy(b1b_h, b1v)
        pltpu.sync_copy(W2b_h, W2v)
        pltpu.sync_copy(b2b_h, b2v)
        pltpu.sync_copy(Wh_h, Whv)
        pltpu.sync_copy(df_h, dfv)

        iota = lax.iota(jnp.int32, L)

        def do_proposal(k, _):
            ksp = jnp.full((L,), k, jnp.int32)
            nvec = plsc.load_gather(nlen_v, [ksp])
            n_s = jnp.max(nvec)

            def splat(d):
                return plsc.load_gather(ppre_v, [ksp, jnp.full((L,), d, jnp.int32)])

            cx, cy, cz = splat(0), splat(1), splat(2)
            ivx, ivy, ivz = splat(3), splat(4), splat(5)
            qf, qp1, rf = splat(6), splat(7), splat(8)

            outv[k] = dfv[...]

            @pl.when(n_s >= MIN_N)
            def _():
                def init_acc(o, _):
                    amax[o] = jnp.full((L,), NEG, jnp.float32)
                    asum[o] = jnp.zeros((L,), jnp.float32)
                    return ()
                lax.fori_loop(0, FEAT, init_acc, ())

                ngroups = lax.shift_right_logical(n_s + (L - 1), 4)

                def do_group(g, _):
                    jvec = g * L + iota
                    mask = jvec < nvec
                    jc = jnp.minimum(jvec, 255) * 3
                    x = plsc.load_gather(pts_v, [ksp, jc])
                    y = plsc.load_gather(pts_v, [ksp, jc + 1])
                    z = plsc.load_gather(pts_v, [ksp, jc + 2])
                    x = (x - cx) * ivx
                    y = (y - cy) * ivy
                    z = (z - cz) * ivz
                    jf = jvec.astype(jnp.float32)
                    cw = jnp.where(mask, jnp.where(jf < rf, qp1, qf), 0.0)
                    h = []
                    for i in range(HID):
                        hv = x * W1v[0, i] + y * W1v[1, i] + z * W1v[2, i]
                        h.append(jnp.maximum(hv + b1v[i], 0.0))

                    def do_out(o, _):
                        f = b2v[o]
                        for i in range(HID):
                            f = f + h[i] * W2v[i, o]
                        fm = jnp.where(mask, f, NEG)
                        amax[o] = jnp.maximum(amax[o], fm)
                        asum[o] = asum[o] + cw * f
                        return ()
                    lax.fori_loop(0, FEAT, do_out, ())
                    return ()
                lax.fori_loop(0, ngroups, do_group, ())

                def heads(o, res):
                    smax = jnp.max(amax[o])
                    ssum = jnp.sum(asum[o])
                    return res + smax * Whv[o] + ssum * Whv[FEAT + o]
                resv = lax.fori_loop(0, FEAT, heads, dfv[...])
                outv[k] = resv
            return ()

        for cc in range(NCHUNK):
            base = wid * PW + cc * CH
            pltpu.sync_copy(pts_h.at[pl.ds(base, CH)], pts_v)
            pltpu.sync_copy(ppre_h.at[pl.ds(base, CH)], ppre_v)
            pltpu.sync_copy(nlen_h.at[pl.ds(base, CH)], nlen_v)
            lax.fori_loop(0, CH, do_proposal, ())
            pltpu.sync_copy(outv, out_h.at[pl.ds(base, CH)])

    return body(pts_flat, ppre, nlen, W1b, b1b, W2b, b2b, Whead, defaults)


def _tc_call(pts128, c4, iv4, vb, W1x, b1x, W2p, b2p, Whead):
    PPR = 32
    NB1 = PPR * 128
    P = pts128.shape[0]
    MAXN = 256
    BP = 128
    R = BP * 256 // PPR
    M = BP * MAXN
    grid = (P // BP,)

    def body(pts_ref, c_ref, iv_ref, vb_ref, W1_ref, b1_ref, W2_ref, b2_ref,
             Wh_ref, out_ref):
        c4 = c_ref[...][:, :4]
        iv4 = iv_ref[...][:, :4]
        ctile = jnp.concatenate([c4] * PPR, axis=1)
        ivtile = jnp.concatenate([iv4] * PPR, axis=1)
        RPP = 256 // PPR
        cb = jnp.broadcast_to(ctile[:, None, :], (BP, RPP, 128)).reshape(R, 128)
        ivb = jnp.broadcast_to(ivtile[:, None, :], (BP, RPP, 128)).reshape(R, 128)
        x128 = (pts_ref[...].reshape(R, 128) - cb) * ivb
        hb = jnp.maximum(
            jnp.dot(x128, W1_ref[...], preferred_element_type=jnp.float32)
            + b1_ref[...][0][None, :], 0.0
        ).astype(jnp.bfloat16)
        f = (jnp.dot(hb.reshape(M, 128), W2_ref[...],
                     preferred_element_type=jnp.float32)
             + b2_ref[...][0][None, :])
        cw3 = f[:, FEAT:FEAT + 1].reshape(BP, MAXN, 1)
        f3 = f[:, :FEAT].reshape(BP, MAXN, FEAT)
        fw = f3 * cw3
        fmax = jnp.max(f3, axis=1)
        fsum = jnp.sum(fw, axis=1, dtype=jnp.float32)
        valid = vb_ref[...][:, 0:1] > 0.0
        fmax = jnp.where(valid, fmax, 0.0)
        fsum = jnp.where(valid, fsum, 0.0)
        feats = jnp.concatenate(
            [fmax, fsum, jnp.ones((BP, 8), jnp.float32)], axis=-1)
        out_ref[...] = jnp.dot(feats, Wh_ref[...],
                               preferred_element_type=jnp.float32)

    return pl.pallas_call(
        body,
        grid=grid,
        in_specs=[
            pl.BlockSpec((BP, MAXN * 4), lambda i: (i, 0)),
            pl.BlockSpec((BP, 8), lambda i: (i, 0)),
            pl.BlockSpec((BP, 8), lambda i: (i, 0)),
            pl.BlockSpec((BP, 8), lambda i: (i, 0)),
            pl.BlockSpec((128, NB1), lambda i: (0, 0)),
            pl.BlockSpec((8, NB1), lambda i: (0, 0)),
            pl.BlockSpec((128, 128), lambda i: (0, 0)),
            pl.BlockSpec((8, 128), lambda i: (0, 0)),
            pl.BlockSpec((2 * FEAT + 8, 8), lambda i: (0, 0)),
        ],
        out_specs=pl.BlockSpec((BP, 8), lambda i: (i, 0)),
        out_shape=jax.ShapeDtypeStruct((P, 8), jnp.float32),
    )(pts128, c4, iv4, vb, W1x, b1x, W2p, b2p, Whead)


SC_ROWS = 512


def kernel(points, proposals, W1, b1, W2, b2, Wc, bc, Wr, br, lengths):
    P, MAXN, _ = points.shape
    n = lengths.astype(jnp.int32)
    safe = jnp.maximum(n, 1)
    q = MAXN // safe
    r = MAXN - q * safe
    center = proposals[:, :3]
    inv = 1.0 / (proposals[:, 3:6] + 1e-6)
    qf = q.astype(jnp.float32) / MAXN
    qp1 = qf + 1.0 / MAXN
    rf = r.astype(jnp.float32)

    PSC = SC_ROWS
    cls_parts, reg_parts = [], []

    if PSC > 0:
        ppre = jnp.zeros((PSC, L), jnp.float32)
        ppre = ppre.at[:, 0:3].set(center[:PSC]).at[:, 3:6].set(inv[:PSC])
        ppre = (ppre.at[:, 6].set(qf[:PSC]).at[:, 7].set(qp1[:PSC])
                .at[:, 8].set(rf[:PSC]))
        pts_flat = points[:PSC].reshape(PSC, MAXN * 3)
        W1b = jnp.broadcast_to(W1[:, :, None], (3, HID, L))
        b1b = jnp.broadcast_to(b1[:, None], (HID, L))
        W2b = jnp.broadcast_to(W2[:, :, None], (HID, FEAT, L))
        b2b = jnp.broadcast_to(b2[:, None], (FEAT, L))
        Whd = jnp.zeros((2 * FEAT, L), jnp.float32)
        Whd = Whd.at[:, 0].set(Wc[:, 0]).at[:, 1:5].set(Wr)
        defaults = jnp.zeros((L,), jnp.float32)
        defaults = defaults.at[0].set(bc[0]).at[1:5].set(br)
        out_sc = _sc_call(pts_flat, ppre, n[:PSC], W1b, b1b, W2b, b2b, Whd,
                          defaults)
        cls_parts.append(out_sc[:, :1])
        reg_parts.append(out_sc[:, 1:5])

    if PSC < P:
        jrow = jnp.arange(MAXN, dtype=jnp.int32)[None, :]
        cwtc = jnp.where(jrow < n[PSC:, None],
                         jnp.where(jrow < r[PSC:, None], qp1[PSC:, None],
                                   qf[PSC:, None]), 0.0)
        pts128 = jnp.concatenate(
            [points[PSC:], cwtc[:, :, None]], axis=-1
        ).reshape(P - PSC, MAXN * 4)
        c4 = jnp.zeros((P - PSC, 8), jnp.float32).at[:, :3].set(center[PSC:])
        iv4 = (jnp.zeros((P - PSC, 8), jnp.float32).at[:, :3].set(inv[PSC:])
               .at[:, 3].set(1.0))
        vb = jnp.zeros((P - PSC, 8), jnp.float32)
        vb = vb.at[:, 0].set((n[PSC:] >= MIN_N).astype(jnp.float32))
        W1blk = jnp.zeros((4, 128), jnp.float32).at[:3, :HID].set(W1)
        W1blk = W1blk.at[3, HID].set(-512.0).at[3, HID + 1].set(1.0)
        b1blk = jnp.zeros((128,), jnp.float32).at[:HID].set(b1)
        b1blk = b1blk.at[HID].set(1.0)
        W1x = jnp.kron(jnp.eye(32, dtype=jnp.float32), W1blk)
        b1x = jnp.broadcast_to(jnp.tile(b1blk, 32)[None, :], (8, 32 * 128))
        W2p = jnp.zeros((128, 128), jnp.float32).at[:HID, :FEAT].set(W2)
        W2p = W2p.at[HID, :FEAT].set(NEG).at[HID + 1, FEAT].set(1.0)
        W2p = W2p.astype(jnp.bfloat16)
        b2p = jnp.broadcast_to(
            jnp.zeros((128,), jnp.float32).at[:FEAT].set(b2)[None, :],
            (8, 128))
        Whead = jnp.zeros((2 * FEAT + 8, 8), jnp.float32)
        Whead = Whead.at[:FEAT, 0].set(Wc[:FEAT, 0]).at[:FEAT, 1:5].set(Wr[:FEAT])
        Whead = (Whead.at[FEAT:2 * FEAT, 0].set(Wc[FEAT:, 0])
                 .at[FEAT:2 * FEAT, 1:5].set(Wr[FEAT:]))
        Whead = Whead.at[2 * FEAT, 0].set(bc[0]).at[2 * FEAT, 1:5].set(br)
        out_tc = _tc_call(pts128, c4, iv4, vb, W1x, b1x, W2p, b2p, Whead)
        cls_parts.append(out_tc[:, :1])
        reg_parts.append(out_tc[:, 1:5])

    cls = jnp.concatenate(cls_parts, axis=0) if len(cls_parts) > 1 else cls_parts[0]
    reg = jnp.concatenate(reg_parts, axis=0) if len(reg_parts) > 1 else reg_parts[0]
    return cls, reg

# --- scband reference (transcript-rebuilt; emitter-appended) ---
"""Pipeline reference for scband-refinement-head-11484742550032 (READ-ONLY COPY).

The authoritative reference and input builder live on the scoring server;
editing this copy changes nothing except your own understanding.
"""

import jax, jax.numpy as jnp
import numpy as np

MIN_PTS = 4
HIDDEN = 32
FEAT = 64
OUT_DIM = 2 * FEAT


def setup_inputs(seed: int = 0) -> dict:
    key = jax.random.key(seed)
    k1, k2, k3, k4, k5, k6, k7, k8, k9, k10 = [jax.random.fold_in(key, i) for i in range(10)]
    P, MAXN = 4096, 256
    points = jax.random.normal(k1, (P, MAXN, 3), dtype=jnp.float32)
    lengths = jax.random.randint(k2, (P,), 0, 256, dtype=jnp.int64)
    proposals = jax.random.uniform(k3, (P, 6), dtype=jnp.float32)
    s = 1.0 / np.sqrt(3)
    W1 = jax.random.uniform(k4, (3, HIDDEN), jnp.float32, -s, s)
    b1 = jnp.zeros((HIDDEN,), jnp.float32)
    s2 = 1.0 / np.sqrt(HIDDEN)
    W2 = jax.random.uniform(k5, (HIDDEN, FEAT), jnp.float32, -s2, s2)
    b2 = jnp.zeros((FEAT,), jnp.float32)
    s3 = 1.0 / np.sqrt(OUT_DIM)
    Wc = jax.random.uniform(k6, (OUT_DIM, 1), jnp.float32, -s3, s3)
    bc = jax.random.uniform(k7, (1,), jnp.float32, -s3, s3)
    Wr = jax.random.uniform(k8, (OUT_DIM, 4), jnp.float32, -s3, s3)
    br = jax.random.uniform(k9, (4,), jnp.float32, -s3, s3)
    return {"points": points, "proposals": proposals, "W1": W1, "b1": b1, "W2": W2, "b2": b2, "Wc": Wc, "bc": bc, "Wr": Wr, "br": br, "lengths": lengths}


def _extractor(batched, props, W1, b1, W2, b2):
    # MultiPositionExtractor: normalize points into proposal-local frame,
    # per-point MLP, then multi-position (max + mean) pooling.
    center = props[:, :3]
    size = props[:, 3:6]
    local = (batched - center[:, None, :]) / (size[:, None, :] + 1e-6)
    h = jax.nn.relu(local @ W1 + b1)
    f = h @ W2 + b2  # (P, n, FEAT)
    fmax = jnp.max(f, axis=1)
    fmean = jnp.mean(f, axis=1)
    return jnp.concatenate([fmax, fmean], axis=-1)  # (P, OUT_DIM)


def reference(points, proposals, W1, b1, W2, b2, Wc, bc, Wr, br, lengths):
    P, MAXN, _ = points.shape
    valid = lengths >= MIN_PTS  # (P,)
    safe_len = jnp.maximum(lengths, 1)
    # repeat-padding: index j -> j % n_k, gathered along the point axis
    idx = jnp.arange(MAXN, dtype=lengths.dtype)[None, :] % safe_len[:, None]  # (P, MAXN)
    batched = jnp.take_along_axis(points, idx[:, :, None], axis=1)  # (P, MAXN, 3)
    feats = _extractor(batched, proposals, W1, b1, W2, b2)
    # invalid / too-small windows get the zero feature vector
    feats = jnp.where(valid[:, None], feats, 0.0)
    cls_logits = feats @ Wc + bc  # (P, 1)
    reg_deltas = feats @ Wr + br  # (P, 4)
    return cls_logits, reg_deltas

if __name__ == "__main__":
    import jax
    _d = setup_inputs()
    print(jax.jit(kernel)(*tuple(_d.values())))

</pallas_src>

<mosaic_0001>
#map = affine_map<(d0, d1) -> (0, 0)>
#map1 = affine_map<(d0, d1) -> (0)>
#map2 = affine_map<(d0, d1) -> (0, 0, 0)>
module attributes {stable_mosaic.version = 14 : i64} {
  func.func @body(%arg0: i32, %arg1: i32, %arg2: memref<512x768xf32, #tpu.memory_space<hbm>>, %arg3: memref<512x16xf32, #tpu.memory_space<hbm>>, %arg4: memref<512xi32, #tpu.memory_space<hbm>>, %arg5: memref<3x32x16xf32, #tpu.memory_space<hbm>>, %arg6: memref<32x16xf32, #tpu.memory_space<hbm>>, %arg7: memref<32x64x16xf32, #tpu.memory_space<hbm>>, %arg8: memref<64x16xf32, #tpu.memory_space<hbm>>, %arg9: memref<128x16xf32, #tpu.memory_space<hbm>>, %arg10: memref<16xf32, #tpu.memory_space<hbm>>, %arg11: memref<512x16xf32, #tpu.memory_space<hbm>>, %arg12: memref<16x768xf32, #tpu.memory_space<vmem>>, %arg13: memref<16x16xf32, #tpu.memory_space<vmem>>, %arg14: memref<16xi32, #tpu.memory_space<vmem>>, %arg15: memref<3x32x16xf32, #tpu.memory_space<vmem>>, %arg16: memref<32x16xf32, #tpu.memory_space<vmem>>, %arg17: memref<32x64x16xf32, #tpu.memory_space<vmem>>, %arg18: memref<64x16xf32, #tpu.memory_space<vmem>>, %arg19: memref<128x16xf32, #tpu.memory_space<vmem>>, %arg20: memref<16xf32, #tpu.memory_space<vmem>>, %arg21: memref<64x16xf32, #tpu.memory_space<vmem>>, %arg22: memref<64x16xf32, #tpu.memory_space<vmem>>, %arg23: memref<16x16xf32, #tpu.memory_space<vmem>>) attributes {dimension_semantics = [#tpu.dimension_semantics<core_parallel>, #tpu.dimension_semantics<subcore_parallel>], iteration_bounds = array<i64: 2, 16>, scalar_prefetch = 0 : i64, scratch_operands = 12 : i64, tpu.core_type = #tpu.core_type<sc_vector_subcore>, window_params = [{transform_indices = #map}, {transform_indices = #map}, {transform_indices = #map1}, {transform_indices = #map2}, {transform_indices = #map}, {transform_indices = #map2}, {transform_indices = #map}, {transform_indices = #map}, {transform_indices = #map1}, {transform_indices = #map}]} {
    %mul3A = arith.constant 2 : i32
    %mul3A_0 = arith.muli %arg1, %mul3A : i32
    %add3A = arith.addi %mul3A_0, %arg0 : i32
    "tpu.region"() ({
      %run_scoped3A = tpu.sem_alloc : memref<!tpu.dma_semaphore, #tpu.memory_space<semaphore_mem>>
      tpu.enqueue_dma source(%arg5 : memref<3x32x16xf32, #tpu.memory_space<hbm>>) target(%arg15 : memref<3x32x16xf32, #tpu.memory_space<vmem>>) target_semaphore(%run_scoped3A : memref<!tpu.dma_semaphore, #tpu.memory_space<semaphore_mem>>)
      tpu.wait_dma2 semaphore(%run_scoped3A : memref<!tpu.dma_semaphore, #tpu.memory_space<semaphore_mem>>) src(%arg5 : memref<3x32x16xf32, #tpu.memory_space<hbm>>) dst(%arg15 : memref<3x32x16xf32, #tpu.memory_space<vmem>>)
      tpu.yield
    }) : () -> ()
    "tpu.region"() ({
      %run_scoped3A = tpu.sem_alloc : memref<!tpu.dma_semaphore, #tpu.memory_space<semaphore_mem>>
      tpu.enqueue_dma source(%arg6 : memref<32x16xf32, #tpu.memory_space<hbm>>) target(%arg16 : memref<32x16xf32, #tpu.memory_space<vmem>>) target_semaphore(%run_scoped3A : memref<!tpu.dma_semaphore, #tpu.memory_space<semaphore_mem>>)
      tpu.wait_dma2 semaphore(%run_scoped3A : memref<!tpu.dma_semaphore, #tpu.memory_space<semaphore_mem>>) src(%arg6 : memref<32x16xf32, #tpu.memory_space<hbm>>) dst(%arg16 : memref<32x16xf32, #tpu.memory_space<vmem>>)
      tpu.yield
    }) : () -> ()
    "tpu.region"() ({
      %run_scoped3A = tpu.sem_alloc : memref<!tpu.dma_semaphore, #tpu.memory_space<semaphore_mem>>
      tpu.enqueue_dma source(%arg7 : memref<32x64x16xf32, #tpu.memory_space<hbm>>) target(%arg17 : memref<32x64x16xf32, #tpu.memory_space<vmem>>) target_semaphore(%run_scoped3A : memref<!tpu.dma_semaphore, #tpu.memory_space<semaphore_mem>>)
      tpu.wait_dma2 semaphore(%run_scoped3A : memref<!tpu.dma_semaphore, #tpu.memory_space<semaphore_mem>>) src(%arg7 : memref<32x64x16xf32, #tpu.memory_space<hbm>>) dst(%arg17 : memref<32x64x16xf32, #tpu.memory_space<vmem>>)
      tpu.yield
    }) : () -> ()
    "tpu.region"() ({
      %run_scoped3A = tpu.sem_alloc : memref<!tpu.dma_semaphore, #tpu.memory_space<semaphore_mem>>
      tpu.enqueue_dma source(%arg8 : memref<64x16xf32, #tpu.memory_space<hbm>>) target(%arg18 : memref<64x16xf32, #tpu.memory_space<vmem>>) target_semaphore(%run_scoped3A : memref<!tpu.dma_semaphore, #tpu.memory_space<semaphore_mem>>)
      tpu.wait_dma2 semaphore(%run_scoped3A : memref<!tpu.dma_semaphore, #tpu.memory_space<semaphore_mem>>) src(%arg8 : memref<64x16xf32, #tpu.memory_space<hbm>>) dst(%arg18 : memref<64x16xf32, #tpu.memory_space<vmem>>)
      tpu.yield
    }) : () -> ()
    "tpu.region"() ({
      %run_scoped3A = tpu.sem_alloc : memref<!tpu.dma_semaphore, #tpu.memory_space<semaphore_mem>>
      tpu.enqueue_dma source(%arg9 : memref<128x16xf32, #tpu.memory_space<hbm>>) target(%arg19 : memref<128x16xf32, #tpu.memory_space<vmem>>) target_semaphore(%run_scoped3A : memref<!tpu.dma_semaphore, #tpu.memory_space<semaphore_mem>>)
      tpu.wait_dma2 semaphore(%run_scoped3A : memref<!tpu.dma_semaphore, #tpu.memory_space<semaphore_mem>>) src(%arg9 : memref<128x16xf32, #tpu.memory_space<hbm>>) dst(%arg19 : memref<128x16xf32, #tpu.memory_space<vmem>>)
      tpu.yield
    }) : () -> ()
    "tpu.region"() ({
      %run_scoped3A = tpu.sem_alloc : memref<!tpu.dma_semaphore, #tpu.memory_space<semaphore_mem>>
      tpu.enqueue_dma source(%arg10 : memref<16xf32, #tpu.memory_space<hbm>>) target(%arg20 : memref<16xf32, #tpu.memory_space<vmem>>) target_semaphore(%run_scoped3A : memref<!tpu.dma_semaphore, #tpu.memory_space<semaphore_mem>>)
      tpu.wait_dma2 semaphore(%run_scoped3A : memref<!tpu.dma_semaphore, #tpu.memory_space<semaphore_mem>>) src(%arg10 : memref<16xf32, #tpu.memory_space<hbm>>) dst(%arg20 : memref<16xf32, #tpu.memory_space<vmem>>)
      tpu.yield
    }) : () -> ()
    %iota3A = tpu.iota {dimensions = array<i32: 0>} : vector<16xi32>
    %mul3A_1 = arith.constant 16 : i32
    %mul3A_2 = arith.muli %add3A, %mul3A_1 : i32
    %add3A_3 = arith.constant 0 : i32
    %add3A_4 = arith.addi %mul3A_2, %add3A_3 : i32
    "tpu.region"() ({
      %run_scoped3A = tpu.sem_alloc : memref<!tpu.dma_semaphore, #tpu.memory_space<semaphore_mem>>
      %dma_start3A = arith.constant 0 : i32
      %dma_start3A_9 = tpu.memref_slice %arg2[%add3A_4, %dma_start3A] : memref<512x768xf32, #tpu.memory_space<hbm>> -> memref<16x768xf32, #tpu.memory_space<hbm>>
      %dma_start3A_10 = arith.constant 0 : i32
      %dma_start3A_11 = tpu.memref_slice %arg2[%add3A_4, %dma_start3A_10] : memref<512x768xf32, #tpu.memory_space<hbm>> -> memref<16x768xf32, #tpu.memory_space<hbm>>
      tpu.enqueue_dma source(%dma_start3A_11 : memref<16x768xf32, #tpu.memory_space<hbm>>) target(%arg12 : memref<16x768xf32, #tpu.memory_space<vmem>>) target_semaphore(%run_scoped3A : memref<!tpu.dma_semaphore, #tpu.memory_space<semaphore_mem>>)
      %dma_wait3A = arith.constant 0 : i32
      %dma_wait3A_12 = tpu.memref_slice %arg2[%add3A_4, %dma_wait3A] : memref<512x768xf32, #tpu.memory_space<hbm>> -> memref<16x768xf32, #tpu.memory_space<hbm>>
      %dma_wait3A_13 = arith.constant 0 : i32
      %dma_wait3A_14 = tpu.memref_slice %arg2[%add3A_4, %dma_wait3A_13] : memref<512x768xf32, #tpu.memory_space<hbm>> -> memref<16x768xf32, #tpu.memory_space<hbm>>
      tpu.wait_dma2 semaphore(%run_scoped3A : memref<!tpu.dma_semaphore, #tpu.memory_space<semaphore_mem>>) src(%dma_wait3A_14 : memref<16x768xf32, #tpu.memory_space<hbm>>) dst(%arg12 : memref<16x768xf32, #tpu.memory_space<vmem>>)
      tpu.yield
    }) : () -> ()
    "tpu.region"() ({
      %run_scoped3A = tpu.sem_alloc : memref<!tpu.dma_semaphore, #tpu.memory_space<semaphore_mem>>
      %dma_start3A = arith.constant 0 : i32
      %dma_start3A_9 = tpu.memref_slice %arg3[%add3A_4, %dma_start3A] : memref<512x16xf32, #tpu.memory_space<hbm>> -> memref<16x16xf32, #tpu.memory_space<hbm>>
      %dma_start3A_10 = arith.constant 0 : i32
      %dma_start3A_11 = tpu.memref_slice %arg3[%add3A_4, %dma_start3A_10] : memref<512x16xf32, #tpu.memory_space<hbm>> -> memref<16x16xf32, #tpu.memory_space<hbm>>
      tpu.enqueue_dma source(%dma_start3A_11 : memref<16x16xf32, #tpu.memory_space<hbm>>) target(%arg13 : memref<16x16xf32, #tpu.memory_space<vmem>>) target_semaphore(%run_scoped3A : memref<!tpu.dma_semaphore, #tpu.memory_space<semaphore_mem>>)
      %dma_wait3A = arith.constant 0 : i32
      %dma_wait3A_12 = tpu.memref_slice %arg3[%add3A_4, %dma_wait3A] : memref<512x16xf32, #tpu.memory_space<hbm>> -> memref<16x16xf32, #tpu.memory_space<hbm>>
      %dma_wait3A_13 = arith.constant 0 : i32
      %dma_wait3A_14 = tpu.memref_slice %arg3[%add3A_4, %dma_wait3A_13] : memref<512x16xf32, #tpu.memory_space<hbm>> -> memref<16x16xf32, #tpu.memory_space<hbm>>
      tpu.wait_dma2 semaphore(%run_scoped3A : memref<!tpu.dma_semaphore, #tpu.memory_space<semaphore_mem>>) src(%dma_wait3A_14 : memref<16x16xf32, #tpu.memory_space<hbm>>) dst(%arg13 : memref<16x16xf32, #tpu.memory_space<vmem>>)
      tpu.yield
    }) : () -> ()
    "tpu.region"() ({
      %run_scoped3A = tpu.sem_alloc : memref<!tpu.dma_semaphore, #tpu.memory_space<semaphore_mem>>
      %dma_start3A = tpu.memref_slice %arg4[%add3A_4] : memref<512xi32, #tpu.memory_space<hbm>> -> memref<16xi32, #tpu.memory_space<hbm>>
      %dma_start3A_9 = tpu.memref_slice %arg4[%add3A_4] : memref<512xi32, #tpu.memory_space<hbm>> -> memref<16xi32, #tpu.memory_space<hbm>>
      tpu.enqueue_dma source(%dma_start3A_9 : memref<16xi32, #tpu.memory_space<hbm>>) target(%arg14 : memref<16xi32, #tpu.memory_space<vmem>>) target_semaphore(%run_scoped3A : memref<!tpu.dma_semaphore, #tpu.memory_space<semaphore_mem>>)
      %dma_wait3A = tpu.memref_slice %arg4[%add3A_4] : memref<512xi32, #tpu.memory_space<hbm>> -> memref<16xi32, #tpu.memory_space<hbm>>
      %dma_wait3A_10 = tpu.memref_slice %arg4[%add3A_4] : memref<512xi32, #tpu.memory_space<hbm>> -> memref<16xi32, #tpu.memory_space<hbm>>
      tpu.wait_dma2 semaphore(%run_scoped3A : memref<!tpu.dma_semaphore, #tpu.memory_space<semaphore_mem>>) src(%dma_wait3A_10 : memref<16xi32, #tpu.memory_space<hbm>>) dst(%arg14 : memref<16xi32, #tpu.memory_space<vmem>>)
      tpu.yield
    }) : () -> ()
    %scan3A = arith.constant 0 : i32
    %scan3A_5 = arith.constant 16 : i32
    %scan3A_6 = arith.addi %scan3A, %scan3A_5 : i32
    %scan3A_7 = arith.constant 1 : i32
    scf.for %scan3A_9 = %scan3A to %scan3A_6 step %scan3A_7  : i32 {
      %broadcast_in_dim3A = vector.broadcast %scan3A_9 : i32 to vector<16xi32>
      %gather3A = tpu.vector_load_idx %arg14[%broadcast_in_dim3A] : memref<16xi32, #tpu.memory_space<vmem>>[vector<16xi32>], vector<16xi32>,
      %reduce_max3A = arith.constant true
      %reduce_max3A_10 = vector.broadcast %reduce_max3A : i1 to vector<16xi1>
      %reduce_max3A_11 = arith.constant -2147483648 : i32
      %reduce_max3A_12 = vector.broadcast %reduce_max3A_11 : i32 to vector<16xi32>
      %reduce_max3A_13 = arith.xori %gather3A, %reduce_max3A_12 : vector<16xi32>
      %reduce_max3A_14 = tpu.scan <max>, %reduce_max3A_13 masked %reduce_max3A_10 : vector<16xi32>, vector<16xi1> -> vector<16xi32>
      %reduce_max3A_15 = arith.xori %reduce_max3A_14, %reduce_max3A_12 : vector<16xi32>
      %reduce_max3A_16 = vector.extract %reduce_max3A_15[15] : i32 from vector<16xi32>
      %broadcast_in_dim3A_17 = arith.constant 0 : i32
      %broadcast_in_dim3A_18 = vector.broadcast %broadcast_in_dim3A_17 : i32 to vector<16xi32>
      %gather3A_19 = tpu.vector_load_idx %arg13[%broadcast_in_dim3A, %broadcast_in_dim3A_18] : memref<16x16xf32, #tpu.memory_space<vmem>>[vector<16xi32>, vector<16xi32>], vector<16xf32>,
      %broadcast_in_dim3A_20 = arith.constant 1 : i32
      %broadcast_in_dim3A_21 = vector.broadcast %broadcast_in_dim3A_20 : i32 to vector<16xi32>
      %gather3A_22 = tpu.vector_load_idx %arg13[%broadcast_in_dim3A, %broadcast_in_dim3A_21] : memref<16x16xf32, #tpu.memory_space<vmem>>[vector<16xi32>, vector<16xi32>], vector<16xf32>,
      %broadcast_in_dim3A_23 = arith.constant 2 : i32
      %broadcast_in_dim3A_24 = vector.broadcast %broadcast_in_dim3A_23 : i32 to vector<16xi32>
      %gather3A_25 = tpu.vector_load_idx %arg13[%broadcast_in_dim3A, %broadcast_in_dim3A_24] : memref<16x16xf32, #tpu.memory_space<vmem>>[vector<16xi32>, vector<16xi32>], vector<16xf32>,
      %broadcast_in_dim3A_26 = arith.constant 3 : i32
      %broadcast_in_dim3A_27 = vector.broadcast %broadcast_in_dim3A_26 : i32 to vector<16xi32>
      %gather3A_28 = tpu.vector_load_idx %arg13[%broadcast_in_dim3A, %broadcast_in_dim3A_27] : memref<16x16xf32, #tpu.memory_space<vmem>>[vector<16xi32>, vector<16xi32>], vector<16xf32>,
      %broadcast_in_dim3A_29 = arith.constant 4 : i32
      %broadcast_in_dim3A_30 = vector.broadcast %broadcast_in_dim3A_29 : i32 to vector<16xi32>
      %gather3A_31 = tpu.vector_load_idx %arg13[%broadcast_in_dim3A, %broadcast_in_dim3A_30] : memref<16x16xf32, #tpu.memory_space<vmem>>[vector<16xi32>, vector<16xi32>], vector<16xf32>,
      %broadcast_in_dim3A_32 = arith.constant 5 : i32
      %broadcast_in_dim3A_33 = vector.broadcast %broadcast_in_dim3A_32 : i32 to vector<16xi32>
      %gather3A_34 = tpu.vector_load_idx %arg13[%broadcast_in_dim3A, %broadcast_in_dim3A_33] : memref<16x16xf32, #tpu.memory_space<vmem>>[vector<16xi32>, vector<16xi32>], vector<16xf32>,
      %broadcast_in_dim3A_35 = arith.constant 6 : i32
      %broadcast_in_dim3A_36 = vector.broadcast %broadcast_in_dim3A_35 : i32 to vector<16xi32>
      %gather3A_37 = tpu.vector_load_idx %arg13[%broadcast_in_dim3A, %broadcast_in_dim3A_36] : memref<16x16xf32, #tpu.memory_space<vmem>>[vector<16xi32>, vector<16xi32>], vector<16xf32>,
      %broadcast_in_dim3A_38 = arith.constant 7 : i32
      %broadcast_in_dim3A_39 = vector.broadcast %broadcast_in_dim3A_38 : i32 to vector<16xi32>
      %gather3A_40 = tpu.vector_load_idx %arg13[%broadcast_in_dim3A, %broadcast_in_dim3A_39] : memref<16x16xf32, #tpu.memory_space<vmem>>[vector<16xi32>, vector<16xi32>], vector<16xf32>,
      %broadcast_in_dim3A_41 = arith.constant 8 : i32
      %broadcast_in_dim3A_42 = vector.broadcast %broadcast_in_dim3A_41 : i32 to vector<16xi32>
      %gather3A_43 = tpu.vector_load_idx %arg13[%broadcast_in_dim3A, %broadcast_in_dim3A_42] : memref<16x16xf32, #tpu.memory_space<vmem>>[vector<16xi32>, vector<16xi32>], vector<16xf32>,
      %get3A = arith.constant 0 : index
      %get3A_44 = tpu.vector_load %arg20[%get3A] {strides = array<i32>} : memref<16xf32, #tpu.memory_space<vmem>>, vector<16xf32>,
      %swap3A = arith.index_cast %scan3A_9 : i32 to index
      %swap3A_45 = arith.constant 0 : index
      %swap3A_46 = tpu.vector_load %arg23[%swap3A, %swap3A_45] {strides = array<i32>} : memref<16x16xf32, #tpu.memory_space<vmem>>, vector<16xf32>,
      tpu.vector_store %arg23[%swap3A, %swap3A_45], %get3A_44 {strides = array<i32>} : memref<16x16xf32, #tpu.memory_space<vmem>>, vector<16xf32>,
      %ge3A = arith.constant 4 : i32
      %ge3A_47 = arith.cmpi sge, %reduce_max3A_16, %ge3A : i32
      %convert_element_type3A = arith.extui %ge3A_47 : i1 to i32
      %cond3A = arith.constant 0 : i32
      %cond3A_48 = arith.cmpi ne, %convert_element_type3A, %cond3A : i32
      scf.if %cond3A_48 {
        %scan3A_49 = arith.constant 0 : i32
        %scan3A_50 = arith.constant 64 : i32
        %scan3A_51 = arith.addi %scan3A_49, %scan3A_50 : i32
        %scan3A_52 = arith.constant 1 : i32
        scf.for %scan3A_76 = %scan3A_49 to %scan3A_51 step %scan3A_52  : i32 {
          %broadcast_in_dim3A_77 = arith.constant -3.000000e+38 : f32
          %broadcast_in_dim3A_78 = vector.broadcast %broadcast_in_dim3A_77 : f32 to vector<16xf32>
          %swap3A_79 = arith.index_cast %scan3A_76 : i32 to index
          %swap3A_80 = arith.constant 0 : index
          %swap3A_81 = tpu.vector_load %arg21[%swap3A_79, %swap3A_80] {strides = array<i32>} : memref<64x16xf32, #tpu.memory_space<vmem>>, vector<16xf32>,
          tpu.vector_store %arg21[%swap3A_79, %swap3A_80], %broadcast_in_dim3A_78 {strides = array<i32>} : memref<64x16xf32, #tpu.memory_space<vmem>>, vector<16xf32>,
          %broadcast_in_dim3A_82 = arith.constant 0.000000e+00 : f32
          %broadcast_in_dim3A_83 = vector.broadcast %broadcast_in_dim3A_82 : f32 to vector<16xf32>
          %swap3A_84 = arith.index_cast %scan3A_76 : i32 to index
          %swap3A_85 = arith.constant 0 : index
          %swap3A_86 = tpu.vector_load %arg22[%swap3A_84, %swap3A_85] {strides = array<i32>} : memref<64x16xf32, #tpu.memory_space<vmem>>, vector<16xf32>,
          tpu.vector_store %arg22[%swap3A_84, %swap3A_85], %broadcast_in_dim3A_83 {strides = array<i32>} : memref<64x16xf32, #tpu.memory_space<vmem>>, vector<16xf32>,
        }
        %scan3A_53 = arith.constant 64 : i32
        %add3A_54 = arith.constant 15 : i32
        %add3A_55 = arith.addi %reduce_max3A_16, %add3A_54 : i32
        %shift_right_logical3A = arith.constant 4 : i32
        %shift_right_logical3A_56 = arith.shrui %add3A_55, %shift_right_logical3A : i32
        %while3A = arith.constant 0 : i32
        %while3A_57 = arith.subi %shift_right_logical3A_56, %while3A : i32
        %while3A_58 = arith.addi %while3A, %while3A_57 : i32
        %while3A_59 = arith.constant 1 : i32
        %while3A_60 = arith.divsi %while3A_57, %while3A_59 : i32
        %while3A_61 = arith.muli %while3A_60, %while3A_59 : i32
        %while3A_62 = arith.addi %while3A, %while3A_61 : i32
        %while3A_63 = arith.constant 1 : i32
        scf.for %while3A_76 = %while3A to %while3A_62 step %while3A_63  : i32 {
          %mul3A_77 = arith.constant 16 : i32
          %mul3A_78 = arith.muli %while3A_76, %mul3A_77 : i32
          %add3A_79 = vector.broadcast %mul3A_78 : i32 to vector<16xi32>
          %add3A_80 = arith.addi %add3A_79, %iota3A : vector<16xi32>
          %lt3A = arith.cmpi slt, %add3A_80, %gather3A : vector<16xi32>
          %min3A = arith.constant 255 : i32
          %min3A_81 = vector.broadcast %min3A : i32 to vector<16xi32>
          %min3A_82 = arith.minsi %add3A_80, %min3A_81 : vector<16xi32>
          %mul3A_83 = arith.constant 3 : i32
          %mul3A_84 = vector.broadcast %mul3A_83 : i32 to vector<16xi32>
          %mul3A_85 = arith.muli %min3A_82, %mul3A_84 : vector<16xi32>
          %gather3A_86 = tpu.vector_load_idx %arg12[%broadcast_in_dim3A, %mul3A_85] : memref<16x768xf32, #tpu.memory_space<vmem>>[vector<16xi32>, vector<16xi32>], vector<16xf32>,
          %add3A_87 = arith.constant 1 : i32
          %add3A_88 = vector.broadcast %add3A_87 : i32 to vector<16xi32>
          %add3A_89 = arith.addi %mul3A_85, %add3A_88 : vector<16xi32>
          %gather3A_90 = tpu.vector_load_idx %arg12[%broadcast_in_dim3A, %add3A_89] : memref<16x768xf32, #tpu.memory_space<vmem>>[vector<16xi32>, vector<16xi32>], vector<16xf32>,
          %add3A_91 = arith.constant 2 : i32
          %add3A_92 = vector.broadcast %add3A_91 : i32 to vector<16xi32>
          %add3A_93 = arith.addi %mul3A_85, %add3A_92 : vector<16xi32>
          %gather3A_94 = tpu.vector_load_idx %arg12[%broadcast_in_dim3A, %add3A_93] : memref<16x768xf32, #tpu.memory_space<vmem>>[vector<16xi32>, vector<16xi32>], vector<16xf32>,
          %sub3A = arith.subf %gather3A_86, %gather3A_19 : vector<16xf32>
          %mul3A_95 = arith.mulf %sub3A, %gather3A_28 : vector<16xf32>
          %sub3A_96 = arith.subf %gather3A_90, %gather3A_22 : vector<16xf32>
          %mul3A_97 = arith.mulf %sub3A_96, %gather3A_31 : vector<16xf32>
          %sub3A_98 = arith.subf %gather3A_94, %gather3A_25 : vector<16xf32>
          %mul3A_99 = arith.mulf %sub3A_98, %gather3A_34 : vector<16xf32>
          %convert_element_type3A_100 = arith.sitofp %add3A_80 : vector<16xi32> to vector<16xf32>
          %lt3A_101 = arith.cmpf olt, %convert_element_type3A_100, %gather3A_43 : vector<16xf32>
          %select_n3A = arith.select %lt3A_101, %gather3A_40, %gather3A_37 : vector<16xi1>, vector<16xf32>
          %jit3A = arith.constant 0.000000e+00 : f32
          %broadcast_in_dim3A_102 = vector.broadcast %jit3A : f32 to vector<16xf32>
          %select_n3A_103 = arith.select %lt3A, %select_n3A, %broadcast_in_dim3A_102 : vector<16xi1>, vector<16xf32>
          %get3A_104 = arith.constant 0 : i32
          %get3A_105 = arith.constant 0 : i32
          %get3A_106 = arith.index_cast %get3A_104 : i32 to index
          %get3A_107 = arith.index_cast %get3A_105 : i32 to index
          %get3A_108 = arith.constant 0 : index
          %get3A_109 = tpu.vector_load %arg15[%get3A_106, %get3A_107, %get3A_108] {strides = array<i32>} : memref<3x32x16xf32, #tpu.memory_space<vmem>>, vector<16xf32>,
          %mul3A_110 = arith.mulf %mul3A_95, %get3A_109 : vector<16xf32>
          %get3A_111 = arith.constant 1 : i32
          %get3A_112 = arith.constant 0 : i32
          %get3A_113 = arith.index_cast %get3A_111 : i32 to index
          %get3A_114 = arith.index_cast %get3A_112 : i32 to index
          %get3A_115 = arith.constant 0 : index
          %get3A_116 = tpu.vector_load %arg15[%get3A_113, %get3A_114, %get3A_115] {strides = array<i32>} : memref<3x32x16xf32, #tpu.memory_space<vmem>>, vector<16xf32>,
          %mul3A_117 = arith.mulf %mul3A_97, %get3A_116 : vector<16xf32>
          %add3A_118 = arith.addf %mul3A_110, %mul3A_117 : vector<16xf32>
          %get3A_119 = arith.constant 2 : i32
          %get3A_120 = arith.constant 0 : i32
          %get3A_121 = arith.index_cast %get3A_119 : i32 to index
          %get3A_122 = arith.index_cast %get3A_120 : i32 to index
          %get3A_123 = arith.constant 0 : index
          %get3A_124 = tpu.vector_load %arg15[%get3A_121, %get3A_122, %get3A_123] {strides = array<i32>} : memref<3x32x16xf32, #tpu.memory_space<vmem>>, vector<16xf32>,
          %mul3A_125 = arith.mulf %mul3A_99, %get3A_124 : vector<16xf32>
          %add3A_126 = arith.addf %add3A_118, %mul3A_125 : vector<16xf32>
          %get3A_127 = arith.constant 0 : i32
          %get3A_128 = arith.index_cast %get3A_127 : i32 to index
          %get3A_129 = arith.constant 0 : index
          %get3A_130 = tpu.vector_load %arg16[%get3A_128, %get3A_129] {strides = array<i32>} : memref<32x16xf32, #tpu.memory_space<vmem>>, vector<16xf32>,
          %add3A_131 = arith.addf %add3A_126, %get3A_130 : vector<16xf32>
          %max3A = arith.constant 0.000000e+00 : f32
          %max3A_132 = vector.broadcast %max3A : f32 to vector<16xf32>
          %max3A_133 = arith.maximumf %add3A_131, %max3A_132 : vector<16xf32>
          %get3A_134 = arith.constant 0 : i32
          %get3A_135 = arith.constant 1 : i32
          %get3A_136 = arith.index_cast %get3A_134 : i32 to index
          %get3A_137 = arith.index_cast %get3A_135 : i32 to index
          %get3A_138 = arith.constant 0 : index
          %get3A_139 = tpu.vector_load %arg15[%get3A_136, %get3A_137, %get3A_138] {strides = array<i32>} : memref<3x32x16xf32, #tpu.memory_space<vmem>>, vector<16xf32>,
          %mul3A_140 = arith.mulf %mul3A_95, %get3A_139 : vector<16xf32>
          %get3A_141 = arith.constant 1 : i32
          %get3A_142 = arith.constant 1 : i32
          %get3A_143 = arith.index_cast %get3A_141 : i32 to index
          %get3A_144 = arith.index_cast %get3A_142 : i32 to index
          %get3A_145 = arith.constant 0 : index
          %get3A_146 = tpu.vector_load %arg15[%get3A_143, %get3A_144, %get3A_145] {strides = array<i32>} : memref<3x32x16xf32, #tpu.memory_space<vmem>>, vector<16xf32>,
          %mul3A_147 = arith.mulf %mul3A_97, %get3A_146 : vector<16xf32>
          %add3A_148 = arith.addf %mul3A_140, %mul3A_147 : vector<16xf32>
          %get3A_149 = arith.constant 2 : i32
          %get3A_150 = arith.constant 1 : i32
          %get3A_151 = arith.index_cast %get3A_149 : i32 to index
          %get3A_152 = arith.index_cast %get3A_150 : i32 to index
          %get3A_153 = arith.constant 0 : index
          %get3A_154 = tpu.vector_load %arg15[%get3A_151, %get3A_152, %get3A_153] {strides = array<i32>} : memref<3x32x16xf32, #tpu.memory_space<vmem>>, vector<16xf32>,
          %mul3A_155 = arith.mulf %mul3A_99, %get3A_154 : vector<16xf32>
          %add3A_156 = arith.addf %add3A_148, %mul3A_155 : vector<16xf32>
          %get3A_157 = arith.constant 1 : i32
          %get3A_158 = arith.index_cast %get3A_157 : i32 to index
          %get3A_159 = arith.constant 0 : index
          %get3A_160 = tpu.vector_load %arg16[%get3A_158, %get3A_159] {strides = array<i32>} : memref<32x16xf32, #tpu.memory_space<vmem>>, vector<16xf32>,
          %add3A_161 = arith.addf %add3A_156, %get3A_160 : vector<16xf32>
          %max3A_162 = arith.constant 0.000000e+00 : f32
          %max3A_163 = vector.broadcast %max3A_162 : f32 to vector<16xf32>
          %max3A_164 = arith.maximumf %add3A_161, %max3A_163 : vector<16xf32>
          %get3A_165 = arith.constant 0 : i32
          %get3A_166 = arith.constant 2 : i32
          %get3A_167 = arith.index_cast %get3A_165 : i32 to index
          %get3A_168 = arith.index_cast %get3A_166 : i32 to index
          %get3A_169 = arith.constant 0 : index
          %get3A_170 = tpu.vector_load %arg15[%get3A_167, %get3A_168, %get3A_169] {strides = array<i32>} : memref<3x32x16xf32, #tpu.memory_space<vmem>>, vector<16xf32>,
          %mul3A_171 = arith.mulf %mul3A_95, %get3A_170 : vector<16xf32>
          %get3A_172 = arith.constant 1 : i32
          %get3A_173 = arith.constant 2 : i32
          %get3A_174 = arith.index_cast %get3A_172 : i32 to index
          %get3A_175 = arith.index_cast %get3A_173 : i32 to index
          %get3A_176 = arith.constant 0 : index
          %get3A_177 = tpu.vector_load %arg15[%get3A_174, %get3A_175, %get3A_176] {strides = array<i32>} : memref<3x32x16xf32, #tpu.memory_space<vmem>>, vector<16xf32>,
          %mul3A_178 = arith.mulf %mul3A_97, %get3A_177 : vector<16xf32>
          %add3A_179 = arith.addf %mul3A_171, %mul3A_178 : vector<16xf32>
          %get3A_180 = arith.constant 2 : i32
          %get3A_181 = arith.constant 2 : i32
          %get3A_182 = arith.index_cast %get3A_180 : i32 to index
          %get3A_183 = arith.index_cast %get3A_181 : i32 to index
          %get3A_184 = arith.constant 0 : index
          %get3A_185 = tpu.vector_load %arg15[%get3A_182, %get3A_183, %get3A_184] {strides = array<i32>} : memref<3x32x16xf32, #tpu.memory_space<vmem>>, vector<16xf32>,
          %mul3A_186 = arith.mulf %mul3A_99, %get3A_185 : vector<16xf32>
          %add3A_187 = arith.addf %add3A_179, %mul3A_186 : vector<16xf32>
          %get3A_188 = arith.constant 2 : i32
          %get3A_189 = arith.index_cast %get3A_188 : i32 to index
          %get3A_190 = arith.constant 0 : index
          %get3A_191 = tpu.vector_load %arg16[%get3A_189, %get3A_190] {strides = array<i32>} : memref<32x16xf32, #tpu.memory_space<vmem>>, vector<16xf32>,
          %add3A_192 = arith.addf %add3A_187, %get3A_191 : vector<16xf32>
          %max3A_193 = arith.constant 0.000000e+00 : f32
          %max3A_194 = vector.broadcast %max3A_193 : f32 to vector<16xf32>
          %max3A_195 = arith.maximumf %add3A_192, %max3A_194 : vector<16xf32>
          %get3A_196 = arith.constant 0 : i32
          %get3A_197 = arith.constant 3 : i32
          %get3A_198 = arith.index_cast %get3A_196 : i32 to index
          %get3A_199 = arith.index_cast %get3A_197 : i32 to index
          %get3A_200 = arith.constant 0 : index
          %get3A_201 = tpu.vector_load %arg15[%get3A_198, %get3A_199, %get3A_200] {strides = array<i32>} : memref<3x32x16xf32, #tpu.memory_space<vmem>>, vector<16xf32>,
          %mul3A_202 = arith.mulf %mul3A_95, %get3A_201 : vector<16xf32>
          %get3A_203 = arith.constant 1 : i32
          %get3A_204 = arith.constant 3 : i32
          %get3A_205 = arith.index_cast %get3A_203 : i32 to index
          %get3A_206 = arith.index_cast %get3A_204 : i32 to index
          %get3A_207 = arith.constant 0 : index
          %get3A_208 = tpu.vector_load %arg15[%get3A_205, %get3A_206, %get3A_207] {strides = array<i32>} : memref<3x32x16xf32, #tpu.memory_space<vmem>>, vector<16xf32>,
          %mul3A_209 = arith.mulf %mul3A_97, %get3A_208 : vector<16xf32>
          %add3A_210 = arith.addf %mul3A_202, %mul3A_209 : vector<16xf32>
          %get3A_211 = arith.constant 2 : i32
          %get3A_212 = arith.constant 3 : i32
          %get3A_213 = arith.index_cast %get3A_211 : i32 to index
          %get3A_214 = arith.index_cast %get3A_212 : i32 to index
          %get3A_215 = arith.constant 0 : index
          %get3A_216 = tpu.vector_load %arg15[%get3A_213, %get3A_214, %get3A_215] {strides = array<i32>} : memref<3x32x16xf32, #tpu.memory_space<vmem>>, vector<16xf32>,
          %mul3A_217 = arith.mulf %mul3A_99, %get3A_216 : vector<16xf32>
          %add3A_218 = arith.addf %add3A_210, %mul3A_217 : vector<16xf32>
          %get3A_219 = arith.constant 3 : i32
          %get3A_220 = arith.index_cast %get3A_219 : i32 to index
          %get3A_221 = arith.constant 0 : index
          %get3A_222 = tpu.vector_load %arg16[%get3A_220, %get3A_221] {strides = array<i32>} : memref<32x16xf32, #tpu.memory_space<vmem>>, vector<16xf32>,
          %add3A_223 = arith.addf %add3A_218, %get3A_222 : vector<16xf32>
          %max3A_224 = arith.constant 0.000000e+00 : f32
          %max3A_225 = vector.broadcast %max3A_224 : f32 to vector<16xf32>
          %max3A_226 = arith.maximumf %add3A_223, %max3A_225 : vector<16xf32>
          %get3A_227 = arith.constant 0 : i32
          %get3A_228 = arith.constant 4 : i32
          %get3A_229 = arith.index_cast %get3A_227 : i32 to index
          %get3A_230 = arith.index_cast %get3A_228 : i32 to index
          %get3A_231 = arith.constant 0 : index
          %get3A_232 = tpu.vector_load %arg15[%get3A_229, %get3A_230, %get3A_231] {strides = array<i32>} : memref<3x32x16xf32, #tpu.memory_space<vmem>>, vector<16xf32>,
          %mul3A_233 = arith.mulf %mul3A_95, %get3A_232 : vector<16xf32>
          %get3A_234 = arith.constant 1 : i32
          %get3A_235 = arith.constant 4 : i32
          %get3A_236 = arith.index_cast %get3A_234 : i32 to index
          %get3A_237 = arith.index_cast %get3A_235 : i32 to index
          %get3A_238 = arith.constant 0 : index
          %get3A_239 = tpu.vector_load %arg15[%get3A_236, %get3A_237, %get3A_238] {strides = array<i32>} : memref<3x32x16xf32, #tpu.memory_space<vmem>>, vector<16xf32>,
          %mul3A_240 = arith.mulf %mul3A_97, %get3A_239 : vector<16xf32>
          %add3A_241 = arith.addf %mul3A_233, %mul3A_240 : vector<16xf32>
          %get3A_242 = arith.constant 2 : i32
          %get3A_243 = arith.constant 4 : i32
          %get3A_244 = arith.index_cast %get3A_242 : i32 to index
          %get3A_245 = arith.index_cast %get3A_243 : i32 to index
          %get3A_246 = arith.constant 0 : index
          %get3A_247 = tpu.vector_load %arg15[%get3A_244, %get3A_245, %get3A_246] {strides = array<i32>} : memref<3x32x16xf32, #tpu.memory_space<vmem>>, vector<16xf32>,
          %mul3A_248 = arith.mulf %mul3A_99, %get3A_247 : vector<16xf32>
          %add3A_249 = arith.addf %add3A_241, %mul3A_248 : vector<16xf32>
          %get3A_250 = arith.constant 4 : i32
          %get3A_251 = arith.index_cast %get3A_250 : i32 to index
          %get3A_252 = arith.constant 0 : index
          %get3A_253 = tpu.vector_load %arg16[%get3A_251, %get3A_252] {strides = array<i32>} : memref<32x16xf32, #tpu.memory_space<vmem>>, vector<16xf32>,
          %add3A_254 = arith.addf %add3A_249, %get3A_253 : vector<16xf32>
          %max3A_255 = arith.constant 0.000000e+00 : f32
          %max3A_256 = vector.broadcast %max3A_255 : f32 to vector<16xf32>
          %max3A_257 = arith.maximumf %add3A_254, %max3A_256 : vector<16xf32>
          %get3A_258 = arith.constant 0 : i32
          %get3A_259 = arith.constant 5 : i32
          %get3A_260 = arith.index_cast %get3A_258 : i32 to index
          %get3A_261 = arith.index_cast %get3A_259 : i32 to index
          %get3A_262 = arith.constant 0 : index
          %get3A_263 = tpu.vector_load %arg15[%get3A_260, %get3A_261, %get3A_262] {strides = array<i32>} : memref<3x32x16xf32, #tpu.memory_space<vmem>>, vector<16xf32>,
          %mul3A_264 = arith.mulf %mul3A_95, %get3A_263 : vector<16xf32>
          %get3A_265 = arith.constant 1 : i32
          %get3A_266 = arith.constant 5 : i32
          %get3A_267 = arith.index_cast %get3A_265 : i32 to index
          %get3A_268 = arith.index_cast %get3A_266 : i32 to index
          %get3A_269 = arith.constant 0 : index
          %get3A_270 = tpu.vector_load %arg15[%get3A_267, %get3A_268, %get3A_269] {strides = array<i32>} : memref<3x32x16xf32, #tpu.memory_space<vmem>>, vector<16xf32>,
          %mul3A_271 = arith.mulf %mul3A_97, %get3A_270 : vector<16xf32>
          %add3A_272 = arith.addf %mul3A_264, %mul3A_271 : vector<16xf32>
          %get3A_273 = arith.constant 2 : i32
          %get3A_274 = arith.constant 5 : i32
          %get3A_275 = arith.index_cast %get3A_273 : i32 to index
          %get3A_276 = arith.index_cast %get3A_274 : i32 to index
          %get3A_277 = arith.constant 0 : index
          %get3A_278 = tpu.vector_load %arg15[%get3A_275, %get3A_276, %get3A_277] {strides = array<i32>} : memref<3x32x16xf32, #tpu.memory_space<vmem>>, vector<16xf32>,
          %mul3A_279 = arith.mulf %mul3A_99, %get3A_278 : vector<16xf32>
          %add3A_280 = arith.addf %add3A_272, %mul3A_279 : vector<16xf32>
          %get3A_281 = arith.constant 5 : i32
          %get3A_282 = arith.index_cast %get3A_281 : i32 to index
          %get3A_283 = arith.constant 0 : index
          %get3A_284 = tpu.vector_load %arg16[%get3A_282, %get3A_283] {strides = array<i32>} : memref<32x16xf32, #tpu.memory_space<vmem>>, vector<16xf32>,
          %add3A_285 = arith.addf %add3A_280, %get3A_284 : vector<16xf32>
          %max3A_286 = arith.constant 0.000000e+00 : f32
          %max3A_287 = vector.broadcast %max3A_286 : f32 to vector<16xf32>
          %max3A_288 = arith.maximumf %add3A_285, %max3A_287 : vector<16xf32>
          %get3A_289 = arith.constant 0 : i32
          %get3A_290 = arith.constant 6 : i32
          %get3A_291 = arith.index_cast %get3A_289 : i32 to index
          %get3A_292 = arith.index_cast %get3A_290 : i32 to index
          %get3A_293 = arith.constant 0 : index
          %get3A_294 = tpu.vector_load %arg15[%get3A_291, %get3A_292, %get3A_293] {strides = array<i32>} : memref<3x32x16xf32, #tpu.memory_space<vmem>>, vector<16xf32>,
          %mul3A_295 = arith.mulf %mul3A_95, %get3A_294 : vector<16xf32>
          %get3A_296 = arith.constant 1 : i32
          %get3A_297 = arith.constant 6 : i32
          %get3A_298 = arith.index_cast %get3A_296 : i32 to index
          %get3A_299 = arith.index_cast %get3A_297 : i32 to index
          %get3A_300 = arith.constant 0 : index
          %get3A_301 = tpu.vector_load %arg15[%get3A_298, %get3A_299, %get3A_300] {strides = array<i32>} : memref<3x32x16xf32, #tpu.memory_space<vmem>>, vector<16xf32>,
          %mul3A_302 = arith.mulf %mul3A_97, %get3A_301 : vector<16xf32>
          %add3A_303 = arith.addf %mul3A_295, %mul3A_302 : vector<16xf32>
          %get3A_304 = arith.constant 2 : i32
          %get3A_305 = arith.constant 6 : i32
          %get3A_306 = arith.index_cast %get3A_304 : i32 to index
          %get3A_307 = arith.index_cast %get3A_305 : i32 to index
          %get3A_308 = arith.constant 0 : index
          %get3A_309 = tpu.vector_load %arg15[%get3A_306, %get3A_307, %get3A_308] {strides = array<i32>} : memref<3x32x16xf32, #tpu.memory_space<vmem>>, vector<16xf32>,
          %mul3A_310 = arith.mulf %mul3A_99, %get3A_309 : vector<16xf32>
          %add3A_311 = arith.addf %add3A_303, %mul3A_310 : vector<16xf32>
          %get3A_312 = arith.constant 6 : i32
          %get3A_313 = arith.index_cast %get3A_312 : i32 to index
          %get3A_314 = arith.constant 0 : index
          %get3A_315 = tpu.vector_load %arg16[%get3A_313, %get3A_314] {strides = array<i32>} : memref<32x16xf32, #tpu.memory_space<vmem>>, vector<16xf32>,
          %add3A_316 = arith.addf %add3A_311, %get3A_315 : vector<16xf32>
          %max3A_317 = arith.constant 0.000000e+00 : f32
          %max3A_318 = vector.broadcast %max3A_317 : f32 to vector<16xf32>
          %max3A_319 = arith.maximumf %add3A_316, %max3A_318 : vector<16xf32>
          %get3A_320 = arith.constant 0 : i32
          %get3A_321 = arith.constant 7 : i32
          %get3A_322 = arith.index_cast %get3A_320 : i32 to index
          %get3A_323 = arith.index_cast %get3A_321 : i32 to index
          %get3A_324 = arith.constant 0 : index
          %get3A_325 = tpu.vector_load %arg15[%get3A_322, %get3A_323, %get3A_324] {strides = array<i32>} : memref<3x32x16xf32, #tpu.memory_space<vmem>>, vector<16xf32>,
          %mul3A_326 = arith.mulf %mul3A_95, %get3A_325 : vector<16xf32>
          %get3A_327 = arith.constant 1 : i32
          %get3A_328 = arith.constant 7 : i32
          %get3A_329 = arith.index_cast %get3A_327 : i32 to index
          %get3A_330 = arith.index_cast %get3A_328 : i32 to index
          %get3A_331 = arith.constant 0 : index
          %get3A_332 = tpu.vector_load %arg15[%get3A_329, %get3A_330, %get3A_331] {strides = array<i32>} : memref<3x32x16xf32, #tpu.memory_space<vmem>>, vector<16xf32>,
          %mul3A_333 = arith.mulf %mul3A_97, %get3A_332 : vector<16xf32>
          %add3A_334 = arith.addf %mul3A_326, %mul3A_333 : vector<16xf32>
          %get3A_335 = arith.constant 2 : i32
          %get3A_336 = arith.constant 7 : i32
          %get3A_337 = arith.index_cast %get3A_335 : i32 to index
          %get3A_338 = arith.index_cast %get3A_336 : i32 to index
          %get3A_339 = arith.constant 0 : index
          %get3A_340 = tpu.vector_load %arg15[%get3A_337, %get3A_338, %get3A_339] {strides = array<i32>} : memref<3x32x16xf32, #tpu.memory_space<vmem>>, vector<16xf32>,
          %mul3A_341 = arith.mulf %mul3A_99, %get3A_340 : vector<16xf32>
          %add3A_342 = arith.addf %add3A_334, %mul3A_341 : vector<16xf32>
          %get3A_343 = arith.constant 7 : i32
          %get3A_344 = arith.index_cast %get3A_343 : i32 to index
          %get3A_345 = arith.constant 0 : index
          %get3A_346 = tpu.vector_load %arg16[%get3A_344, %get3A_345] {strides = array<i32>} : memref<32x16xf32, #tpu.memory_space<vmem>>, vector<16xf32>,
          %add3A_347 = arith.addf %add3A_342, %get3A_346 : vector<16xf32>
          %max3A_348 = arith.constant 0.000000e+00 : f32
          %max3A_349 = vector.broadcast %max3A_348 : f32 to vector<16xf32>
          %max3A_350 = arith.maximumf %add3A_347, %max3A_349 : vector<16xf32>
          %get3A_351 = arith.constant 0 : i32
          %get3A_352 = arith.constant 8 : i32
          %get3A_353 = arith.index_cast %get3A_351 : i32 to index
          %get3A_354 = arith.index_cast %get3A_352 : i32 to index
          %get3A_355 = arith.constant 0 : index
          %get3A_356 = tpu.vector_load %arg15[%get3A_353, %get3A_354, %get3A_355] {strides = array<i32>} : memref<3x32x16xf32, #tpu.memory_space<vmem>>, vector<16xf32>,
          %mul3A_357 = arith.mulf %mul3A_95, %get3A_356 : vector<16xf32>
          %get3A_358 = arith.constant 1 : i32
          %get3A_359 = arith.constant 8 : i32
          %get3A_360 = arith.index_cast %get3A_358 : i32 to index
          %get3A_361 = arith.index_cast %get3A_359 : i32 to index
          %get3A_362 = arith.constant 0 : index
          %get3A_363 = tpu.vector_load %arg15[%get3A_360, %get3A_361, %get3A_362] {strides = array<i32>} : memref<3x32x16xf32, #tpu.memory_space<vmem>>, vector<16xf32>,
          %mul3A_364 = arith.mulf %mul3A_97, %get3A_363 : vector<16xf32>
          %add3A_365 = arith.addf %mul3A_357, %mul3A_364 : vector<16xf32>
          %get3A_366 = arith.constant 2 : i32
          %get3A_367 = arith.constant 8 : i32
          %get3A_368 = arith.index_cast %get3A_366 : i32 to index
          %get3A_369 = arith.index_cast %get3A_367 : i32 to index
          %get3A_370 = arith.constant 0 : index
          %get3A_371 = tpu.vector_load %arg15[%get3A_368, %get3A_369, %get3A_370] {strides = array<i32>} : memref<3x32x16xf32, #tpu.memory_space<vmem>>, vector<16xf32>,
          %mul3A_372 = arith.mulf %mul3A_99, %get3A_371 : vector<16xf32>
          %add3A_373 = arith.addf %add3A_365, %mul3A_372 : vector<16xf32>
          %get3A_374 = arith.constant 8 : i32
          %get3A_375 = arith.index_cast %get3A_374 : i32 to index
          %get3A_376 = arith.constant 0 : index
          %get3A_377 = tpu.vector_load %arg16[%get3A_375, %get3A_376] {strides = array<i32>} : memref<32x16xf32, #tpu.memory_space<vmem>>, vector<16xf32>,
          %add3A_378 = arith.addf %add3A_373, %get3A_377 : vector<16xf32>
          %max3A_379 = arith.constant 0.000000e+00 : f32
          %max3A_380 = vector.broadcast %max3A_379 : f32 to vector<16xf32>
          %max3A_381 = arith.maximumf %add3A_378, %max3A_380 : vector<16xf32>
          %get3A_382 = arith.constant 0 : i32
          %get3A_383 = arith.constant 9 : i32
          %get3A_384 = arith.index_cast %get3A_382 : i32 to index
          %get3A_385 = arith.index_cast %get3A_383 : i32 to index
          %get3A_386 = arith.constant 0 : index
          %get3A_387 = tpu.vector_load %arg15[%get3A_384, %get3A_385, %get3A_386] {strides = array<i32>} : memref<3x32x16xf32, #tpu.memory_space<vmem>>, vector<16xf32>,
          %mul3A_388 = arith.mulf %mul3A_95, %get3A_387 : vector<16xf32>
          %get3A_389 = arith.constant 1 : i32
          %get3A_390 = arith.constant 9 : i32
          %get3A_391 = arith.index_cast %get3A_389 : i32 to index
          %get3A_392 = arith.index_cast %get3A_390 : i32 to index
          %get3A_393 = arith.constant 0 : index
          %get3A_394 = tpu.vector_load %arg15[%get3A_391, %get3A_392, %get3A_393] {strides = array<i32>} : memref<3x32x16xf32, #tpu.memory_space<vmem>>, vector<16xf32>,
          %mul3A_395 = arith.mulf %mul3A_97, %get3A_394 : vector<16xf32>
          %add3A_396 = arith.addf %mul3A_388, %mul3A_395 : vector<16xf32>
          %get3A_397 = arith.constant 2 : i32
          %get3A_398 = arith.constant 9 : i32
          %get3A_399 = arith.index_cast %get3A_397 : i32 to index
          %get3A_400 = arith.index_cast %get3A_398 : i32 to index
          %get3A_401 = arith.constant 0 : index
          %get3A_402 = tpu.vector_load %arg15[%get3A_399, %get3A_400, %get3A_401] {strides = array<i32>} : memref<3x32x16xf32, #tpu.memory_space<vmem>>, vector<16xf32>,
          %mul3A_403 = arith.mulf %mul3A_99, %get3A_402 : vector<16xf32>
          %add3A_404 = arith.addf %add3A_396, %mul3A_403 : vector<16xf32>
          %get3A_405 = arith.constant 9 : i32
          %get3A_406 = arith.index_cast %get3A_405 : i32 to index
          %get3A_407 = arith.constant 0 : index
          %get3A_408 = tpu.vector_load %arg16[%get3A_406, %get3A_407] {strides = array<i32>} : memref<32x16xf32, #tpu.memory_space<vmem>>, vector<16xf32>,
          %add3A_409 = arith.addf %add3A_404, %get3A_408 : vector<16xf32>
          %max3A_410 = arith.constant 0.000000e+00 : f32
          %max3A_411 = vector.broadcast %max3A_410 : f32 to vector<16xf32>
          %max3A_412 = arith.maximumf %add3A_409, %max3A_411 : vector<16xf32>
          %get3A_413 = arith.constant 0 : i32
          %get3A_414 = arith.constant 10 : i32
          %get3A_415 = arith.index_cast %get3A_413 : i32 to index
          %get3A_416 = arith.index_cast %get3A_414 : i32 to index
          %get3A_417 = arith.constant 0 : index
          %get3A_418 = tpu.vector_load %arg15[%get3A_415, %get3A_416, %get3A_417] {strides = array<i32>} : memref<3x32x16xf32, #tpu.memory_space<vmem>>, vector<16xf32>,
          %mul3A_419 = arith.mulf %mul3A_95, %get3A_418 : vector<16xf32>
          %get3A_420 = arith.constant 1 : i32
          %get3A_421 = arith.constant 10 : i32
          %get3A_422 = arith.index_cast %get3A_420 : i32 to index
          %get3A_423 = arith.index_cast %get3A_421 : i32 to index
          %get3A_424 = arith.constant 0 : index
          %get3A_425 = tpu.vector_load %arg15[%get3A_422, %get3A_423, %get3A_424] {strides = array<i32>} : memref<3x32x16xf32, #tpu.memory_space<vmem>>, vector<16xf32>,
          %mul3A_426 = arith.mulf %mul3A_97, %get3A_425 : vector<16xf32>
          %add3A_427 = arith.addf %mul3A_419, %mul3A_426 : vector<16xf32>
          %get3A_428 = arith.constant 2 : i32
          %get3A_429 = arith.constant 10 : i32
          %get3A_430 = arith.index_cast %get3A_428 : i32 to index
          %get3A_431 = arith.index_cast %get3A_429 : i32 to index
          %get3A_432 = arith.constant 0 : index
          %get3A_433 = tpu.vector_load %arg15[%get3A_430, %get3A_431, %get3A_432] {strides = array<i32>} : memref<3x32x16xf32, #tpu.memory_space<vmem>>, vector<16xf32>,
          %mul3A_434 = arith.mulf %mul3A_99, %get3A_433 : vector<16xf32>
          %add3A_435 = arith.addf %add3A_427, %mul3A_434 : vector<16xf32>
          %get3A_436 = arith.constant 10 : i32
          %get3A_437 = arith.index_cast %get3A_436 : i32 to index
          %get3A_438 = arith.constant 0 : index
          %get3A_439 = tpu.vector_load %arg16[%get3A_437, %get3A_438] {strides = array<i32>} : memref<32x16xf32, #tpu.memory_space<vmem>>, vector<16xf32>,
          %add3A_440 = arith.addf %add3A_435, %get3A_439 : vector<16xf32>
          %max3A_441 = arith.constant 0.000000e+00 : f32
          %max3A_442 = vector.broadcast %max3A_441 : f32 to vector<16xf32>
          %max3A_443 = arith.maximumf %add3A_440, %max3A_442 : vector<16xf32>
          %get3A_444 = arith.constant 0 : i32
          %get3A_445 = arith.constant 11 : i32
          %get3A_446 = arith.index_cast %get3A_444 : i32 to index
          %get3A_447 = arith.index_cast %get3A_445 : i32 to index
          %get3A_448 = arith.constant 0 : index
          %get3A_449 = tpu.vector_load %arg15[%get3A_446, %get3A_447, %get3A_448] {strides = array<i32>} : memref<3x32x16xf32, #tpu.memory_space<vmem>>, vector<16xf32>,
          %mul3A_450 = arith.mulf %mul3A_95, %get3A_449 : vector<16xf32>
          %get3A_451 = arith.constant 1 : i32
          %get3A_452 = arith.constant 11 : i32
          %get3A_453 = arith.index_cast %get3A_451 : i32 to index
          %get3A_454 = arith.index_cast %get3A_452 : i32 to index
          %get3A_455 = arith.constant 0 : index
          %get3A_456 = tpu.vector_load %arg15[%get3A_453, %get3A_454, %get3A_455] {strides = array<i32>} : memref<3x32x16xf32, #tpu.memory_space<vmem>>, vector<16xf32>,
          %mul3A_457 = arith.mulf %mul3A_97, %get3A_456 : vector<16xf32>
          %add3A_458 = arith.addf %mul3A_450, %mul3A_457 : vector<16xf32>
          %get3A_459 = arith.constant 2 : i32
          %get3A_460 = arith.constant 11 : i32
          %get3A_461 = arith.index_cast %get3A_459 : i32 to index
          %get3A_462 = arith.index_cast %get3A_460 : i32 to index
          %get3A_463 = arith.constant 0 : index
          %get3A_464 = tpu.vector_load %arg15[%get3A_461, %get3A_462, %get3A_463] {strides = array<i32>} : memref<3x32x16xf32, #tpu.memory_space<vmem>>, vector<16xf32>,
          %mul3A_465 = arith.mulf %mul3A_99, %get3A_464 : vector<16xf32>
          %add3A_466 = arith.addf %add3A_458, %mul3A_465 : vector<16xf32>
          %get3A_467 = arith.constant 11 : i32
          %get3A_468 = arith.index_cast %get3A_467 : i32 to index
          %get3A_469 = arith.constant 0 : index
          %get3A_470 = tpu.vector_load %arg16[%get3A_468, %get3A_469] {strides = array<i32>} : memref<32x16xf32, #tpu.memory_space<vmem>>, vector<16xf32>,
          %add3A_471 = arith.addf %add3A_466, %get3A_470 : vector<16xf32>
          %max3A_472 = arith.constant 0.000000e+00 : f32
          %max3A_473 = vector.broadcast %max3A_472 : f32 to vector<16xf32>
          %max3A_474 = arith.maximumf %add3A_471, %max3A_473 : vector<16xf32>
          %get3A_475 = arith.constant 0 : i32
          %get3A_476 = arith.constant 12 : i32
          %get3A_477 = arith.index_cast %get3A_475 : i32 to index
          %get3A_478 = arith.index_cast %get3A_476 : i32 to index
          %get3A_479 = arith.constant 0 : index
          %get3A_480 = tpu.vector_load %arg15[%get3A_477, %get3A_478, %get3A_479] {strides = array<i32>} : memref<3x32x16xf32, #tpu.memory_space<vmem>>, vector<16xf32>,
          %mul3A_481 = arith.mulf %mul3A_95, %get3A_480 : vector<16xf32>
          %get3A_482 = arith.constant 1 : i32
          %get3A_483 = arith.constant 12 : i32
          %get3A_484 = arith.index_cast %get3A_482 : i32 to index
          %get3A_485 = arith.index_cast %get3A_483 : i32 to index
          %get3A_486 = arith.constant 0 : index
          %get3A_487 = tpu.vector_load %arg15[%get3A_484, %get3A_485, %get3A_486] {strides = array<i32>} : memref<3x32x16xf32, #tpu.memory_space<vmem>>, vector<16xf32>,
          %mul3A_488 = arith.mulf %mul3A_97, %get3A_487 : vector<16xf32>
          %add3A_489 = arith.addf %mul3A_481, %mul3A_488 : vector<16xf32>
          %get3A_490 = arith.constant 2 : i32
          %get3A_491 = arith.constant 12 : i32
          %get3A_492 = arith.index_cast %get3A_490 : i32 to index
          %get3A_493 = arith.index_cast %get3A_491 : i32 to index
          %get3A_494 = arith.constant 0 : index
          %get3A_495 = tpu.vector_load %arg15[%get3A_492, %get3A_493, %get3A_494] {strides = array<i32>} : memref<3x32x16xf32, #tpu.memory_space<vmem>>, vector<16xf32>,
          %mul3A_496 = arith.mulf %mul3A_99, %get3A_495 : vector<16xf32>
          %add3A_497 = arith.addf %add3A_489, %mul3A_496 : vector<16xf32>
          %get3A_498 = arith.constant 12 : i32
          %get3A_499 = arith.index_cast %get3A_498 : i32 to index
          %get3A_500 = arith.constant 0 : index
          %get3A_501 = tpu.vector_load %arg16[%get3A_499, %get3A_500] {strides = array<i32>} : memref<32x16xf32, #tpu.memory_space<vmem>>, vector<16xf32>,
          %add3A_502 = arith.addf %add3A_497, %get3A_501 : vector<16xf32>
          %max3A_503 = arith.constant 0.000000e+00 : f32
          %max3A_504 = vector.broadcast %max3A_503 : f32 to vector<16xf32>
          %max3A_505 = arith.maximumf %add3A_502, %max3A_504 : vector<16xf32>
          %get3A_506 = arith.constant 0 : i32
          %get3A_507 = arith.constant 13 : i32
          %get3A_508 = arith.index_cast %get3A_506 : i32 to index
          %get3A_509 = arith.index_cast %get3A_507 : i32 to index
          %get3A_510 = arith.constant 0 : index
          %get3A_511 = tpu.vector_load %arg15[%get3A_508, %get3A_509, %get3A_510] {strides = array<i32>} : memref<3x32x16xf32, #tpu.memory_space<vmem>>, vector<16xf32>,
          %mul3A_512 = arith.mulf %mul3A_95, %get3A_511 : vector<16xf32>
          %get3A_513 = arith.constant 1 : i32
          %get3A_514 = arith.constant 13 : i32
          %get3A_515 = arith.index_cast %get3A_513 : i32 to index
          %get3A_516 = arith.index_cast %get3A_514 : i32 to index
          %get3A_517 = arith.constant 0 : index
          %get3A_518 = tpu.vector_load %arg15[%get3A_515, %get3A_516, %get3A_517] {strides = array<i32>} : memref<3x32x16xf32, #tpu.memory_space<vmem>>, vector<16xf32>,
          %mul3A_519 = arith.mulf %mul3A_97, %get3A_518 : vector<16xf32>
          %add3A_520 = arith.addf %mul3A_512, %mul3A_519 : vector<16xf32>
          %get3A_521 = arith.constant 2 : i32
          %get3A_522 = arith.constant 13 : i32
          %get3A_523 = arith.index_cast %get3A_521 : i32 to index
          %get3A_524 = arith.index_cast %get3A_522 : i32 to index
          %get3A_525 = arith.constant 0 : index
          %get3A_526 = tpu.vector_load %arg15[%get3A_523, %get3A_524, %get3A_525] {strides = array<i32>} : memref<3x32x16xf32, #tpu.memory_space<vmem>>, vector<16xf32>,
          %mul3A_527 = arith.mulf %mul3A_99, %get3A_526 : vector<16xf32>
          %add3A_528 = arith.addf %add3A_520, %mul3A_527 : vector<16xf32>
          %get3A_529 = arith.constant 13 : i32
          %get3A_530 = arith.index_cast %get3A_529 : i32 to index
          %get3A_531 = arith.constant 0 : index
          %get3A_532 = tpu.vector_load %arg16[%get3A_530, %get3A_531] {strides = array<i32>} : memref<32x16xf32, #tpu.memory_space<vmem>>, vector<16xf32>,
          %add3A_533 = arith.addf %add3A_528, %get3A_532 : vector<16xf32>
          %max3A_534 = arith.constant 0.000000e+00 : f32
          %max3A_535 = vector.broadcast %max3A_534 : f32 to vector<16xf32>
          %max3A_536 = arith.maximumf %add3A_533, %max3A_535 : vector<16xf32>
          %get3A_537 = arith.constant 0 : i32
          %get3A_538 = arith.constant 14 : i32
          %get3A_539 = arith.index_cast %get3A_537 : i32 to index
          %get3A_540 = arith.index_cast %get3A_538 : i32 to index
          %get3A_541 = arith.constant 0 : index
          %get3A_542 = tpu.vector_load %arg15[%get3A_539, %get3A_540, %get3A_541] {strides = array<i32>} : memref<3x32x16xf32, #tpu.memory_space<vmem>>, vector<16xf32>,
          %mul3A_543 = arith.mulf %mul3A_95, %get3A_542 : vector<16xf32>
          %get3A_544 = arith.constant 1 : i32
          %get3A_545 = arith.constant 14 : i32
          %get3A_546 = arith.index_cast %get3A_544 : i32 to index
          %get3A_547 = arith.index_cast %get3A_545 : i32 to index
          %get3A_548 = arith.constant 0 : index
          %get3A_549 = tpu.vector_load %arg15[%get3A_546, %get3A_547, %get3A_548] {strides = array<i32>} : memref<3x32x16xf32, #tpu.memory_space<vmem>>, vector<16xf32>,
          %mul3A_550 = arith.mulf %mul3A_97, %get3A_549 : vector<16xf32>
          %add3A_551 = arith.addf %mul3A_543, %mul3A_550 : vector<16xf32>
          %get3A_552 = arith.constant 2 : i32
          %get3A_553 = arith.constant 14 : i32
          %get3A_554 = arith.index_cast %get3A_552 : i32 to index
          %get3A_555 = arith.index_cast %get3A_553 : i32 to index
          %get3A_556 = arith.constant 0 : index
          %get3A_557 = tpu.vector_load %arg15[%get3A_554, %get3A_555, %get3A_556] {strides = array<i32>} : memref<3x32x16xf32, #tpu.memory_space<vmem>>, vector<16xf32>,
          %mul3A_558 = arith.mulf %mul3A_99, %get3A_557 : vector<16xf32>
          %add3A_559 = arith.addf %add3A_551, %mul3A_558 : vector<16xf32>
          %get3A_560 = arith.constant 14 : i32
          %get3A_561 = arith.index_cast %get3A_560 : i32 to index
          %get3A_562 = arith.constant 0 : index
          %get3A_563 = tpu.vector_load %arg16[%get3A_561, %get3A_562] {strides = array<i32>} : memref<32x16xf32, #tpu.memory_space<vmem>>, vector<16xf32>,
          %add3A_564 = arith.addf %add3A_559, %get3A_563 : vector<16xf32>
          %max3A_565 = arith.constant 0.000000e+00 : f32
          %max3A_566 = vector.broadcast %max3A_565 : f32 to vector<16xf32>
          %max3A_567 = arith.maximumf %add3A_564, %max3A_566 : vector<16xf32>
          %get3A_568 = arith.constant 0 : i32
          %get3A_569 = arith.constant 15 : i32
          %get3A_570 = arith.index_cast %get3A_568 : i32 to index
          %get3A_571 = arith.index_cast %get3A_569 : i32 to index
          %get3A_572 = arith.constant 0 : index
          %get3A_573 = tpu.vector_load %arg15[%get3A_570, %get3A_571, %get3A_572] {strides = array<i32>} : memref<3x32x16xf32, #tpu.memory_space<vmem>>, vector<16xf32>,
          %mul3A_574 = arith.mulf %mul3A_95, %get3A_573 : vector<16xf32>
          %get3A_575 = arith.constant 1 : i32
          %get3A_576 = arith.constant 15 : i32
          %get3A_577 = arith.index_cast %get3A_575 : i32 to index
          %get3A_578 = arith.index_cast %get3A_576 : i32 to index
          %get3A_579 = arith.constant 0 : index
          %get3A_580 = tpu.vector_load %arg15[%get3A_577, %get3A_578, %get3A_579] {strides = array<i32>} : memref<3x32x16xf32, #tpu.memory_space<vmem>>, vector<16xf32>,
          %mul3A_581 = arith.mulf %mul3A_97, %get3A_580 : vector<16xf32>
          %add3A_582 = arith.addf %mul3A_574, %mul3A_581 : vector<16xf32>
          %get3A_583 = arith.constant 2 : i32
          %get3A_584 = arith.constant 15 : i32
          %get3A_585 = arith.index_cast %get3A_583 : i32 to index
          %get3A_586 = arith.index_cast %get3A_584 : i32 to index
          %get3A_587 = arith.constant 0 : index
          %get3A_588 = tpu.vector_load %arg15[%get3A_585, %get3A_586, %get3A_587] {strides = array<i32>} : memref<3x32x16xf32, #tpu.memory_space<vmem>>, vector<16xf32>,
          %mul3A_589 = arith.mulf %mul3A_99, %get3A_588 : vector<16xf32>
          %add3A_590 = arith.addf %add3A_582, %mul3A_589 : vector<16xf32>
          %get3A_591 = arith.constant 15 : i32
          %get3A_592 = arith.index_cast %get3A_591 : i32 to index
          %get3A_593 = arith.constant 0 : index
          %get3A_594 = tpu.vector_load %arg16[%get3A_592, %get3A_593] {strides = array<i32>} : memref<32x16xf32, #tpu.memory_space<vmem>>, vector<16xf32>,
          %add3A_595 = arith.addf %add3A_590, %get3A_594 : vector<16xf32>
          %max3A_596 = arith.constant 0.000000e+00 : f32
          %max3A_597 = vector.broadcast %max3A_596 : f32 to vector<16xf32>
          %max3A_598 = arith.maximumf %add3A_595, %max3A_597 : vector<16xf32>
          %get3A_599 = arith.constant 0 : i32
          %get3A_600 = arith.constant 16 : i32
          %get3A_601 = arith.index_cast %get3A_599 : i32 to index
          %get3A_602 = arith.index_cast %get3A_600 : i32 to index
          %get3A_603 = arith.constant 0 : index
          %get3A_604 = tpu.vector_load %arg15[%get3A_601, %get3A_602, %get3A_603] {strides = array<i32>} : memref<3x32x16xf32, #tpu.memory_space<vmem>>, vector<16xf32>,
          %mul3A_605 = arith.mulf %mul3A_95, %get3A_604 : vector<16xf32>
          %get3A_606 = arith.constant 1 : i32
          %get3A_607 = arith.constant 16 : i32
          %get3A_608 = arith.index_cast %get3A_606 : i32 to index
          %get3A_609 = arith.index_cast %get3A_607 : i32 to index
          %get3A_610 = arith.constant 0 : index
          %get3A_611 = tpu.vector_load %arg15[%get3A_608, %get3A_609, %get3A_610] {strides = array<i32>} : memref<3x32x16xf32, #tpu.memory_space<vmem>>, vector<16xf32>,
          %mul3A_612 = arith.mulf %mul3A_97, %get3A_611 : vector<16xf32>
          %add3A_613 = arith.addf %mul3A_605, %mul3A_612 : vector<16xf32>
          %get3A_614 = arith.constant 2 : i32
          %get3A_615 = arith.constant 16 : i32
          %get3A_616 = arith.index_cast %get3A_614 : i32 to index
          %get3A_617 = arith.index_cast %get3A_615 : i32 to index
          %get3A_618 = arith.constant 0 : index
          %get3A_619 = tpu.vector_load %arg15[%get3A_616, %get3A_617, %get3A_618] {strides = array<i32>} : memref<3x32x16xf32, #tpu.memory_space<vmem>>, vector<16xf32>,
          %mul3A_620 = arith.mulf %mul3A_99, %get3A_619 : vector<16xf32>
          %add3A_621 = arith.addf %add3A_613, %mul3A_620 : vector<16xf32>
          %get3A_622 = arith.constant 16 : i32
          %get3A_623 = arith.index_cast %get3A_622 : i32 to index
          %get3A_624 = arith.constant 0 : index
          %get3A_625 = tpu.vector_load %arg16[%get3A_623, %get3A_624] {strides = array<i32>} : memref<32x16xf32, #tpu.memory_space<vmem>>, vector<16xf32>,
          %add3A_626 = arith.addf %add3A_621, %get3A_625 : vector<16xf32>
          %max3A_627 = arith.constant 0.000000e+00 : f32
          %max3A_628 = vector.broadcast %max3A_627 : f32 to vector<16xf32>
          %max3A_629 = arith.maximumf %add3A_626, %max3A_628 : vector<16xf32>
          %get3A_630 = arith.constant 0 : i32
          %get3A_631 = arith.constant 17 : i32
          %get3A_632 = arith.index_cast %get3A_630 : i32 to index
          %get3A_633 = arith.index_cast %get3A_631 : i32 to index
          %get3A_634 = arith.constant 0 : index
          %get3A_635 = tpu.vector_load %arg15[%get3A_632, %get3A_633, %get3A_634] {strides = array<i32>} : memref<3x32x16xf32, #tpu.memory_space<vmem>>, vector<16xf32>,
          %mul3A_636 = arith.mulf %mul3A_95, %get3A_635 : vector<16xf32>
          %get3A_637 = arith.constant 1 : i32
          %get3A_638 = arith.constant 17 : i32
          %get3A_639 = arith.index_cast %get3A_637 : i32 to index
          %get3A_640 = arith.index_cast %get3A_638 : i32 to index
          %get3A_641 = arith.constant 0 : index
          %get3A_642 = tpu.vector_load %arg15[%get3A_639, %get3A_640, %get3A_641] {strides = array<i32>} : memref<3x32x16xf32, #tpu.memory_space<vmem>>, vector<16xf32>,
          %mul3A_643 = arith.mulf %mul3A_97, %get3A_642 : vector<16xf32>
          %add3A_644 = arith.addf %mul3A_636, %mul3A_643 : vector<16xf32>
          %get3A_645 = arith.constant 2 : i32
          %get3A_646 = arith.constant 17 : i32
          %get3A_647 = arith.index_cast %get3A_645 : i32 to index
          %get3A_648 = arith.index_cast %get3A_646 : i32 to index
          %get3A_649 = arith.constant 0 : index
          %get3A_650 = tpu.vector_load %arg15[%get3A_647, %get3A_648, %get3A_649] {strides = array<i32>} : memref<3x32x16xf32, #tpu.memory_space<vmem>>, vector<16xf32>,
          %mul3A_651 = arith.mulf %mul3A_99, %get3A_650 : vector<16xf32>
          %add3A_652 = arith.addf %add3A_644, %mul3A_651 : vector<16xf32>
          %get3A_653 = arith.constant 17 : i32
          %get3A_654 = arith.index_cast %get3A_653 : i32 to index
          %get3A_655 = arith.constant 0 : index
          %get3A_656 = tpu.vector_load %arg16[%get3A_654, %get3A_655] {strides = array<i32>} : memref<32x16xf32, #tpu.memory_space<vmem>>, vector<16xf32>,
          %add3A_657 = arith.addf %add3A_652, %get3A_656 : vector<16xf32>
          %max3A_658 = arith.constant 0.000000e+00 : f32
          %max3A_659 = vector.broadcast %max3A_658 : f32 to vector<16xf32>
          %max3A_660 = arith.maximumf %add3A_657, %max3A_659 : vector<16xf32>
          %get3A_661 = arith.constant 0 : i32
          %get3A_662 = arith.constant 18 : i32
          %get3A_663 = arith.index_cast %get3A_661 : i32 to index
          %get3A_664 = arith.index_cast %get3A_662 : i32 to index
          %get3A_665 = arith.constant 0 : index
          %get3A_666 = tpu.vector_load %arg15[%get3A_663, %get3A_664, %get3A_665] {strides = array<i32>} : memref<3x32x16xf32, #tpu.memory_space<vmem>>, vector<16xf32>,
          %mul3A_667 = arith.mulf %mul3A_95, %get3A_666 : vector<16xf32>
          %get3A_668 = arith.constant 1 : i32
          %get3A_669 = arith.constant 18 : i32
          %get3A_670 = arith.index_cast %get3A_668 : i32 to index
          %get3A_671 = arith.index_cast %get3A_669 : i32 to index
          %get3A_672 = arith.constant 0 : index
          %get3A_673 = tpu.vector_load %arg15[%get3A_670, %get3A_671, %get3A_672] {strides = array<i32>} : memref<3x32x16xf32, #tpu.memory_space<vmem>>, vector<16xf32>,
          %mul3A_674 = arith.mulf %mul3A_97, %get3A_673 : vector<16xf32>
          %add3A_675 = arith.addf %mul3A_667, %mul3A_674 : vector<16xf32>
          %get3A_676 = arith.constant 2 : i32
          %get3A_677 = arith.constant 18 : i32
          %get3A_678 = arith.index_cast %get3A_676 : i32 to index
          %get3A_679 = arith.index_cast %get3A_677 : i32 to index
          %get3A_680 = arith.constant 0 : index
          %get3A_681 = tpu.vector_load %arg15[%get3A_678, %get3A_679, %get3A_680] {strides = array<i32>} : memref<3x32x16xf32, #tpu.memory_space<vmem>>, vector<16xf32>,
          %mul3A_682 = arith.mulf %mul3A_99, %get3A_681 : vector<16xf32>
          %add3A_683 = arith.addf %add3A_675, %mul3A_682 : vector<16xf32>
          %get3A_684 = arith.constant 18 : i32
          %get3A_685 = arith.index_cast %get3A_684 : i32 to index
          %get3A_686 = arith.constant 0 : index
          %get3A_687 = tpu.vector_load %arg16[%get3A_685, %get3A_686] {strides = array<i32>} : memref<32x16xf32, #tpu.memory_space<vmem>>, vector<16xf32>,
          %add3A_688 = arith.addf %add3A_683, %get3A_687 : vector<16xf32>
          %max3A_689 = arith.constant 0.000000e+00 : f32
          %max3A_690 = vector.broadcast %max3A_689 : f32 to vector<16xf32>
          %max3A_691 = arith.maximumf %add3A_688, %max3A_690 : vector<16xf32>
          %get3A_692 = arith.constant 0 : i32
          %get3A_693 = arith.constant 19 : i32
          %get3A_694 = arith.index_cast %get3A_692 : i32 to index
          %get3A_695 = arith.index_cast %get3A_693 : i32 to index
          %get3A_696 = arith.constant 0 : index
          %get3A_697 = tpu.vector_load %arg15[%get3A_694, %get3A_695, %get3A_696] {strides = array<i32>} : memref<3x32x16xf32, #tpu.memory_space<vmem>>, vector<16xf32>,
          %mul3A_698 = arith.mulf %mul3A_95, %get3A_697 : vector<16xf32>
          %get3A_699 = arith.constant 1 : i32
          %get3A_700 = arith.constant 19 : i32
          %get3A_701 = arith.index_cast %get3A_699 : i32 to index
          %get3A_702 = arith.index_cast %get3A_700 : i32 to index
          %get3A_703 = arith.constant 0 : index
          %get3A_704 = tpu.vector_load %arg15[%get3A_701, %get3A_702, %get3A_703] {strides = array<i32>} : memref<3x32x16xf32, #tpu.memory_space<vmem>>, vector<16xf32>,
          %mul3A_705 = arith.mulf %mul3A_97, %get3A_704 : vector<16xf32>
          %add3A_706 = arith.addf %mul3A_698, %mul3A_705 : vector<16xf32>
          %get3A_707 = arith.constant 2 : i32
          %get3A_708 = arith.constant 19 : i32
          %get3A_709 = arith.index_cast %get3A_707 : i32 to index
          %get3A_710 = arith.index_cast %get3A_708 : i32 to index
          %get3A_711 = arith.constant 0 : index
          %get3A_712 = tpu.vector_load %arg15[%get3A_709, %get3A_710, %get3A_711] {strides = array<i32>} : memref<3x32x16xf32, #tpu.memory_space<vmem>>, vector<16xf32>,
          %mul3A_713 = arith.mulf %mul3A_99, %get3A_712 : vector<16xf32>
          %add3A_714 = arith.addf %add3A_706, %mul3A_713 : vector<16xf32>
          %get3A_715 = arith.constant 19 : i32
          %get3A_716 = arith.index_cast %get3A_715 : i32 to index
          %get3A_717 = arith.constant 0 : index
          %get3A_718 = tpu.vector_load %arg16[%get3A_716, %get3A_717] {strides = array<i32>} : memref<32x16xf32, #tpu.memory_space<vmem>>, vector<16xf32>,
          %add3A_719 = arith.addf %add3A_714, %get3A_718 : vector<16xf32>
          %max3A_720 = arith.constant 0.000000e+00 : f32
          %max3A_721 = vector.broadcast %max3A_720 : f32 to vector<16xf32>
          %max3A_722 = arith.maximumf %add3A_719, %max3A_721 : vector<16xf32>
          %get3A_723 = arith.constant 0 : i32
          %get3A_724 = arith.constant 20 : i32
          %get3A_725 = arith.index_cast %get3A_723 : i32 to index
          %get3A_726 = arith.index_cast %get3A_724 : i32 to index
          %get3A_727 = arith.constant 0 : index
          %get3A_728 = tpu.vector_load %arg15[%get3A_725, %get3A_726, %get3A_727] {strides = array<i32>} : memref<3x32x16xf32, #tpu.memory_space<vmem>>, vector<16xf32>,
          %mul3A_729 = arith.mulf %mul3A_95, %get3A_728 : vector<16xf32>
          %get3A_730 = arith.constant 1 : i32
          %get3A_731 = arith.constant 20 : i32
          %get3A_732 = arith.index_cast %get3A_730 : i32 to index
          %get3A_733 = arith.index_cast %get3A_731 : i32 to index
          %get3A_734 = arith.constant 0 : index
          %get3A_735 = tpu.vector_load %arg15[%get3A_732, %get3A_733, %get3A_734] {strides = array<i32>} : memref<3x32x16xf32, #tpu.memory_space<vmem>>, vector<16xf32>,
          %mul3A_736 = arith.mulf %mul3A_97, %get3A_735 : vector<16xf32>
          %add3A_737 = arith.addf %mul3A_729, %mul3A_736 : vector<16xf32>
          %get3A_738 = arith.constant 2 : i32
          %get3A_739 = arith.constant 20 : i32
          %get3A_740 = arith.index_cast %get3A_738 : i32 to index
          %get3A_741 = arith.index_cast %get3A_739 : i32 to index
          %get3A_742 = arith.constant 0 : index
          %get3A_743 = tpu.vector_load %arg15[%get3A_740, %get3A_741, %get3A_742] {strides = array<i32>} : memref<3x32x16xf32, #tpu.memory_space<vmem>>, vector<16xf32>,
          %mul3A_744 = arith.mulf %mul3A_99, %get3A_743 : vector<16xf32>
          %add3A_745 = arith.addf %add3A_737, %mul3A_744 : vector<16xf32>
          %get3A_746 = arith.constant 20 : i32
          %get3A_747 = arith.index_cast %get3A_746 : i32 to index
          %get3A_748 = arith.constant 0 : index
          %get3A_749 = tpu.vector_load %arg16[%get3A_747, %get3A_748] {strides = array<i32>} : memref<32x16xf32, #tpu.memory_space<vmem>>, vector<16xf32>,
          %add3A_750 = arith.addf %add3A_745, %get3A_749 : vector<16xf32>
          %max3A_751 = arith.constant 0.000000e+00 : f32
          %max3A_752 = vector.broadcast %max3A_751 : f32 to vector<16xf32>
          %max3A_753 = arith.maximumf %add3A_750, %max3A_752 : vector<16xf32>
          %get3A_754 = arith.constant 0 : i32
          %get3A_755 = arith.constant 21 : i32
          %get3A_756 = arith.index_cast %get3A_754 : i32 to index
          %get3A_757 = arith.index_cast %get3A_755 : i32 to index
          %get3A_758 = arith.constant 0 : index
          %get3A_759 = tpu.vector_load %arg15[%get3A_756, %get3A_757, %get3A_758] {strides = array<i32>} : memref<3x32x16xf32, #tpu.memory_space<vmem>>, vector<16xf32>,
          %mul3A_760 = arith.mulf %mul3A_95, %get3A_759 : vector<16xf32>
          %get3A_761 = arith.constant 1 : i32
          %get3A_762 = arith.constant 21 : i32
          %get3A_763 = arith.index_cast %get3A_761 : i32 to index
          %get3A_764 = arith.index_cast %get3A_762 : i32 to index
          %get3A_765 = arith.constant 0 : index
          %get3A_766 = tpu.vector_load %arg15[%get3A_763, %get3A_764, %get3A_765] {strides = array<i32>} : memref<3x32x16xf32, #tpu.memory_space<vmem>>, vector<16xf32>,
          %mul3A_767 = arith.mulf %mul3A_97, %get3A_766 : vector<16xf32>
          %add3A_768 = arith.addf %mul3A_760, %mul3A_767 : vector<16xf32>
          %get3A_769 = arith.constant 2 : i32
          %get3A_770 = arith.constant 21 : i32
          %get3A_771 = arith.index_cast %get3A_769 : i32 to index
          %get3A_772 = arith.index_cast %get3A_770 : i32 to index
          %get3A_773 = arith.constant 0 : index
          %get3A_774 = tpu.vector_load %arg15[%get3A_771, %get3A_772, %get3A_773] {strides = array<i32>} : memref<3x32x16xf32, #tpu.memory_space<vmem>>, vector<16xf32>,
          %mul3A_775 = arith.mulf %mul3A_99, %get3A_774 : vector<16xf32>
          %add3A_776 = arith.addf %add3A_768, %mul3A_775 : vector<16xf32>
          %get3A_777 = arith.constant 21 : i32
          %get3A_778 = arith.index_cast %get3A_777 : i32 to index
          %get3A_779 = arith.constant 0 : index
          %get3A_780 = tpu.vector_load %arg16[%get3A_778, %get3A_779] {strides = array<i32>} : memref<32x16xf32, #tpu.memory_space<vmem>>, vector<16xf32>,
          %add3A_781 = arith.addf %add3A_776, %get3A_780 : vector<16xf32>
          %max3A_782 = arith.constant 0.000000e+00 : f32
          %max3A_783 = vector.broadcast %max3A_782 : f32 to vector<16xf32>
          %max3A_784 = arith.maximumf %add3A_781, %max3A_783 : vector<16xf32>
          %get3A_785 = arith.constant 0 : i32
          %get3A_786 = arith.constant 22 : i32
          %get3A_787 = arith.index_cast %get3A_785 : i32 to index
          %get3A_788 = arith.index_cast %get3A_786 : i32 to index
          %get3A_789 = arith.constant 0 : index
          %get3A_790 = tpu.vector_load %arg15[%get3A_787, %get3A_788, %get3A_789] {strides = array<i32>} : memref<3x32x16xf32, #tpu.memory_space<vmem>>, vector<16xf32>,
          %mul3A_791 = arith.mulf %mul3A_95, %get3A_790 : vector<16xf32>
          %get3A_792 = arith.constant 1 : i32
          %get3A_793 = arith.constant 22 : i32
          %get3A_794 = arith.index_cast %get3A_792 : i32 to index
          %get3A_795 = arith.index_cast %get3A_793 : i32 to index
          %get3A_796 = arith.constant 0 : index
          %get3A_797 = tpu.vector_load %arg15[%get3A_794, %get3A_795, %get3A_796] {strides = array<i32>} : memref<3x32x16xf32, #tpu.memory_space<vmem>>, vector<16xf32>,
          %mul3A_798 = arith.mulf %mul3A_97, %get3A_797 : vector<16xf32>
          %add3A_799 = arith.addf %mul3A_791, %mul3A_798 : vector<16xf32>
          %get3A_800 = arith.constant 2 : i32
          %get3A_801 = arith.constant 22 : i32
          %get3A_802 = arith.index_cast %get3A_800 : i32 to index
          %get3A_803 = arith.index_cast %get3A_801 : i32 to index
          %get3A_804 = arith.constant 0 : index
          %get3A_805 = tpu.vector_load %arg15[%get3A_802, %get3A_803, %get3A_804] {strides = array<i32>} : memref<3x32x16xf32, #tpu.memory_space<vmem>>, vector<16xf32>,
          %mul3A_806 = arith.mulf %mul3A_99, %get3A_805 : vector<16xf32>
          %add3A_807 = arith.addf %add3A_799, %mul3A_806 : vector<16xf32>
          %get3A_808 = arith.constant 22 : i32
          %get3A_809 = arith.index_cast %get3A_808 : i32 to index
          %get3A_810 = arith.constant 0 : index
          %get3A_811 = tpu.vector_load %arg16[%get3A_809, %get3A_810] {strides = array<i32>} : memref<32x16xf32, #tpu.memory_space<vmem>>, vector<16xf32>,
          %add3A_812 = arith.addf %add3A_807, %get3A_811 : vector<16xf32>
          %max3A_813 = arith.constant 0.000000e+00 : f32
          %max3A_814 = vector.broadcast %max3A_813 : f32 to vector<16xf32>
          %max3A_815 = arith.maximumf %add3A_812, %max3A_814 : vector<16xf32>
          %get3A_816 = arith.constant 0 : i32
          %get3A_817 = arith.constant 23 : i32
          %get3A_818 = arith.index_cast %get3A_816 : i32 to index
          %get3A_819 = arith.index_cast %get3A_817 : i32 to index
          %get3A_820 = arith.constant 0 : index
          %get3A_821 = tpu.vector_load %arg15[%get3A_818, %get3A_819, %get3A_820] {strides = array<i32>} : memref<3x32x16xf32, #tpu.memory_space<vmem>>, vector<16xf32>,
          %mul3A_822 = arith.mulf %mul3A_95, %get3A_821 : vector<16xf32>
          %get3A_823 = arith.constant 1 : i32
          %get3A_824 = arith.constant 23 : i32
          %get3A_825 = arith.index_cast %get3A_823 : i32 to index
          %get3A_826 = arith.index_cast %get3A_824 : i32 to index
          %get3A_827 = arith.constant 0 : index
          %get3A_828 = tpu.vector_load %arg15[%get3A_825, %get3A_826, %get3A_827] {strides = array<i32>} : memref<3x32x16xf32, #tpu.memory_space<vmem>>, vector<16xf32>,
          %mul3A_829 = arith.mulf %mul3A_97, %get3A_828 : vector<16xf32>
          %add3A_830 = arith.addf %mul3A_822, %mul3A_829 : vector<16xf32>
          %get3A_831 = arith.constant 2 : i32
          %get3A_832 = arith.constant 23 : i32
          %get3A_833 = arith.index_cast %get3A_831 : i32 to index
          %get3A_834 = arith.index_cast %get3A_832 : i32 to index
          %get3A_835 = arith.constant 0 : index
          %get3A_836 = tpu.vector_load %arg15[%get3A_833, %get3A_834, %get3A_835] {strides = array<i32>} : memref<3x32x16xf32, #tpu.memory_space<vmem>>, vector<16xf32>,
          %mul3A_837 = arith.mulf %mul3A_99, %get3A_836 : vector<16xf32>
          %add3A_838 = arith.addf %add3A_830, %mul3A_837 : vector<16xf32>
          %get3A_839 = arith.constant 23 : i32
          %get3A_840 = arith.index_cast %get3A_839 : i32 to index
          %get3A_841 = arith.constant 0 : index
          %get3A_842 = tpu.vector_load %arg16[%get3A_840, %get3A_841] {strides = array<i32>} : memref<32x16xf32, #tpu.memory_space<vmem>>, vector<16xf32>,
          %add3A_843 = arith.addf %add3A_838, %get3A_842 : vector<16xf32>
          %max3A_844 = arith.constant 0.000000e+00 : f32
          %max3A_845 = vector.broadcast %max3A_844 : f32 to vector<16xf32>
          %max3A_846 = arith.maximumf %add3A_843, %max3A_845 : vector<16xf32>
          %get3A_847 = arith.constant 0 : i32
          %get3A_848 = arith.constant 24 : i32
          %get3A_849 = arith.index_cast %get3A_847 : i32 to index
          %get3A_850 = arith.index_cast %get3A_848 : i32 to index
          %get3A_851 = arith.constant 0 : index
          %get3A_852 = tpu.vector_load %arg15[%get3A_849, %get3A_850, %get3A_851] {strides = array<i32>} : memref<3x32x16xf32, #tpu.memory_space<vmem>>, vector<16xf32>,
          %mul3A_853 = arith.mulf %mul3A_95, %get3A_852 : vector<16xf32>
          %get3A_854 = arith.constant 1 : i32
          %get3A_855 = arith.constant 24 : i32
          %get3A_856 = arith.index_cast %get3A_854 : i32 to index
          %get3A_857 = arith.index_cast %get3A_855 : i32 to index
          %get3A_858 = arith.constant 0 : index
          %get3A_859 = tpu.vector_load %arg15[%get3A_856, %get3A_857, %get3A_858] {strides = array<i32>} : memref<3x32x16xf32, #tpu.memory_space<vmem>>, vector<16xf32>,
          %mul3A_860 = arith.mulf %mul3A_97, %get3A_859 : vector<16xf32>
          %add3A_861 = arith.addf %mul3A_853, %mul3A_860 : vector<16xf32>
          %get3A_862 = arith.constant 2 : i32
          %get3A_863 = arith.constant 24 : i32
          %get3A_864 = arith.index_cast %get3A_862 : i32 to index
          %get3A_865 = arith.index_cast %get3A_863 : i32 to index
          %get3A_866 = arith.constant 0 : index
          %get3A_867 = tpu.vector_load %arg15[%get3A_864, %get3A_865, %get3A_866] {strides = array<i32>} : memref<3x32x16xf32, #tpu.memory_space<vmem>>, vector<16xf32>,
          %mul3A_868 = arith.mulf %mul3A_99, %get3A_867 : vector<16xf32>
          %add3A_869 = arith.addf %add3A_861, %mul3A_868 : vector<16xf32>
          %get3A_870 = arith.constant 24 : i32
          %get3A_871 = arith.index_cast %get3A_870 : i32 to index
          %get3A_872 = arith.constant 0 : index
          %get3A_873 = tpu.vector_load %arg16[%get3A_871, %get3A_872] {strides = array<i32>} : memref<32x16xf32, #tpu.memory_space<vmem>>, vector<16xf32>,
          %add3A_874 = arith.addf %add3A_869, %get3A_873 : vector<16xf32>
          %max3A_875 = arith.constant 0.000000e+00 : f32
          %max3A_876 = vector.broadcast %max3A_875 : f32 to vector<16xf32>
          %max3A_877 = arith.maximumf %add3A_874, %max3A_876 : vector<16xf32>
          %get3A_878 = arith.constant 0 : i32
          %get3A_879 = arith.constant 25 : i32
          %get3A_880 = arith.index_cast %get3A_878 : i32 to index
          %get3A_881 = arith.index_cast %get3A_879 : i32 to index
          %get3A_882 = arith.constant 0 : index
          %get3A_883 = tpu.vector_load %arg15[%get3A_880, %get3A_881, %get3A_882] {strides = array<i32>} : memref<3x32x16xf32, #tpu.memory_space<vmem>>, vector<16xf32>,
          %mul3A_884 = arith.mulf %mul3A_95, %get3A_883 : vector<16xf32>
          %get3A_885 = arith.constant 1 : i32
          %get3A_886 = arith.constant 25 : i32
          %get3A_887 = arith.index_cast %get3A_885 : i32 to index
          %get3A_888 = arith.index_cast %get3A_886 : i32 to index
          %get3A_889 = arith.constant 0 : index
          %get3A_890 = tpu.vector_load %arg15[%get3A_887, %get3A_888, %get3A_889] {strides = array<i32>} : memref<3x32x16xf32, #tpu.memory_space<vmem>>, vector<16xf32>,
          %mul3A_891 = arith.mulf %mul3A_97, %get3A_890 : vector<16xf32>
          %add3A_892 = arith.addf %mul3A_884, %mul3A_891 : vector<16xf32>
          %get3A_893 = arith.constant 2 : i32
          %get3A_894 = arith.constant 25 : i32
          %get3A_895 = arith.index_cast %get3A_893 : i32 to index
          %get3A_896 = arith.index_cast %get3A_894 : i32 to index
          %get3A_897 = arith.constant 0 : index
          %get3A_898 = tpu.vector_load %arg15[%get3A_895, %get3A_896, %get3A_897] {strides = array<i32>} : memref<3x32x16xf32, #tpu.memory_space<vmem>>, vector<16xf32>,
          %mul3A_899 = arith.mulf %mul3A_99, %get3A_898 : vector<16xf32>
          %add3A_900 = arith.addf %add3A_892, %mul3A_899 : vector<16xf32>
          %get3A_901 = arith.constant 25 : i32
          %get3A_902 = arith.index_cast %get3A_901 : i32 to index
          %get3A_903 = arith.constant 0 : index
          %get3A_904 = tpu.vector_load %arg16[%get3A_902, %get3A_903] {strides = array<i32>} : memref<32x16xf32, #tpu.memory_space<vmem>>, vector<16xf32>,
          %add3A_905 = arith.addf %add3A_900, %get3A_904 : vector<16xf32>
          %max3A_906 = arith.constant 0.000000e+00 : f32
          %max3A_907 = vector.broadcast %max3A_906 : f32 to vector<16xf32>
          %max3A_908 = arith.maximumf %add3A_905, %max3A_907 : vector<16xf32>
          %get3A_909 = arith.constant 0 : i32
          %get3A_910 = arith.constant 26 : i32
          %get3A_911 = arith.index_cast %get3A_909 : i32 to index
          %get3A_912 = arith.index_cast %get3A_910 : i32 to index
          %get3A_913 = arith.constant 0 : index
          %get3A_914 = tpu.vector_load %arg15[%get3A_911, %get3A_912, %get3A_913] {strides = array<i32>} : memref<3x32x16xf32, #tpu.memory_space<vmem>>, vector<16xf32>,
          %mul3A_915 = arith.mulf %mul3A_95, %get3A_914 : vector<16xf32>
          %get3A_916 = arith.constant 1 : i32
          %get3A_917 = arith.constant 26 : i32
          %get3A_918 = arith.index_cast %get3A_916 : i32 to index
          %get3A_919 = arith.index_cast %get3A_917 : i32 to index
          %get3A_920 = arith.constant 0 : index
          %get3A_921 = tpu.vector_load %arg15[%get3A_918, %get3A_919, %get3A_920] {strides = array<i32>} : memref<3x32x16xf32, #tpu.memory_space<vmem>>, vector<16xf32>,
          %mul3A_922 = arith.mulf %mul3A_97, %get3A_921 : vector<16xf32>
          %add3A_923 = arith.addf %mul3A_915, %mul3A_922 : vector<16xf32>
          %get3A_924 = arith.constant 2 : i32
          %get3A_925 = arith.constant 26 : i32
          %get3A_926 = arith.index_cast %get3A_924 : i32 to index
          %get3A_927 = arith.index_cast %get3A_925 : i32 to index
          %get3A_928 = arith.constant 0 : index
          %get3A_929 = tpu.vector_load %arg15[%get3A_926, %get3A_927, %get3A_928] {strides = array<i32>} : memref<3x32x16xf32, #tpu.memory_space<vmem>>, vector<16xf32>,
          %mul3A_930 = arith.mulf %mul3A_99, %get3A_929 : vector<16xf32>
          %add3A_931 = arith.addf %add3A_923, %mul3A_930 : vector<16xf32>
          %get3A_932 = arith.constant 26 : i32
          %get3A_933 = arith.index_cast %get3A_932 : i32 to index
          %get3A_934 = arith.constant 0 : index
          %get3A_935 = tpu.vector_load %arg16[%get3A_933, %get3A_934] {strides = array<i32>} : memref<32x16xf32, #tpu.memory_space<vmem>>, vector<16xf32>,
          %add3A_936 = arith.addf %add3A_931, %get3A_935 : vector<16xf32>
          %max3A_937 = arith.constant 0.000000e+00 : f32
          %max3A_938 = vector.broadcast %max3A_937 : f32 to vector<16xf32>
          %max3A_939 = arith.maximumf %add3A_936, %max3A_938 : vector<16xf32>
          %get3A_940 = arith.constant 0 : i32
          %get3A_941 = arith.constant 27 : i32
          %get3A_942 = arith.index_cast %get3A_940 : i32 to index
          %get3A_943 = arith.index_cast %get3A_941 : i32 to index
          %get3A_944 = arith.constant 0 : index
          %get3A_945 = tpu.vector_load %arg15[%get3A_942, %get3A_943, %get3A_944] {strides = array<i32>} : memref<3x32x16xf32, #tpu.memory_space<vmem>>, vector<16xf32>,
          %mul3A_946 = arith.mulf %mul3A_95, %get3A_945 : vector<16xf32>
          %get3A_947 = arith.constant 1 : i32
          %get3A_948 = arith.constant 27 : i32
          %get3A_949 = arith.index_cast %get3A_947 : i32 to index
          %get3A_950 = arith.index_cast %get3A_948 : i32 to index
          %get3A_951 = arith.constant 0 : index
          %get3A_952 = tpu.vector_load %arg15[%get3A_949, %get3A_950, %get3A_951] {strides = array<i32>} : memref<3x32x16xf32, #tpu.memory_space<vmem>>, vector<16xf32>,
          %mul3A_953 = arith.mulf %mul3A_97, %get3A_952 : vector<16xf32>
          %add3A_954 = arith.addf %mul3A_946, %mul3A_953 : vector<16xf32>
          %get3A_955 = arith.constant 2 : i32
          %get3A_956 = arith.constant 27 : i32
          %get3A_957 = arith.index_cast %get3A_955 : i32 to index
          %get3A_958 = arith.index_cast %get3A_956 : i32 to index
          %get3A_959 = arith.constant 0 : index
          %get3A_960 = tpu.vector_load %arg15[%get3A_957, %get3A_958, %get3A_959] {strides = array<i32>} : memref<3x32x16xf32, #tpu.memory_space<vmem>>, vector<16xf32>,
          %mul3A_961 = arith.mulf %mul3A_99, %get3A_960 : vector<16xf32>
          %add3A_962 = arith.addf %add3A_954, %mul3A_961 : vector<16xf32>
          %get3A_963 = arith.constant 27 : i32
          %get3A_964 = arith.index_cast %get3A_963 : i32 to index
          %get3A_965 = arith.constant 0 : index
          %get3A_966 = tpu.vector_load %arg16[%get3A_964, %get3A_965] {strides = array<i32>} : memref<32x16xf32, #tpu.memory_space<vmem>>, vector<16xf32>,
          %add3A_967 = arith.addf %add3A_962, %get3A_966 : vector<16xf32>
          %max3A_968 = arith.constant 0.000000e+00 : f32
          %max3A_969 = vector.broadcast %max3A_968 : f32 to vector<16xf32>
          %max3A_970 = arith.maximumf %add3A_967, %max3A_969 : vector<16xf32>
          %get3A_971 = arith.constant 0 : i32
          %get3A_972 = arith.constant 28 : i32
          %get3A_973 = arith.index_cast %get3A_971 : i32 to index
          %get3A_974 = arith.index_cast %get3A_972 : i32 to index
          %get3A_975 = arith.constant 0 : index
          %get3A_976 = tpu.vector_load %arg15[%get3A_973, %get3A_974, %get3A_975] {strides = array<i32>} : memref<3x32x16xf32, #tpu.memory_space<vmem>>, vector<16xf32>,
          %mul3A_977 = arith.mulf %mul3A_95, %get3A_976 : vector<16xf32>
          %get3A_978 = arith.constant 1 : i32
          %get3A_979 = arith.constant 28 : i32
          %get3A_980 = arith.index_cast %get3A_978 : i32 to index
          %get3A_981 = arith.index_cast %get3A_979 : i32 to index
          %get3A_982 = arith.constant 0 : index
          %get3A_983 = tpu.vector_load %arg15[%get3A_980, %get3A_981, %get3A_982] {strides = array<i32>} : memref<3x32x16xf32, #tpu.memory_space<vmem>>, vector<16xf32>,
          %mul3A_984 = arith.mulf %mul3A_97, %get3A_983 : vector<16xf32>
          %add3A_985 = arith.addf %mul3A_977, %mul3A_984 : vector<16xf32>
          %get3A_986 = arith.constant 2 : i32
          %get3A_987 = arith.constant 28 : i32
          %get3A_988 = arith.index_cast %get3A_986 : i32 to index
          %get3A_989 = arith.index_cast %get3A_987 : i32 to index
          %get3A_990 = arith.constant 0 : index
          %get3A_991 = tpu.vector_load %arg15[%get3A_988, %get3A_989, %get3A_990] {strides = array<i32>} : memref<3x32x16xf32, #tpu.memory_space<vmem>>, vector<16xf32>,
          %mul3A_992 = arith.mulf %mul3A_99, %get3A_991 : vector<16xf32>
          %add3A_993 = arith.addf %add3A_985, %mul3A_992 : vector<16xf32>
          %get3A_994 = arith.constant 28 : i32
          %get3A_995 = arith.index_cast %get3A_994 : i32 to index
          %get3A_996 = arith.constant 0 : index
          %get3A_997 = tpu.vector_load %arg16[%get3A_995, %get3A_996] {strides = array<i32>} : memref<32x16xf32, #tpu.memory_space<vmem>>, vector<16xf32>,
          %add3A_998 = arith.addf %add3A_993, %get3A_997 : vector<16xf32>
          %max3A_999 = arith.constant 0.000000e+00 : f32
          %max3A_1000 = vector.broadcast %max3A_999 : f32 to vector<16xf32>
          %max3A_1001 = arith.maximumf %add3A_998, %max3A_1000 : vector<16xf32>
          %get3A_1002 = arith.constant 0 : i32
          %get3A_1003 = arith.constant 29 : i32
          %get3A_1004 = arith.index_cast %get3A_1002 : i32 to index
          %get3A_1005 = arith.index_cast %get3A_1003 : i32 to index
          %get3A_1006 = arith.constant 0 : index
          %get3A_1007 = tpu.vector_load %arg15[%get3A_1004, %get3A_1005, %get3A_1006] {strides = array<i32>} : memref<3x32x16xf32, #tpu.memory_space<vmem>>, vector<16xf32>,
          %mul3A_1008 = arith.mulf %mul3A_95, %get3A_1007 : vector<16xf32>
          %get3A_1009 = arith.constant 1 : i32
          %get3A_1010 = arith.constant 29 : i32
          %get3A_1011 = arith.index_cast %get3A_1009 : i32 to index
          %get3A_1012 = arith.index_cast %get3A_1010 : i32 to index
          %get3A_1013 = arith.constant 0 : index
          %get3A_1014 = tpu.vector_load %arg15[%get3A_1011, %get3A_1012, %get3A_1013] {strides = array<i32>} : memref<3x32x16xf32, #tpu.memory_space<vmem>>, vector<16xf32>,
          %mul3A_1015 = arith.mulf %mul3A_97, %get3A_1014 : vector<16xf32>
          %add3A_1016 = arith.addf %mul3A_1008, %mul3A_1015 : vector<16xf32>
          %get3A_1017 = arith.constant 2 : i32
          %get3A_1018 = arith.constant 29 : i32
          %get3A_1019 = arith.index_cast %get3A_1017 : i32 to index
          %get3A_1020 = arith.index_cast %get3A_1018 : i32 to index
          %get3A_1021 = arith.constant 0 : index
          %get3A_1022 = tpu.vector_load %arg15[%get3A_1019, %get3A_1020, %get3A_1021] {strides = array<i32>} : memref<3x32x16xf32, #tpu.memory_space<vmem>>, vector<16xf32>,
          %mul3A_1023 = arith.mulf %mul3A_99, %get3A_1022 : vector<16xf32>
          %add3A_1024 = arith.addf %add3A_1016, %mul3A_1023 : vector<16xf32>
          %get3A_1025 = arith.constant 29 : i32
          %get3A_1026 = arith.index_cast %get3A_1025 : i32 to index
          %get3A_1027 = arith.constant 0 : index
          %get3A_1028 = tpu.vector_load %arg16[%get3A_1026, %get3A_1027] {strides = array<i32>} : memref<32x16xf32, #tpu.memory_space<vmem>>, vector<16xf32>,
          %add3A_1029 = arith.addf %add3A_1024, %get3A_1028 : vector<16xf32>
          %max3A_1030 = arith.constant 0.000000e+00 : f32
          %max3A_1031 = vector.broadcast %max3A_1030 : f32 to vector<16xf32>
          %max3A_1032 = arith.maximumf %add3A_1029, %max3A_1031 : vector<16xf32>
          %get3A_1033 = arith.constant 0 : i32
          %get3A_1034 = arith.constant 30 : i32
          %get3A_1035 = arith.index_cast %get3A_1033 : i32 to index
          %get3A_1036 = arith.index_cast %get3A_1034 : i32 to index
          %get3A_1037 = arith.constant 0 : index
          %get3A_1038 = tpu.vector_load %arg15[%get3A_1035, %get3A_1036, %get3A_1037] {strides = array<i32>} : memref<3x32x16xf32, #tpu.memory_space<vmem>>, vector<16xf32>,
          %mul3A_1039 = arith.mulf %mul3A_95, %get3A_1038 : vector<16xf32>
          %get3A_1040 = arith.constant 1 : i32
          %get3A_1041 = arith.constant 30 : i32
          %get3A_1042 = arith.index_cast %get3A_1040 : i32 to index
          %get3A_1043 = arith.index_cast %get3A_1041 : i32 to index
          %get3A_1044 = arith.constant 0 : index
          %get3A_1045 = tpu.vector_load %arg15[%get3A_1042, %get3A_1043, %get3A_1044] {strides = array<i32>} : memref<3x32x16xf32, #tpu.memory_space<vmem>>, vector<16xf32>,
          %mul3A_1046 = arith.mulf %mul3A_97, %get3A_1045 : vector<16xf32>
          %add3A_1047 = arith.addf %mul3A_1039, %mul3A_1046 : vector<16xf32>
          %get3A_1048 = arith.constant 2 : i32
          %get3A_1049 = arith.constant 30 : i32
          %get3A_1050 = arith.index_cast %get3A_1048 : i32 to index
          %get3A_1051 = arith.index_cast %get3A_1049 : i32 to index
          %get3A_1052 = arith.constant 0 : index
          %get3A_1053 = tpu.vector_load %arg15[%get3A_1050, %get3A_1051, %get3A_1052] {strides = array<i32>} : memref<3x32x16xf32, #tpu.memory_space<vmem>>, vector<16xf32>,
          %mul3A_1054 = arith.mulf %mul3A_99, %get3A_1053 : vector<16xf32>
          %add3A_1055 = arith.addf %add3A_1047, %mul3A_1054 : vector<16xf32>
          %get3A_1056 = arith.constant 30 : i32
          %get3A_1057 = arith.index_cast %get3A_1056 : i32 to index
          %get3A_1058 = arith.constant 0 : index
          %get3A_1059 = tpu.vector_load %arg16[%get3A_1057, %get3A_1058] {strides = array<i32>} : memref<32x16xf32, #tpu.memory_space<vmem>>, vector<16xf32>,
          %add3A_1060 = arith.addf %add3A_1055, %get3A_1059 : vector<16xf32>
          %max3A_1061 = arith.constant 0.000000e+00 : f32
          %max3A_1062 = vector.broadcast %max3A_1061 : f32 to vector<16xf32>
          %max3A_1063 = arith.maximumf %add3A_1060, %max3A_1062 : vector<16xf32>
          %get3A_1064 = arith.constant 0 : i32
          %get3A_1065 = arith.constant 31 : i32
          %get3A_1066 = arith.index_cast %get3A_1064 : i32 to index
          %get3A_1067 = arith.index_cast %get3A_1065 : i32 to index
          %get3A_1068 = arith.constant 0 : index
          %get3A_1069 = tpu.vector_load %arg15[%get3A_1066, %get3A_1067, %get3A_1068] {strides = array<i32>} : memref<3x32x16xf32, #tpu.memory_space<vmem>>, vector<16xf32>,
          %mul3A_1070 = arith.mulf %mul3A_95, %get3A_1069 : vector<16xf32>
          %get3A_1071 = arith.constant 1 : i32
          %get3A_1072 = arith.constant 31 : i32
          %get3A_1073 = arith.index_cast %get3A_1071 : i32 to index
          %get3A_1074 = arith.index_cast %get3A_1072 : i32 to index
          %get3A_1075 = arith.constant 0 : index
          %get3A_1076 = tpu.vector_load %arg15[%get3A_1073, %get3A_1074, %get3A_1075] {strides = array<i32>} : memref<3x32x16xf32, #tpu.memory_space<vmem>>, vector<16xf32>,
          %mul3A_1077 = arith.mulf %mul3A_97, %get3A_1076 : vector<16xf32>
          %add3A_1078 = arith.addf %mul3A_1070, %mul3A_1077 : vector<16xf32>
          %get3A_1079 = arith.constant 2 : i32
          %get3A_1080 = arith.constant 31 : i32
          %get3A_1081 = arith.index_cast %get3A_1079 : i32 to index
          %get3A_1082 = arith.index_cast %get3A_1080 : i32 to index
          %get3A_1083 = arith.constant 0 : index
          %get3A_1084 = tpu.vector_load %arg15[%get3A_1081, %get3A_1082, %get3A_1083] {strides = array<i32>} : memref<3x32x16xf32, #tpu.memory_space<vmem>>, vector<16xf32>,
          %mul3A_1085 = arith.mulf %mul3A_99, %get3A_1084 : vector<16xf32>
          %add3A_1086 = arith.addf %add3A_1078, %mul3A_1085 : vector<16xf32>
          %get3A_1087 = arith.constant 31 : i32
          %get3A_1088 = arith.index_cast %get3A_1087 : i32 to index
          %get3A_1089 = arith.constant 0 : index
          %get3A_1090 = tpu.vector_load %arg16[%get3A_1088, %get3A_1089] {strides = array<i32>} : memref<32x16xf32, #tpu.memory_space<vmem>>, vector<16xf32>,
          %add3A_1091 = arith.addf %add3A_1086, %get3A_1090 : vector<16xf32>
          %max3A_1092 = arith.constant 0.000000e+00 : f32
          %max3A_1093 = vector.broadcast %max3A_1092 : f32 to vector<16xf32>
          %max3A_1094 = arith.maximumf %add3A_1091, %max3A_1093 : vector<16xf32>
          %scan3A_1095 = arith.constant 0 : i32
          %scan3A_1096 = arith.constant 64 : i32
          %scan3A_1097 = arith.addi %scan3A_1095, %scan3A_1096 : i32
          %scan3A_1098 = arith.constant 1 : i32
          scf.for %scan3A_1100 = %scan3A_1095 to %scan3A_1097 step %scan3A_1098  : i32 {
            %get3A_1101 = arith.index_cast %scan3A_1100 : i32 to index
            %get3A_1102 = arith.constant 0 : index
            %get3A_1103 = tpu.vector_load %arg18[%get3A_1101, %get3A_1102] {strides = array<i32>} : memref<64x16xf32, #tpu.memory_space<vmem>>, vector<16xf32>,
            %get3A_1104 = arith.constant 0 : i32
            %get3A_1105 = arith.index_cast %get3A_1104 : i32 to index
            %get3A_1106 = arith.index_cast %scan3A_1100 : i32 to index
            %get3A_1107 = arith.constant 0 : index
            %get3A_1108 = tpu.vector_load %arg17[%get3A_1105, %get3A_1106, %get3A_1107] {strides = array<i32>} : memref<32x64x16xf32, #tpu.memory_space<vmem>>, vector<16xf32>,
            %mul3A_1109 = arith.mulf %max3A_133, %get3A_1108 : vector<16xf32>
            %add3A_1110 = arith.addf %get3A_1103, %mul3A_1109 : vector<16xf32>
            %get3A_1111 = arith.constant 1 : i32
            %get3A_1112 = arith.index_cast %get3A_1111 : i32 to index
            %get3A_1113 = arith.index_cast %scan3A_1100 : i32 to index
            %get3A_1114 = arith.constant 0 : index
            %get3A_1115 = tpu.vector_load %arg17[%get3A_1112, %get3A_1113, %get3A_1114] {strides = array<i32>} : memref<32x64x16xf32, #tpu.memory_space<vmem>>, vector<16xf32>,
            %mul3A_1116 = arith.mulf %max3A_164, %get3A_1115 : vector<16xf32>
            %add3A_1117 = arith.addf %add3A_1110, %mul3A_1116 : vector<16xf32>
            %get3A_1118 = arith.constant 2 : i32
            %get3A_1119 = arith.index_cast %get3A_1118 : i32 to index
            %get3A_1120 = arith.index_cast %scan3A_1100 : i32 to index
            %get3A_1121 = arith.constant 0 : index
            %get3A_1122 = tpu.vector_load %arg17[%get3A_1119, %get3A_1120, %get3A_1121] {strides = array<i32>} : memref<32x64x16xf32, #tpu.memory_space<vmem>>, vector<16xf32>,
            %mul3A_1123 = arith.mulf %max3A_195, %get3A_1122 : vector<16xf32>
            %add3A_1124 = arith.addf %add3A_1117, %mul3A_1123 : vector<16xf32>
            %get3A_1125 = arith.constant 3 : i32
            %get3A_1126 = arith.index_cast %get3A_1125 : i32 to index
            %get3A_1127 = arith.index_cast %scan3A_1100 : i32 to index
            %get3A_1128 = arith.constant 0 : index
            %get3A_1129 = tpu.vector_load %arg17[%get3A_1126, %get3A_1127, %get3A_1128] {strides = array<i32>} : memref<32x64x16xf32, #tpu.memory_space<vmem>>, vector<16xf32>,
            %mul3A_1130 = arith.mulf %max3A_226, %get3A_1129 : vector<16xf32>
            %add3A_1131 = arith.addf %add3A_1124, %mul3A_1130 : vector<16xf32>
            %get3A_1132 = arith.constant 4 : i32
            %get3A_1133 = arith.index_cast %get3A_1132 : i32 to index
            %get3A_1134 = arith.index_cast %scan3A_1100 : i32 to index
            %get3A_1135 = arith.constant 0 : index
            %get3A_1136 = tpu.vector_load %arg17[%get3A_1133, %get3A_1134, %get3A_1135] {strides = array<i32>} : memref<32x64x16xf32, #tpu.memory_space<vmem>>, vector<16xf32>,
            %mul3A_1137 = arith.mulf %max3A_257, %get3A_1136 : vector<16xf32>
            %add3A_1138 = arith.addf %add3A_1131, %mul3A_1137 : vector<16xf32>
            %get3A_1139 = arith.constant 5 : i32
            %get3A_1140 = arith.index_cast %get3A_1139 : i32 to index
            %get3A_1141 = arith.index_cast %scan3A_1100 : i32 to index
            %get3A_1142 = arith.constant 0 : index
            %get3A_1143 = tpu.vector_load %arg17[%get3A_1140, %get3A_1141, %get3A_1142] {strides = array<i32>} : memref<32x64x16xf32, #tpu.memory_space<vmem>>, vector<16xf32>,
            %mul3A_1144 = arith.mulf %max3A_288, %get3A_1143 : vector<16xf32>
            %add3A_1145 = arith.addf %add3A_1138, %mul3A_1144 : vector<16xf32>
            %get3A_1146 = arith.constant 6 : i32
            %get3A_1147 = arith.index_cast %get3A_1146 : i32 to index
            %get3A_1148 = arith.index_cast %scan3A_1100 : i32 to index
            %get3A_1149 = arith.constant 0 : index
            %get3A_1150 = tpu.vector_load %arg17[%get3A_1147, %get3A_1148, %get3A_1149] {strides = array<i32>} : memref<32x64x16xf32, #tpu.memory_space<vmem>>, vector<16xf32>,
            %mul3A_1151 = arith.mulf %max3A_319, %get3A_1150 : vector<16xf32>
            %add3A_1152 = arith.addf %add3A_1145, %mul3A_1151 : vector<16xf32>
            %get3A_1153 = arith.constant 7 : i32
            %get3A_1154 = arith.index_cast %get3A_1153 : i32 to index
            %get3A_1155 = arith.index_cast %scan3A_1100 : i32 to index
            %get3A_1156 = arith.constant 0 : index
            %get3A_1157 = tpu.vector_load %arg17[%get3A_1154, %get3A_1155, %get3A_1156] {strides = array<i32>} : memref<32x64x16xf32, #tpu.memory_space<vmem>>, vector<16xf32>,
            %mul3A_1158 = arith.mulf %max3A_350, %get3A_1157 : vector<16xf32>
            %add3A_1159 = arith.addf %add3A_1152, %mul3A_1158 : vector<16xf32>
            %get3A_1160 = arith.constant 8 : i32
            %get3A_1161 = arith.index_cast %get3A_1160 : i32 to index
            %get3A_1162 = arith.index_cast %scan3A_1100 : i32 to index
            %get3A_1163 = arith.constant 0 : index
            %get3A_1164 = tpu.vector_load %arg17[%get3A_1161, %get3A_1162, %get3A_1163] {strides = array<i32>} : memref<32x64x16xf32, #tpu.memory_space<vmem>>, vector<16xf32>,
            %mul3A_1165 = arith.mulf %max3A_381, %get3A_1164 : vector<16xf32>
            %add3A_1166 = arith.addf %add3A_1159, %mul3A_1165 : vector<16xf32>
            %get3A_1167 = arith.constant 9 : i32
            %get3A_1168 = arith.index_cast %get3A_1167 : i32 to index
            %get3A_1169 = arith.index_cast %scan3A_1100 : i32 to index
            %get3A_1170 = arith.constant 0 : index
            %get3A_1171 = tpu.vector_load %arg17[%get3A_1168, %get3A_1169, %get3A_1170] {strides = array<i32>} : memref<32x64x16xf32, #tpu.memory_space<vmem>>, vector<16xf32>,
            %mul3A_1172 = arith.mulf %max3A_412, %get3A_1171 : vector<16xf32>
            %add3A_1173 = arith.addf %add3A_1166, %mul3A_1172 : vector<16xf32>
            %get3A_1174 = arith.constant 10 : i32
            %get3A_1175 = arith.index_cast %get3A_1174 : i32 to index
            %get3A_1176 = arith.index_cast %scan3A_1100 : i32 to index
            %get3A_1177 = arith.constant 0 : index
            %get3A_1178 = tpu.vector_load %arg17[%get3A_1175, %get3A_1176, %get3A_1177] {strides = array<i32>} : memref<32x64x16xf32, #tpu.memory_space<vmem>>, vector<16xf32>,
            %mul3A_1179 = arith.mulf %max3A_443, %get3A_1178 : vector<16xf32>
            %add3A_1180 = arith.addf %add3A_1173, %mul3A_1179 : vector<16xf32>
            %get3A_1181 = arith.constant 11 : i32
            %get3A_1182 = arith.index_cast %get3A_1181 : i32 to index
            %get3A_1183 = arith.index_cast %scan3A_1100 : i32 to index
            %get3A_1184 = arith.constant 0 : index
            %get3A_1185 = tpu.vector_load %arg17[%get3A_1182, %get3A_1183, %get3A_1184] {strides = array<i32>} : memref<32x64x16xf32, #tpu.memory_space<vmem>>, vector<16xf32>,
            %mul3A_1186 = arith.mulf %max3A_474, %get3A_1185 : vector<16xf32>
            %add3A_1187 = arith.addf %add3A_1180, %mul3A_1186 : vector<16xf32>
            %get3A_1188 = arith.constant 12 : i32
            %get3A_1189 = arith.index_cast %get3A_1188 : i32 to index
            %get3A_1190 = arith.index_cast %scan3A_1100 : i32 to index
            %get3A_1191 = arith.constant 0 : index
            %get3A_1192 = tpu.vector_load %arg17[%get3A_1189, %get3A_1190, %get3A_1191] {strides = array<i32>} : memref<32x64x16xf32, #tpu.memory_space<vmem>>, vector<16xf32>,
            %mul3A_1193 = arith.mulf %max3A_505, %get3A_1192 : vector<16xf32>
            %add3A_1194 = arith.addf %add3A_1187, %mul3A_1193 : vector<16xf32>
            %get3A_1195 = arith.constant 13 : i32
            %get3A_1196 = arith.index_cast %get3A_1195 : i32 to index
            %get3A_1197 = arith.index_cast %scan3A_1100 : i32 to index
            %get3A_1198 = arith.constant 0 : index
            %get3A_1199 = tpu.vector_load %arg17[%get3A_1196, %get3A_1197, %get3A_1198] {strides = array<i32>} : memref<32x64x16xf32, #tpu.memory_space<vmem>>, vector<16xf32>,
            %mul3A_1200 = arith.mulf %max3A_536, %get3A_1199 : vector<16xf32>
            %add3A_1201 = arith.addf %add3A_1194, %mul3A_1200 : vector<16xf32>
            %get3A_1202 = arith.constant 14 : i32
            %get3A_1203 = arith.index_cast %get3A_1202 : i32 to index
            %get3A_1204 = arith.index_cast %scan3A_1100 : i32 to index
            %get3A_1205 = arith.constant 0 : index
            %get3A_1206 = tpu.vector_load %arg17[%get3A_1203, %get3A_1204, %get3A_1205] {strides = array<i32>} : memref<32x64x16xf32, #tpu.memory_space<vmem>>, vector<16xf32>,
            %mul3A_1207 = arith.mulf %max3A_567, %get3A_1206 : vector<16xf32>
            %add3A_1208 = arith.addf %add3A_1201, %mul3A_1207 : vector<16xf32>
            %get3A_1209 = arith.constant 15 : i32
            %get3A_1210 = arith.index_cast %get3A_1209 : i32 to index
            %get3A_1211 = arith.index_cast %scan3A_1100 : i32 to index
            %get3A_1212 = arith.constant 0 : index
            %get3A_1213 = tpu.vector_load %arg17[%get3A_1210, %get3A_1211, %get3A_1212] {strides = array<i32>} : memref<32x64x16xf32, #tpu.memory_space<vmem>>, vector<16xf32>,
            %mul3A_1214 = arith.mulf %max3A_598, %get3A_1213 : vector<16xf32>
            %add3A_1215 = arith.addf %add3A_1208, %mul3A_1214 : vector<16xf32>
            %get3A_1216 = arith.constant 16 : i32
            %get3A_1217 = arith.index_cast %get3A_1216 : i32 to index
            %get3A_1218 = arith.index_cast %scan3A_1100 : i32 to index
            %get3A_1219 = arith.constant 0 : index
            %get3A_1220 = tpu.vector_load %arg17[%get3A_1217, %get3A_1218, %get3A_1219] {strides = array<i32>} : memref<32x64x16xf32, #tpu.memory_space<vmem>>, vector<16xf32>,
            %mul3A_1221 = arith.mulf %max3A_629, %get3A_1220 : vector<16xf32>
            %add3A_1222 = arith.addf %add3A_1215, %mul3A_1221 : vector<16xf32>
            %get3A_1223 = arith.constant 17 : i32
            %get3A_1224 = arith.index_cast %get3A_1223 : i32 to index
            %get3A_1225 = arith.index_cast %scan3A_1100 : i32 to index
            %get3A_1226 = arith.constant 0 : index
            %get3A_1227 = tpu.vector_load %arg17[%get3A_1224, %get3A_1225, %get3A_1226] {strides = array<i32>} : memref<32x64x16xf32, #tpu.memory_space<vmem>>, vector<16xf32>,
            %mul3A_1228 = arith.mulf %max3A_660, %get3A_1227 : vector<16xf32>
            %add3A_1229 = arith.addf %add3A_1222, %mul3A_1228 : vector<16xf32>
            %get3A_1230 = arith.constant 18 : i32
            %get3A_1231 = arith.index_cast %get3A_1230 : i32 to index
            %get3A_1232 = arith.index_cast %scan3A_1100 : i32 to index
            %get3A_1233 = arith.constant 0 : index
            %get3A_1234 = tpu.vector_load %arg17[%get3A_1231, %get3A_1232, %get3A_1233] {strides = array<i32>} : memref<32x64x16xf32, #tpu.memory_space<vmem>>, vector<16xf32>,
            %mul3A_1235 = arith.mulf %max3A_691, %get3A_1234 : vector<16xf32>
            %add3A_1236 = arith.addf %add3A_1229, %mul3A_1235 : vector<16xf32>
            %get3A_1237 = arith.constant 19 : i32
            %get3A_1238 = arith.index_cast %get3A_1237 : i32 to index
            %get3A_1239 = arith.index_cast %scan3A_1100 : i32 to index
            %get3A_1240 = arith.constant 0 : index
            %get3A_1241 = tpu.vector_load %arg17[%get3A_1238, %get3A_1239, %get3A_1240] {strides = array<i32>} : memref<32x64x16xf32, #tpu.memory_space<vmem>>, vector<16xf32>,
            %mul3A_1242 = arith.mulf %max3A_722, %get3A_1241 : vector<16xf32>
            %add3A_1243 = arith.addf %add3A_1236, %mul3A_1242 : vector<16xf32>
            %get3A_1244 = arith.constant 20 : i32
            %get3A_1245 = arith.index_cast %get3A_1244 : i32 to index
            %get3A_1246 = arith.index_cast %scan3A_1100 : i32 to index
            %get3A_1247 = arith.constant 0 : index
            %get3A_1248 = tpu.vector_load %arg17[%get3A_1245, %get3A_1246, %get3A_1247] {strides = array<i32>} : memref<32x64x16xf32, #tpu.memory_space<vmem>>, vector<16xf32>,
            %mul3A_1249 = arith.mulf %max3A_753, %get3A_1248 : vector<16xf32>
            %add3A_1250 = arith.addf %add3A_1243, %mul3A_1249 : vector<16xf32>
            %get3A_1251 = arith.constant 21 : i32
            %get3A_1252 = arith.index_cast %get3A_1251 : i32 to index
            %get3A_1253 = arith.index_cast %scan3A_1100 : i32 to index
            %get3A_1254 = arith.constant 0 : index
            %get3A_1255 = tpu.vector_load %arg17[%get3A_1252, %get3A_1253, %get3A_1254] {strides = array<i32>} : memref<32x64x16xf32, #tpu.memory_space<vmem>>, vector<16xf32>,
            %mul3A_1256 = arith.mulf %max3A_784, %get3A_1255 : vector<16xf32>
            %add3A_1257 = arith.addf %add3A_1250, %mul3A_1256 : vector<16xf32>
            %get3A_1258 = arith.constant 22 : i32
            %get3A_1259 = arith.index_cast %get3A_1258 : i32 to index
            %get3A_1260 = arith.index_cast %scan3A_1100 : i32 to index
            %get3A_1261 = arith.constant 0 : index
            %get3A_1262 = tpu.vector_load %arg17[%get3A_1259, %get3A_1260, %get3A_1261] {strides = array<i32>} : memref<32x64x16xf32, #tpu.memory_space<vmem>>, vector<16xf32>,
            %mul3A_1263 = arith.mulf %max3A_815, %get3A_1262 : vector<16xf32>
            %add3A_1264 = arith.addf %add3A_1257, %mul3A_1263 : vector<16xf32>
            %get3A_1265 = arith.constant 23 : i32
            %get3A_1266 = arith.index_cast %get3A_1265 : i32 to index
            %get3A_1267 = arith.index_cast %scan3A_1100 : i32 to index
            %get3A_1268 = arith.constant 0 : index
            %get3A_1269 = tpu.vector_load %arg17[%get3A_1266, %get3A_1267, %get3A_1268] {strides = array<i32>} : memref<32x64x16xf32, #tpu.memory_space<vmem>>, vector<16xf32>,
            %mul3A_1270 = arith.mulf %max3A_846, %get3A_1269 : vector<16xf32>
            %add3A_1271 = arith.addf %add3A_1264, %mul3A_1270 : vector<16xf32>
            %get3A_1272 = arith.constant 24 : i32
            %get3A_1273 = arith.index_cast %get3A_1272 : i32 to index
            %get3A_1274 = arith.index_cast %scan3A_1100 : i32 to index
            %get3A_1275 = arith.constant 0 : index
            %get3A_1276 = tpu.vector_load %arg17[%get3A_1273, %get3A_1274, %get3A_1275] {strides = array<i32>} : memref<32x64x16xf32, #tpu.memory_space<vmem>>, vector<16xf32>,
            %mul3A_1277 = arith.mulf %max3A_877, %get3A_1276 : vector<16xf32>
            %add3A_1278 = arith.addf %add3A_1271, %mul3A_1277 : vector<16xf32>
            %get3A_1279 = arith.constant 25 : i32
            %get3A_1280 = arith.index_cast %get3A_1279 : i32 to index
            %get3A_1281 = arith.index_cast %scan3A_1100 : i32 to index
            %get3A_1282 = arith.constant 0 : index
            %get3A_1283 = tpu.vector_load %arg17[%get3A_1280, %get3A_1281, %get3A_1282] {strides = array<i32>} : memref<32x64x16xf32, #tpu.memory_space<vmem>>, vector<16xf32>,
            %mul3A_1284 = arith.mulf %max3A_908, %get3A_1283 : vector<16xf32>
            %add3A_1285 = arith.addf %add3A_1278, %mul3A_1284 : vector<16xf32>
            %get3A_1286 = arith.constant 26 : i32
            %get3A_1287 = arith.index_cast %get3A_1286 : i32 to index
            %get3A_1288 = arith.index_cast %scan3A_1100 : i32 to index
            %get3A_1289 = arith.constant 0 : index
            %get3A_1290 = tpu.vector_load %arg17[%get3A_1287, %get3A_1288, %get3A_1289] {strides = array<i32>} : memref<32x64x16xf32, #tpu.memory_space<vmem>>, vector<16xf32>,
            %mul3A_1291 = arith.mulf %max3A_939, %get3A_1290 : vector<16xf32>
            %add3A_1292 = arith.addf %add3A_1285, %mul3A_1291 : vector<16xf32>
            %get3A_1293 = arith.constant 27 : i32
            %get3A_1294 = arith.index_cast %get3A_1293 : i32 to index
            %get3A_1295 = arith.index_cast %scan3A_1100 : i32 to index
            %get3A_1296 = arith.constant 0 : index
            %get3A_1297 = tpu.vector_load %arg17[%get3A_1294, %get3A_1295, %get3A_1296] {strides = array<i32>} : memref<32x64x16xf32, #tpu.memory_space<vmem>>, vector<16xf32>,
            %mul3A_1298 = arith.mulf %max3A_970, %get3A_1297 : vector<16xf32>
            %add3A_1299 = arith.addf %add3A_1292, %mul3A_1298 : vector<16xf32>
            %get3A_1300 = arith.constant 28 : i32
            %get3A_1301 = arith.index_cast %get3A_1300 : i32 to index
            %get3A_1302 = arith.index_cast %scan3A_1100 : i32 to index
            %get3A_1303 = arith.constant 0 : index
            %get3A_1304 = tpu.vector_load %arg17[%get3A_1301, %get3A_1302, %get3A_1303] {strides = array<i32>} : memref<32x64x16xf32, #tpu.memory_space<vmem>>, vector<16xf32>,
            %mul3A_1305 = arith.mulf %max3A_1001, %get3A_1304 : vector<16xf32>
            %add3A_1306 = arith.addf %add3A_1299, %mul3A_1305 : vector<16xf32>
            %get3A_1307 = arith.constant 29 : i32
            %get3A_1308 = arith.index_cast %get3A_1307 : i32 to index
            %get3A_1309 = arith.index_cast %scan3A_1100 : i32 to index
            %get3A_1310 = arith.constant 0 : index
            %get3A_1311 = tpu.vector_load %arg17[%get3A_1308, %get3A_1309, %get3A_1310] {strides = array<i32>} : memref<32x64x16xf32, #tpu.memory_space<vmem>>, vector<16xf32>,
            %mul3A_1312 = arith.mulf %max3A_1032, %get3A_1311 : vector<16xf32>
            %add3A_1313 = arith.addf %add3A_1306, %mul3A_1312 : vector<16xf32>
            %get3A_1314 = arith.constant 30 : i32
            %get3A_1315 = arith.index_cast %get3A_1314 : i32 to index
            %get3A_1316 = arith.index_cast %scan3A_1100 : i32 to index
            %get3A_1317 = arith.constant 0 : index
            %get3A_1318 = tpu.vector_load %arg17[%get3A_1315, %get3A_1316, %get3A_1317] {strides = array<i32>} : memref<32x64x16xf32, #tpu.memory_space<vmem>>, vector<16xf32>,
            %mul3A_1319 = arith.mulf %max3A_1063, %get3A_1318 : vector<16xf32>
            %add3A_1320 = arith.addf %add3A_1313, %mul3A_1319 : vector<16xf32>
            %get3A_1321 = arith.constant 31 : i32
            %get3A_1322 = arith.index_cast %get3A_1321 : i32 to index
            %get3A_1323 = arith.index_cast %scan3A_1100 : i32 to index
            %get3A_1324 = arith.constant 0 : index
            %get3A_1325 = tpu.vector_load %arg17[%get3A_1322, %get3A_1323, %get3A_1324] {strides = array<i32>} : memref<32x64x16xf32, #tpu.memory_space<vmem>>, vector<16xf32>,
            %mul3A_1326 = arith.mulf %max3A_1094, %get3A_1325 : vector<16xf32>
            %add3A_1327 = arith.addf %add3A_1320, %mul3A_1326 : vector<16xf32>
            %jit3A_1328 = arith.constant -3.000000e+38 : f32
            %broadcast_in_dim3A_1329 = vector.broadcast %jit3A_1328 : f32 to vector<16xf32>
            %select_n3A_1330 = arith.select %lt3A, %add3A_1327, %broadcast_in_dim3A_1329 : vector<16xi1>, vector<16xf32>
            %get3A_1331 = arith.index_cast %scan3A_1100 : i32 to index
            %get3A_1332 = arith.constant 0 : index
            %get3A_1333 = tpu.vector_load %arg21[%get3A_1331, %get3A_1332] {strides = array<i32>} : memref<64x16xf32, #tpu.memory_space<vmem>>, vector<16xf32>,
            %max3A_1334 = arith.maximumf %get3A_1333, %select_n3A_1330 : vector<16xf32>
            %swap3A_1335 = arith.index_cast %scan3A_1100 : i32 to index
            %swap3A_1336 = arith.constant 0 : index
            %swap3A_1337 = tpu.vector_load %arg21[%swap3A_1335, %swap3A_1336] {strides = array<i32>} : memref<64x16xf32, #tpu.memory_space<vmem>>, vector<16xf32>,
            tpu.vector_store %arg21[%swap3A_1335, %swap3A_1336], %max3A_1334 {strides = array<i32>} : memref<64x16xf32, #tpu.memory_space<vmem>>, vector<16xf32>,
            %get3A_1338 = arith.index_cast %scan3A_1100 : i32 to index
            %get3A_1339 = arith.constant 0 : index
            %get3A_1340 = tpu.vector_load %arg22[%get3A_1338, %get3A_1339] {strides = array<i32>} : memref<64x16xf32, #tpu.memory_space<vmem>>, vector<16xf32>,
            %mul3A_1341 = arith.mulf %select_n3A_103, %add3A_1327 : vector<16xf32>
            %add3A_1342 = arith.addf %get3A_1340, %mul3A_1341 : vector<16xf32>
            %swap3A_1343 = arith.index_cast %scan3A_1100 : i32 to index
            %swap3A_1344 = arith.constant 0 : index
            %swap3A_1345 = tpu.vector_load %arg22[%swap3A_1343, %swap3A_1344] {strides = array<i32>} : memref<64x16xf32, #tpu.memory_space<vmem>>, vector<16xf32>,
            tpu.vector_store %arg22[%swap3A_1343, %swap3A_1344], %add3A_1342 {strides = array<i32>} : memref<64x16xf32, #tpu.memory_space<vmem>>, vector<16xf32>,
          }
          %scan3A_1099 = arith.constant 64 : i32
        }
        %while3A_64 = arith.constant 1 : i32
        scf.for %while3A_76 = %while3A_62 to %while3A_58 step %while3A_64  : i32 {
          %mul3A_77 = arith.constant 16 : i32
          %mul3A_78 = arith.muli %while3A_76, %mul3A_77 : i32
          %add3A_79 = vector.broadcast %mul3A_78 : i32 to vector<16xi32>
          %add3A_80 = arith.addi %add3A_79, %iota3A : vector<16xi32>
          %lt3A = arith.cmpi slt, %add3A_80, %gather3A : vector<16xi32>
          %min3A = arith.constant 255 : i32
          %min3A_81 = vector.broadcast %min3A : i32 to vector<16xi32>
          %min3A_82 = arith.minsi %add3A_80, %min3A_81 : vector<16xi32>
          %mul3A_83 = arith.constant 3 : i32
          %mul3A_84 = vector.broadcast %mul3A_83 : i32 to vector<16xi32>
          %mul3A_85 = arith.muli %min3A_82, %mul3A_84 : vector<16xi32>
          %gather3A_86 = tpu.vector_load_idx %arg12[%broadcast_in_dim3A, %mul3A_85] : memref<16x768xf32, #tpu.memory_space<vmem>>[vector<16xi32>, vector<16xi32>], vector<16xf32>,
          %add3A_87 = arith.constant 1 : i32
          %add3A_88 = vector.broadcast %add3A_87 : i32 to vector<16xi32>
          %add3A_89 = arith.addi %mul3A_85, %add3A_88 : vector<16xi32>
          %gather3A_90 = tpu.vector_load_idx %arg12[%broadcast_in_dim3A, %add3A_89] : memref<16x768xf32, #tpu.memory_space<vmem>>[vector<16xi32>, vector<16xi32>], vector<16xf32>,
          %add3A_91 = arith.constant 2 : i32
          %add3A_92 = vector.broadcast %add3A_91 : i32 to vector<16xi32>
          %add3A_93 = arith.addi %mul3A_85, %add3A_92 : vector<16xi32>
          %gather3A_94 = tpu.vector_load_idx %arg12[%broadcast_in_dim3A, %add3A_93] : memref<16x768xf32, #tpu.memory_space<vmem>>[vector<16xi32>, vector<16xi32>], vector<16xf32>,
          %sub3A = arith.subf %gather3A_86, %gather3A_19 : vector<16xf32>
          %mul3A_95 = arith.mulf %sub3A, %gather3A_28 : vector<16xf32>
          %sub3A_96 = arith.subf %gather3A_90, %gather3A_22 : vector<16xf32>
          %mul3A_97 = arith.mulf %sub3A_96, %gather3A_31 : vector<16xf32>
          %sub3A_98 = arith.subf %gather3A_94, %gather3A_25 : vector<16xf32>
          %mul3A_99 = arith.mulf %sub3A_98, %gather3A_34 : vector<16xf32>
          %convert_element_type3A_100 = arith.sitofp %add3A_80 : vector<16xi32> to vector<16xf32>
          %lt3A_101 = arith.cmpf olt, %convert_element_type3A_100, %gather3A_43 : vector<16xf32>
          %select_n3A = arith.select %lt3A_101, %gather3A_40, %gather3A_37 : vector<16xi1>, vector<16xf32>
          %jit3A = arith.constant 0.000000e+00 : f32
          %broadcast_in_dim3A_102 = vector.broadcast %jit3A : f32 to vector<16xf32>
          %select_n3A_103 = arith.select %lt3A, %select_n3A, %broadcast_in_dim3A_102 : vector<16xi1>, vector<16xf32>
          %get3A_104 = arith.constant 0 : i32
          %get3A_105 = arith.constant 0 : i32
          %get3A_106 = arith.index_cast %get3A_104 : i32 to index
          %get3A_107 = arith.index_cast %get3A_105 : i32 to index
          %get3A_108 = arith.constant 0 : index
          %get3A_109 = tpu.vector_load %arg15[%get3A_106, %get3A_107, %get3A_108] {strides = array<i32>} : memref<3x32x16xf32, #tpu.memory_space<vmem>>, vector<16xf32>,
          %mul3A_110 = arith.mulf %mul3A_95, %get3A_109 : vector<16xf32>
          %get3A_111 = arith.constant 1 : i32
          %get3A_112 = arith.constant 0 : i32
          %get3A_113 = arith.index_cast %get3A_111 : i32 to index
          %get3A_114 = arith.index_cast %get3A_112 : i32 to index
          %get3A_115 = arith.constant 0 : index
          %get3A_116 = tpu.vector_load %arg15[%get3A_113, %get3A_114, %get3A_115] {strides = array<i32>} : memref<3x32x16xf32, #tpu.memory_space<vmem>>, vector<16xf32>,
          %mul3A_117 = arith.mulf %mul3A_97, %get3A_116 : vector<16xf32>
          %add3A_118 = arith.addf %mul3A_110, %mul3A_117 : vector<16xf32>
          %get3A_119 = arith.constant 2 : i32
          %get3A_120 = arith.constant 0 : i32
          %get3A_121 = arith.index_cast %get3A_119 : i32 to index
          %get3A_122 = arith.index_cast %get3A_120 : i32 to index
          %get3A_123 = arith.constant 0 : index
          %get3A_124 = tpu.vector_load %arg15[%get3A_121, %get3A_122, %get3A_123] {strides = array<i32>} : memref<3x32x16xf32, #tpu.memory_space<vmem>>, vector<16xf32>,
          %mul3A_125 = arith.mulf %mul3A_99, %get3A_124 : vector<16xf32>
          %add3A_126 = arith.addf %add3A_118, %mul3A_125 : vector<16xf32>
          %get3A_127 = arith.constant 0 : i32
          %get3A_128 = arith.index_cast %get3A_127 : i32 to index
          %get3A_129 = arith.constant 0 : index
          %get3A_130 = tpu.vector_load %arg16[%get3A_128, %get3A_129] {strides = array<i32>} : memref<32x16xf32, #tpu.memory_space<vmem>>, vector<16xf32>,
          %add3A_131 = arith.addf %add3A_126, %get3A_130 : vector<16xf32>
          %max3A = arith.constant 0.000000e+00 : f32
          %max3A_132 = vector.broadcast %max3A : f32 to vector<16xf32>
          %max3A_133 = arith.maximumf %add3A_131, %max3A_132 : vector<16xf32>
          %get3A_134 = arith.constant 0 : i32
          %get3A_135 = arith.constant 1 : i32
          %get3A_136 = arith.index_cast %get3A_134 : i32 to index
          %get3A_137 = arith.index_cast %get3A_135 : i32 to index
          %get3A_138 = arith.constant 0 : index
          %get3A_139 = tpu.vector_load %arg15[%get3A_136, %get3A_137, %get3A_138] {strides = array<i32>} : memref<3x32x16xf32, #tpu.memory_space<vmem>>, vector<16xf32>,
          %mul3A_140 = arith.mulf %mul3A_95, %get3A_139 : vector<16xf32>
          %get3A_141 = arith.constant 1 : i32
          %get3A_142 = arith.constant 1 : i32
          %get3A_143 = arith.index_cast %get3A_141 : i32 to index
          %get3A_144 = arith.index_cast %get3A_142 : i32 to index
          %get3A_145 = arith.constant 0 : index
          %get3A_146 = tpu.vector_load %arg15[%get3A_143, %get3A_144, %get3A_145] {strides = array<i32>} : memref<3x32x16xf32, #tpu.memory_space<vmem>>, vector<16xf32>,
          %mul3A_147 = arith.mulf %mul3A_97, %get3A_146 : vector<16xf32>
          %add3A_148 = arith.addf %mul3A_140, %mul3A_147 : vector<16xf32>
          %get3A_149 = arith.constant 2 : i32
          %get3A_150 = arith.constant 1 : i32
          %get3A_151 = arith.index_cast %get3A_149 : i32 to index
          %get3A_152 = arith.index_cast %get3A_150 : i32 to index
          %get3A_153 = arith.constant 0 : index
          %get3A_154 = tpu.vector_load %arg15[%get3A_151, %get3A_152, %get3A_153] {strides = array<i32>} : memref<3x32x16xf32, #tpu.memory_space<vmem>>, vector<16xf32>,
          %mul3A_155 = arith.mulf %mul3A_99, %get3A_154 : vector<16xf32>
          %add3A_156 = arith.addf %add3A_148, %mul3A_155 : vector<16xf32>
          %get3A_157 = arith.constant 1 : i32
          %get3A_158 = arith.index_cast %get3A_157 : i32 to index
          %get3A_159 = arith.constant 0 : index
          %get3A_160 = tpu.vector_load %arg16[%get3A_158, %get3A_159] {strides = array<i32>} : memref<32x16xf32, #tpu.memory_space<vmem>>, vector<16xf32>,
          %add3A_161 = arith.addf %add3A_156, %get3A_160 : vector<16xf32>
          %max3A_162 = arith.constant 0.000000e+00 : f32
          %max3A_163 = vector.broadcast %max3A_162 : f32 to vector<16xf32>
          %max3A_164 = arith.maximumf %add3A_161, %max3A_163 : vector<16xf32>
          %get3A_165 = arith.constant 0 : i32
          %get3A_166 = arith.constant 2 : i32
          %get3A_167 = arith.index_cast %get3A_165 : i32 to index
          %get3A_168 = arith.index_cast %get3A_166 : i32 to index
          %get3A_169 = arith.constant 0 : index
          %get3A_170 = tpu.vector_load %arg15[%get3A_167, %get3A_168, %get3A_169] {strides = array<i32>} : memref<3x32x16xf32, #tpu.memory_space<vmem>>, vector<16xf32>,
          %mul3A_171 = arith.mulf %mul3A_95, %get3A_170 : vector<16xf32>
          %get3A_172 = arith.constant 1 : i32
          %get3A_173 = arith.constant 2 : i32
          %get3A_174 = arith.index_cast %get3A_172 : i32 to index
          %get3A_175 = arith.index_cast %get3A_173 : i32 to index
          %get3A_176 = arith.constant 0 : index
          %get3A_177 = tpu.vector_load %arg15[%get3A_174, %get3A_175, %get3A_176] {strides = array<i32>} : memref<3x32x16xf32, #tpu.memory_space<vmem>>, vector<16xf32>,
          %mul3A_178 = arith.mulf %mul3A_97, %get3A_177 : vector<16xf32>
          %add3A_179 = arith.addf %mul3A_171, %mul3A_178 : vector<16xf32>
          %get3A_180 = arith.constant 2 : i32
          %get3A_181 = arith.constant 2 : i32
          %get3A_182 = arith.index_cast %get3A_180 : i32 to index
          %get3A_183 = arith.index_cast %get3A_181 : i32 to index
          %get3A_184 = arith.constant 0 : index
          %get3A_185 = tpu.vector_load %arg15[%get3A_182, %get3A_183, %get3A_184] {strides = array<i32>} : memref<3x32x16xf32, #tpu.memory_space<vmem>>, vector<16xf32>,
          %mul3A_186 = arith.mulf %mul3A_99, %get3A_185 : vector<16xf32>
          %add3A_187 = arith.addf %add3A_179, %mul3A_186 : vector<16xf32>
          %get3A_188 = arith.constant 2 : i32
          %get3A_189 = arith.index_cast %get3A_188 : i32 to index
          %get3A_190 = arith.constant 0 : index
          %get3A_191 = tpu.vector_load %arg16[%get3A_189, %get3A_190] {strides = array<i32>} : memref<32x16xf32, #tpu.memory_space<vmem>>, vector<16xf32>,
          %add3A_192 = arith.addf %add3A_187, %get3A_191 : vector<16xf32>
          %max3A_193 = arith.constant 0.000000e+00 : f32
          %max3A_194 = vector.broadcast %max3A_193 : f32 to vector<16xf32>
          %max3A_195 = arith.maximumf %add3A_192, %max3A_194 : vector<16xf32>
          %get3A_196 = arith.constant 0 : i32
          %get3A_197 = arith.constant 3 : i32
          %get3A_198 = arith.index_cast %get3A_196 : i32 to index
          %get3A_199 = arith.index_cast %get3A_197 : i32 to index
          %get3A_200 = arith.constant 0 : index
          %get3A_201 = tpu.vector_load %arg15[%get3A_198, %get3A_199, %get3A_200] {strides = array<i32>} : memref<3x32x16xf32, #tpu.memory_space<vmem>>, vector<16xf32>,
          %mul3A_202 = arith.mulf %mul3A_95, %get3A_201 : vector<16xf32>
          %get3A_203 = arith.constant 1 : i32
          %get3A_204 = arith.constant 3 : i32
          %get3A_205 = arith.index_cast %get3A_203 : i32 to index
          %get3A_206 = arith.index_cast %get3A_204 : i32 to index
          %get3A_207 = arith.constant 0 : index
          %get3A_208 = tpu.vector_load %arg15[%get3A_205, %get3A_206, %get3A_207] {strides = array<i32>} : memref<3x32x16xf32, #tpu.memory_space<vmem>>, vector<16xf32>,
          %mul3A_209 = arith.mulf %mul3A_97, %get3A_208 : vector<16xf32>
          %add3A_210 = arith.addf %mul3A_202, %mul3A_209 : vector<16xf32>
          %get3A_211 = arith.constant 2 : i32
          %get3A_212 = arith.constant 3 : i32
          %get3A_213 = arith.index_cast %get3A_211 : i32 to index
          %get3A_214 = arith.index_cast %get3A_212 : i32 to index
          %get3A_215 = arith.constant 0 : index
          %get3A_216 = tpu.vector_load %arg15[%get3A_213, %get3A_214, %get3A_215] {strides = array<i32>} : memref<3x32x16xf32, #tpu.memory_space<vmem>>, vector<16xf32>,
          %mul3A_217 = arith.mulf %mul3A_99, %get3A_216 : vector<16xf32>
          %add3A_218 = arith.addf %add3A_210, %mul3A_217 : vector<16xf32>
          %get3A_219 = arith.constant 3 : i32
          %get3A_220 = arith.index_cast %get3A_219 : i32 to index
          %get3A_221 = arith.constant 0 : index
          %get3A_222 = tpu.vector_load %arg16[%get3A_220, %get3A_221] {strides = array<i32>} : memref<32x16xf32, #tpu.memory_space<vmem>>, vector<16xf32>,
          %add3A_223 = arith.addf %add3A_218, %get3A_222 : vector<16xf32>
          %max3A_224 = arith.constant 0.000000e+00 : f32
          %max3A_225 = vector.broadcast %max3A_224 : f32 to vector<16xf32>
          %max3A_226 = arith.maximumf %add3A_223, %max3A_225 : vector<16xf32>
          %get3A_227 = arith.constant 0 : i32
          %get3A_228 = arith.constant 4 : i32
          %get3A_229 = arith.index_cast %get3A_227 : i32 to index
          %get3A_230 = arith.index_cast %get3A_228 : i32 to index
          %get3A_231 = arith.constant 0 : index
          %get3A_232 = tpu.vector_load %arg15[%get3A_229, %get3A_230, %get3A_231] {strides = array<i32>} : memref<3x32x16xf32, #tpu.memory_space<vmem>>, vector<16xf32>,
          %mul3A_233 = arith.mulf %mul3A_95, %get3A_232 : vector<16xf32>
          %get3A_234 = arith.constant 1 : i32
          %get3A_235 = arith.constant 4 : i32
          %get3A_236 = arith.index_cast %get3A_234 : i32 to index
          %get3A_237 = arith.index_cast %get3A_235 : i32 to index
          %get3A_238 = arith.constant 0 : index
          %get3A_239 = tpu.vector_load %arg15[%get3A_236, %get3A_237, %get3A_238] {strides = array<i32>} : memref<3x32x16xf32, #tpu.memory_space<vmem>>, vector<16xf32>,
          %mul3A_240 = arith.mulf %mul3A_97, %get3A_239 : vector<16xf32>
          %add3A_241 = arith.addf %mul3A_233, %mul3A_240 : vector<16xf32>
          %get3A_242 = arith.constant 2 : i32
          %get3A_243 = arith.constant 4 : i32
          %get3A_244 = arith.index_cast %get3A_242 : i32 to index
          %get3A_245 = arith.index_cast %get3A_243 : i32 to index
          %get3A_246 = arith.constant 0 : index
          %get3A_247 = tpu.vector_load %arg15[%get3A_244, %get3A_245, %get3A_246] {strides = array<i32>} : memref<3x32x16xf32, #tpu.memory_space<vmem>>, vector<16xf32>,
          %mul3A_248 = arith.mulf %mul3A_99, %get3A_247 : vector<16xf32>
          %add3A_249 = arith.addf %add3A_241, %mul3A_248 : vector<16xf32>
          %get3A_250 = arith.constant 4 : i32
          %get3A_251 = arith.index_cast %get3A_250 : i32 to index
          %get3A_252 = arith.constant 0 : index
          %get3A_253 = tpu.vector_load %arg16[%get3A_251, %get3A_252] {strides = array<i32>} : memref<32x16xf32, #tpu.memory_space<vmem>>, vector<16xf32>,
          %add3A_254 = arith.addf %add3A_249, %get3A_253 : vector<16xf32>
          %max3A_255 = arith.constant 0.000000e+00 : f32
          %max3A_256 = vector.broadcast %max3A_255 : f32 to vector<16xf32>
          %max3A_257 = arith.maximumf %add3A_254, %max3A_256 : vector<16xf32>
          %get3A_258 = arith.constant 0 : i32
          %get3A_259 = arith.constant 5 : i32
          %get3A_260 = arith.index_cast %get3A_258 : i32 to index
          %get3A_261 = arith.index_cast %get3A_259 : i32 to index
          %get3A_262 = arith.constant 0 : index
          %get3A_263 = tpu.vector_load %arg15[%get3A_260, %get3A_261, %get3A_262] {strides = array<i32>} : memref<3x32x16xf32, #tpu.memory_space<vmem>>, vector<16xf32>,
          %mul3A_264 = arith.mulf %mul3A_95, %get3A_263 : vector<16xf32>
          %get3A_265 = arith.constant 1 : i32
          %get3A_266 = arith.constant 5 : i32
          %get3A_267 = arith.index_cast %get3A_265 : i32 to index
          %get3A_268 = arith.index_cast %get3A_266 : i32 to index
          %get3A_269 = arith.constant 0 : index
          %get3A_270 = tpu.vector_load %arg15[%get3A_267, %get3A_268, %get3A_269] {strides = array<i32>} : memref<3x32x16xf32, #tpu.memory_space<vmem>>, vector<16xf32>,
          %mul3A_271 = arith.mulf %mul3A_97, %get3A_270 : vector<16xf32>
          %add3A_272 = arith.addf %mul3A_264, %mul3A_271 : vector<16xf32>
          %get3A_273 = arith.constant 2 : i32
          %get3A_274 = arith.constant 5 : i32
          %get3A_275 = arith.index_cast %get3A_273 : i32 to index
          %get3A_276 = arith.index_cast %get3A_274 : i32 to index
          %get3A_277 = arith.constant 0 : index
          %get3A_278 = tpu.vector_load %arg15[%get3A_275, %get3A_276, %get3A_277] {strides = array<i32>} : memref<3x32x16xf32, #tpu.memory_space<vmem>>, vector<16xf32>,
          %mul3A_279 = arith.mulf %mul3A_99, %get3A_278 : vector<16xf32>
          %add3A_280 = arith.addf %add3A_272, %mul3A_279 : vector<16xf32>
          %get3A_281 = arith.constant 5 : i32
          %get3A_282 = arith.index_cast %get3A_281 : i32 to index
          %get3A_283 = arith.constant 0 : index
          %get3A_284 = tpu.vector_load %arg16[%get3A_282, %get3A_283] {strides = array<i32>} : memref<32x16xf32, #tpu.memory_space<vmem>>, vector<16xf32>,
          %add3A_285 = arith.addf %add3A_280, %get3A_284 : vector<16xf32>
          %max3A_286 = arith.constant 0.000000e+00 : f32
          %max3A_287 = vector.broadcast %max3A_286 : f32 to vector<16xf32>
          %max3A_288 = arith.maximumf %add3A_285, %max3A_287 : vector<16xf32>
          %get3A_289 = arith.constant 0 : i32
          %get3A_290 = arith.constant 6 : i32
          %get3A_291 = arith.index_cast %get3A_289 : i32 to index
          %get3A_292 = arith.index_cast %get3A_290 : i32 to index
          %get3A_293 = arith.constant 0 : index
          %get3A_294 = tpu.vector_load %arg15[%get3A_291, %get3A_292, %get3A_293] {strides = array<i32>} : memref<3x32x16xf32, #tpu.memory_space<vmem>>, vector<16xf32>,
          %mul3A_295 = arith.mulf %mul3A_95, %get3A_294 : vector<16xf32>
          %get3A_296 = arith.constant 1 : i32
          %get3A_297 = arith.constant 6 : i32
          %get3A_298 = arith.index_cast %get3A_296 : i32 to index
          %get3A_299 = arith.index_cast %get3A_297 : i32 to index
          %get3A_300 = arith.constant 0 : index
          %get3A_301 = tpu.vector_load %arg15[%get3A_298, %get3A_299, %get3A_300] {strides = array<i32>} : memref<3x32x16xf32, #tpu.memory_space<vmem>>, vector<16xf32>,
          %mul3A_302 = arith.mulf %mul3A_97, %get3A_301 : vector<16xf32>
          %add3A_303 = arith.addf %mul3A_295, %mul3A_302 : vector<16xf32>
          %get3A_304 = arith.constant 2 : i32
          %get3A_305 = arith.constant 6 : i32
          %get3A_306 = arith.index_cast %get3A_304 : i32 to index
          %get3A_307 = arith.index_cast %get3A_305 : i32 to index
          %get3A_308 = arith.constant 0 : index
          %get3A_309 = tpu.vector_load %arg15[%get3A_306, %get3A_307, %get3A_308] {strides = array<i32>} : memref<3x32x16xf32, #tpu.memory_space<vmem>>, vector<16xf32>,
          %mul3A_310 = arith.mulf %mul3A_99, %get3A_309 : vector<16xf32>
          %add3A_311 = arith.addf %add3A_303, %mul3A_310 : vector<16xf32>
          %get3A_312 = arith.constant 6 : i32
          %get3A_313 = arith.index_cast %get3A_312 : i32 to index
          %get3A_314 = arith.constant 0 : index
          %get3A_315 = tpu.vector_load %arg16[%get3A_313, %get3A_314] {strides = array<i32>} : memref<32x16xf32, #tpu.memory_space<vmem>>, vector<16xf32>,
          %add3A_316 = arith.addf %add3A_311, %get3A_315 : vector<16xf32>
          %max3A_317 = arith.constant 0.000000e+00 : f32
          %max3A_318 = vector.broadcast %max3A_317 : f32 to vector<16xf32>
          %max3A_319 = arith.maximumf %add3A_316, %max3A_318 : vector<16xf32>
          %get3A_320 = arith.constant 0 : i32
          %get3A_321 = arith.constant 7 : i32
          %get3A_322 = arith.index_cast %get3A_320 : i32 to index
          %get3A_323 = arith.index_cast %get3A_321 : i32 to index
          %get3A_324 = arith.constant 0 : index
          %get3A_325 = tpu.vector_load %arg15[%get3A_322, %get3A_323, %get3A_324] {strides = array<i32>} : memref<3x32x16xf32, #tpu.memory_space<vmem>>, vector<16xf32>,
          %mul3A_326 = arith.mulf %mul3A_95, %get3A_325 : vector<16xf32>
          %get3A_327 = arith.constant 1 : i32
          %get3A_328 = arith.constant 7 : i32
          %get3A_329 = arith.index_cast %get3A_327 : i32 to index
          %get3A_330 = arith.index_cast %get3A_328 : i32 to index
          %get3A_331 = arith.constant 0 : index
          %get3A_332 = tpu.vector_load %arg15[%get3A_329, %get3A_330, %get3A_331] {strides = array<i32>} : memref<3x32x16xf32, #tpu.memory_space<vmem>>, vector<16xf32>,
          %mul3A_333 = arith.mulf %mul3A_97, %get3A_332 : vector<16xf32>
          %add3A_334 = arith.addf %mul3A_326, %mul3A_333 : vector<16xf32>
          %get3A_335 = arith.constant 2 : i32
          %get3A_336 = arith.constant 7 : i32
          %get3A_337 = arith.index_cast %get3A_335 : i32 to index
          %get3A_338 = arith.index_cast %get3A_336 : i32 to index
          %get3A_339 = arith.constant 0 : index
          %get3A_340 = tpu.vector_load %arg15[%get3A_337, %get3A_338, %get3A_339] {strides = array<i32>} : memref<3x32x16xf32, #tpu.memory_space<vmem>>, vector<16xf32>,
          %mul3A_341 = arith.mulf %mul3A_99, %get3A_340 : vector<16xf32>
          %add3A_342 = arith.addf %add3A_334, %mul3A_341 : vector<16xf32>
          %get3A_343 = arith.constant 7 : i32
          %get3A_344 = arith.index_cast %get3A_343 : i32 to index
          %get3A_345 = arith.constant 0 : index
          %get3A_346 = tpu.vector_load %arg16[%get3A_344, %get3A_345] {strides = array<i32>} : memref<32x16xf32, #tpu.memory_space<vmem>>, vector<16xf32>,
          %add3A_347 = arith.addf %add3A_342, %get3A_346 : vector<16xf32>
          %max3A_348 = arith.constant 0.000000e+00 : f32
          %max3A_349 = vector.broadcast %max3A_348 : f32 to vector<16xf32>
          %max3A_350 = arith.maximumf %add3A_347, %max3A_349 : vector<16xf32>
          %get3A_351 = arith.constant 0 : i32
          %get3A_352 = arith.constant 8 : i32
          %get3A_353 = arith.index_cast %get3A_351 : i32 to index
          %get3A_354 = arith.index_cast %get3A_352 : i32 to index
          %get3A_355 = arith.constant 0 : index
          %get3A_356 = tpu.vector_load %arg15[%get3A_353, %get3A_354, %get3A_355] {strides = array<i32>} : memref<3x32x16xf32, #tpu.memory_space<vmem>>, vector<16xf32>,
          %mul3A_357 = arith.mulf %mul3A_95, %get3A_356 : vector<16xf32>
          %get3A_358 = arith.constant 1 : i32
          %get3A_359 = arith.constant 8 : i32
          %get3A_360 = arith.index_cast %get3A_358 : i32 to index
          %get3A_361 = arith.index_cast %get3A_359 : i32 to index
          %get3A_362 = arith.constant 0 : index
          %get3A_363 = tpu.vector_load %arg15[%get3A_360, %get3A_361, %get3A_362] {strides = array<i32>} : memref<3x32x16xf32, #tpu.memory_space<vmem>>, vector<16xf32>,
          %mul3A_364 = arith.mulf %mul3A_97, %get3A_363 : vector<16xf32>
          %add3A_365 = arith.addf %mul3A_357, %mul3A_364 : vector<16xf32>
          %get3A_366 = arith.constant 2 : i32
          %get3A_367 = arith.constant 8 : i32
          %get3A_368 = arith.index_cast %get3A_366 : i32 to index
          %get3A_369 = arith.index_cast %get3A_367 : i32 to index
          %get3A_370 = arith.constant 0 : index
          %get3A_371 = tpu.vector_load %arg15[%get3A_368, %get3A_369, %get3A_370] {strides = array<i32>} : memref<3x32x16xf32, #tpu.memory_space<vmem>>, vector<16xf32>,
          %mul3A_372 = arith.mulf %mul3A_99, %get3A_371 : vector<16xf32>
          %add3A_373 = arith.addf %add3A_365, %mul3A_372 : vector<16xf32>
          %get3A_374 = arith.constant 8 : i32
          %get3A_375 = arith.index_cast %get3A_374 : i32 to index
          %get3A_376 = arith.constant 0 : index
          %get3A_377 = tpu.vector_load %arg16[%get3A_375, %get3A_376] {strides = array<i32>} : memref<32x16xf32, #tpu.memory_space<vmem>>, vector<16xf32>,
          %add3A_378 = arith.addf %add3A_373, %get3A_377 : vector<16xf32>
          %max3A_379 = arith.constant 0.000000e+00 : f32
          %max3A_380 = vector.broadcast %max3A_379 : f32 to vector<16xf32>
          %max3A_381 = arith.maximumf %add3A_378, %max3A_380 : vector<16xf32>
          %get3A_382 = arith.constant 0 : i32
          %get3A_383 = arith.constant 9 : i32
          %get3A_384 = arith.index_cast %get3A_382 : i32 to index
          %get3A_385 = arith.index_cast %get3A_383 : i32 to index
          %get3A_386 = arith.constant 0 : index
          %get3A_387 = tpu.vector_load %arg15[%get3A_384, %get3A_385, %get3A_386] {strides = array<i32>} : memref<3x32x16xf32, #tpu.memory_space<vmem>>, vector<16xf32>,
          %mul3A_388 = arith.mulf %mul3A_95, %get3A_387 : vector<16xf32>
          %get3A_389 = arith.constant 1 : i32
          %get3A_390 = arith.constant 9 : i32
          %get3A_391 = arith.index_cast %get3A_389 : i32 to index
          %get3A_392 = arith.index_cast %get3A_390 : i32 to index
          %get3A_393 = arith.constant 0 : index
          %get3A_394 = tpu.vector_load %arg15[%get3A_391, %get3A_392, %get3A_393] {strides = array<i32>} : memref<3x32x16xf32, #tpu.memory_space<vmem>>, vector<16xf32>,
          %mul3A_395 = arith.mulf %mul3A_97, %get3A_394 : vector<16xf32>
          %add3A_396 = arith.addf %mul3A_388, %mul3A_395 : vector<16xf32>
          %get3A_397 = arith.constant 2 : i32
          %get3A_398 = arith.constant 9 : i32
          %get3A_399 = arith.index_cast %get3A_397 : i32 to index
          %get3A_400 = arith.index_cast %get3A_398 : i32 to index
          %get3A_401 = arith.constant 0 : index
          %get3A_402 = tpu.vector_load %arg15[%get3A_399, %get3A_400, %get3A_401] {strides = array<i32>} : memref<3x32x16xf32, #tpu.memory_space<vmem>>, vector<16xf32>,
          %mul3A_403 = arith.mulf %mul3A_99, %get3A_402 : vector<16xf32>
          %add3A_404 = arith.addf %add3A_396, %mul3A_403 : vector<16xf32>
          %get3A_405 = arith.constant 9 : i32
          %get3A_406 = arith.index_cast %get3A_405 : i32 to index
          %get3A_407 = arith.constant 0 : index
          %get3A_408 = tpu.vector_load %arg16[%get3A_406, %get3A_407] {strides = array<i32>} : memref<32x16xf32, #tpu.memory_space<vmem>>, vector<16xf32>,
          %add3A_409 = arith.addf %add3A_404, %get3A_408 : vector<16xf32>
          %max3A_410 = arith.constant 0.000000e+00 : f32
          %max3A_411 = vector.broadcast %max3A_410 : f32 to vector<16xf32>
          %max3A_412 = arith.maximumf %add3A_409, %max3A_411 : vector<16xf32>
          %get3A_413 = arith.constant 0 : i32
          %get3A_414 = arith.constant 10 : i32
          %get3A_415 = arith.index_cast %get3A_413 : i32 to index
          %get3A_416 = arith.index_cast %get3A_414 : i32 to index
          %get3A_417 = arith.constant 0 : index
          %get3A_418 = tpu.vector_load %arg15[%get3A_415, %get3A_416, %get3A_417] {strides = array<i32>} : memref<3x32x16xf32, #tpu.memory_space<vmem>>, vector<16xf32>,
          %mul3A_419 = arith.mulf %mul3A_95, %get3A_418 : vector<16xf32>
          %get3A_420 = arith.constant 1 : i32
          %get3A_421 = arith.constant 10 : i32
          %get3A_422 = arith.index_cast %get3A_420 : i32 to index
          %get3A_423 = arith.index_cast %get3A_421 : i32 to index
          %get3A_424 = arith.constant 0 : index
          %get3A_425 = tpu.vector_load %arg15[%get3A_422, %get3A_423, %get3A_424] {strides = array<i32>} : memref<3x32x16xf32, #tpu.memory_space<vmem>>, vector<16xf32>,
          %mul3A_426 = arith.mulf %mul3A_97, %get3A_425 : vector<16xf32>
          %add3A_427 = arith.addf %mul3A_419, %mul3A_426 : vector<16xf32>
          %get3A_428 = arith.constant 2 : i32
          %get3A_429 = arith.constant 10 : i32
          %get3A_430 = arith.index_cast %get3A_428 : i32 to index
          %get3A_431 = arith.index_cast %get3A_429 : i32 to index
          %get3A_432 = arith.constant 0 : index
          %get3A_433 = tpu.vector_load %arg15[%get3A_430, %get3A_431, %get3A_432] {strides = array<i32>} : memref<3x32x16xf32, #tpu.memory_space<vmem>>, vector<16xf32>,
          %mul3A_434 = arith.mulf %mul3A_99, %get3A_433 : vector<16xf32>
          %add3A_435 = arith.addf %add3A_427, %mul3A_434 : vector<16xf32>
          %get3A_436 = arith.constant 10 : i32
          %get3A_437 = arith.index_cast %get3A_436 : i32 to index
          %get3A_438 = arith.constant 0 : index
          %get3A_439 = tpu.vector_load %arg16[%get3A_437, %get3A_438] {strides = array<i32>} : memref<32x16xf32, #tpu.memory_space<vmem>>, vector<16xf32>,
          %add3A_440 = arith.addf %add3A_435, %get3A_439 : vector<16xf32>
          %max3A_441 = arith.constant 0.000000e+00 : f32
          %max3A_442 = vector.broadcast %max3A_441 : f32 to vector<16xf32>
          %max3A_443 = arith.maximumf %add3A_440, %max3A_442 : vector<16xf32>
          %get3A_444 = arith.constant 0 : i32
          %get3A_445 = arith.constant 11 : i32
          %get3A_446 = arith.index_cast %get3A_444 : i32 to index
          %get3A_447 = arith.index_cast %get3A_445 : i32 to index
          %get3A_448 = arith.constant 0 : index
          %get3A_449 = tpu.vector_load %arg15[%get3A_446, %get3A_447, %get3A_448] {strides = array<i32>} : memref<3x32x16xf32, #tpu.memory_space<vmem>>, vector<16xf32>,
          %mul3A_450 = arith.mulf %mul3A_95, %get3A_449 : vector<16xf32>
          %get3A_451 = arith.constant 1 : i32
          %get3A_452 = arith.constant 11 : i32
          %get3A_453 = arith.index_cast %get3A_451 : i32 to index
          %get3A_454 = arith.index_cast %get3A_452 : i32 to index
          %get3A_455 = arith.constant 0 : index
          %get3A_456 = tpu.vector_load %arg15[%get3A_453, %get3A_454, %get3A_455] {strides = array<i32>} : memref<3x32x16xf32, #tpu.memory_space<vmem>>, vector<16xf32>,
          %mul3A_457 = arith.mulf %mul3A_97, %get3A_456 : vector<16xf32>
          %add3A_458 = arith.addf %mul3A_450, %mul3A_457 : vector<16xf32>
          %get3A_459 = arith.constant 2 : i32
          %get3A_460 = arith.constant 11 : i32
          %get3A_461 = arith.index_cast %get3A_459 : i32 to index
          %get3A_462 = arith.index_cast %get3A_460 : i32 to index
          %get3A_463 = arith.constant 0 : index
          %get3A_464 = tpu.vector_load %arg15[%get3A_461, %get3A_462, %get3A_463] {strides = array<i32>} : memref<3x32x16xf32, #tpu.memory_space<vmem>>, vector<16xf32>,
          %mul3A_465 = arith.mulf %mul3A_99, %get3A_464 : vector<16xf32>
          %add3A_466 = arith.addf %add3A_458, %mul3A_465 : vector<16xf32>
          %get3A_467 = arith.constant 11 : i32
          %get3A_468 = arith.index_cast %get3A_467 : i32 to index
          %get3A_469 = arith.constant 0 : index
          %get3A_470 = tpu.vector_load %arg16[%get3A_468, %get3A_469] {strides = array<i32>} : memref<32x16xf32, #tpu.memory_space<vmem>>, vector<16xf32>,
          %add3A_471 = arith.addf %add3A_466, %get3A_470 : vector<16xf32>
          %max3A_472 = arith.constant 0.000000e+00 : f32
          %max3A_473 = vector.broadcast %max3A_472 : f32 to vector<16xf32>
          %max3A_474 = arith.maximumf %add3A_471, %max3A_473 : vector<16xf32>
          %get3A_475 = arith.constant 0 : i32
          %get3A_476 = arith.constant 12 : i32
          %get3A_477 = arith.index_cast %get3A_475 : i32 to index
          %get3A_478 = arith.index_cast %get3A_476 : i32 to index
          %get3A_479 = arith.constant 0 : index
          %get3A_480 = tpu.vector_load %arg15[%get3A_477, %get3A_478, %get3A_479] {strides = array<i32>} : memref<3x32x16xf32, #tpu.memory_space<vmem>>, vector<16xf32>,
          %mul3A_481 = arith.mulf %mul3A_95, %get3A_480 : vector<16xf32>
          %get3A_482 = arith.constant 1 : i32
          %get3A_483 = arith.constant 12 : i32
          %get3A_484 = arith.index_cast %get3A_482 : i32 to index
          %get3A_485 = arith.index_cast %get3A_483 : i32 to index
          %get3A_486 = arith.constant 0 : index
          %get3A_487 = tpu.vector_load %arg15[%get3A_484, %get3A_485, %get3A_486] {strides = array<i32>} : memref<3x32x16xf32, #tpu.memory_space<vmem>>, vector<16xf32>,
          %mul3A_488 = arith.mulf %mul3A_97, %get3A_487 : vector<16xf32>
          %add3A_489 = arith.addf %mul3A_481, %mul3A_488 : vector<16xf32>
          %get3A_490 = arith.constant 2 : i32
          %get3A_491 = arith.constant 12 : i32
          %get3A_492 = arith.index_cast %get3A_490 : i32 to index
          %get3A_493 = arith.index_cast %get3A_491 : i32 to index
          %get3A_494 = arith.constant 0 : index
          %get3A_495 = tpu.vector_load %arg15[%get3A_492, %get3A_493, %get3A_494] {strides = array<i32>} : memref<3x32x16xf32, #tpu.memory_space<vmem>>, vector<16xf32>,
          %mul3A_496 = arith.mulf %mul3A_99, %get3A_495 : vector<16xf32>
          %add3A_497 = arith.addf %add3A_489, %mul3A_496 : vector<16xf32>
          %get3A_498 = arith.constant 12 : i32
          %get3A_499 = arith.index_cast %get3A_498 : i32 to index
          %get3A_500 = arith.constant 0 : index
          %get3A_501 = tpu.vector_load %arg16[%get3A_499, %get3A_500] {strides = array<i32>} : memref<32x16xf32, #tpu.memory_space<vmem>>, vector<16xf32>,
          %add3A_502 = arith.addf %add3A_497, %get3A_501 : vector<16xf32>
          %max3A_503 = arith.constant 0.000000e+00 : f32
          %max3A_504 = vector.broadcast %max3A_503 : f32 to vector<16xf32>
          %max3A_505 = arith.maximumf %add3A_502, %max3A_504 : vector<16xf32>
          %get3A_506 = arith.constant 0 : i32
          %get3A_507 = arith.constant 13 : i32
          %get3A_508 = arith.index_cast %get3A_506 : i32 to index
          %get3A_509 = arith.index_cast %get3A_507 : i32 to index
          %get3A_510 = arith.constant 0 : index
          %get3A_511 = tpu.vector_load %arg15[%get3A_508, %get3A_509, %get3A_510] {strides = array<i32>} : memref<3x32x16xf32, #tpu.memory_space<vmem>>, vector<16xf32>,
          %mul3A_512 = arith.mulf %mul3A_95, %get3A_511 : vector<16xf32>
          %get3A_513 = arith.constant 1 : i32
          %get3A_514 = arith.constant 13 : i32
          %get3A_515 = arith.index_cast %get3A_513 : i32 to index
          %get3A_516 = arith.index_cast %get3A_514 : i32 to index
          %get3A_517 = arith.constant 0 : index
          %get3A_518 = tpu.vector_load %arg15[%get3A_515, %get3A_516, %get3A_517] {strides = array<i32>} : memref<3x32x16xf32, #tpu.memory_space<vmem>>, vector<16xf32>,
          %mul3A_519 = arith.mulf %mul3A_97, %get3A_518 : vector<16xf32>
          %add3A_520 = arith.addf %mul3A_512, %mul3A_519 : vector<16xf32>
          %get3A_521 = arith.constant 2 : i32
          %get3A_522 = arith.constant 13 : i32
          %get3A_523 = arith.index_cast %get3A_521 : i32 to index
          %get3A_524 = arith.index_cast %get3A_522 : i32 to index
          %get3A_525 = arith.constant 0 : index
          %get3A_526 = tpu.vector_load %arg15[%get3A_523, %get3A_524, %get3A_525] {strides = array<i32>} : memref<3x32x16xf32, #tpu.memory_space<vmem>>, vector<16xf32>,
          %mul3A_527 = arith.mulf %mul3A_99, %get3A_526 : vector<16xf32>
          %add3A_528 = arith.addf %add3A_520, %mul3A_527 : vector<16xf32>
          %get3A_529 = arith.constant 13 : i32
          %get3A_530 = arith.index_cast %get3A_529 : i32 to index
          %get3A_531 = arith.constant 0 : index
          %get3A_532 = tpu.vector_load %arg16[%get3A_530, %get3A_531] {strides = array<i32>} : memref<32x16xf32, #tpu.memory_space<vmem>>, vector<16xf32>,
          %add3A_533 = arith.addf %add3A_528, %get3A_532 : vector<16xf32>
          %max3A_534 = arith.constant 0.000000e+00 : f32
          %max3A_535 = vector.broadcast %max3A_534 : f32 to vector<16xf32>
          %max3A_536 = arith.maximumf %add3A_533, %max3A_535 : vector<16xf32>
          %get3A_537 = arith.constant 0 : i32
          %get3A_538 = arith.constant 14 : i32
          %get3A_539 = arith.index_cast %get3A_537 : i32 to index
          %get3A_540 = arith.index_cast %get3A_538 : i32 to index
          %get3A_541 = arith.constant 0 : index
          %get3A_542 = tpu.vector_load %arg15[%get3A_539, %get3A_540, %get3A_541] {strides = array<i32>} : memref<3x32x16xf32, #tpu.memory_space<vmem>>, vector<16xf32>,
          %mul3A_543 = arith.mulf %mul3A_95, %get3A_542 : vector<16xf32>
          %get3A_544 = arith.constant 1 : i32
          %get3A_545 = arith.constant 14 : i32
          %get3A_546 = arith.index_cast %get3A_544 : i32 to index
          %get3A_547 = arith.index_cast %get3A_545 : i32 to index
          %get3A_548 = arith.constant 0 : index
          %get3A_549 = tpu.vector_load %arg15[%get3A_546, %get3A_547, %get3A_548] {strides = array<i32>} : memref<3x32x16xf32, #tpu.memory_space<vmem>>, vector<16xf32>,
          %mul3A_550 = arith.mulf %mul3A_97, %get3A_549 : vector<16xf32>
          %add3A_551 = arith.addf %mul3A_543, %mul3A_550 : vector<16xf32>
          %get3A_552 = arith.constant 2 : i32
          %get3A_553 = arith.constant 14 : i32
          %get3A_554 = arith.index_cast %get3A_552 : i32 to index
          %get3A_555 = arith.index_cast %get3A_553 : i32 to index
          %get3A_556 = arith.constant 0 : index
          %get3A_557 = tpu.vector_load %arg15[%get3A_554, %get3A_555, %get3A_556] {strides = array<i32>} : memref<3x32x16xf32, #tpu.memory_space<vmem>>, vector<16xf32>,
          %mul3A_558 = arith.mulf %mul3A_99, %get3A_557 : vector<16xf32>
          %add3A_559 = arith.addf %add3A_551, %mul3A_558 : vector<16xf32>
          %get3A_560 = arith.constant 14 : i32
          %get3A_561 = arith.index_cast %get3A_560 : i32 to index
          %get3A_562 = arith.constant 0 : index
          %get3A_563 = tpu.vector_load %arg16[%get3A_561, %get3A_562] {strides = array<i32>} : memref<32x16xf32, #tpu.memory_space<vmem>>, vector<16xf32>,
          %add3A_564 = arith.addf %add3A_559, %get3A_563 : vector<16xf32>
          %max3A_565 = arith.constant 0.000000e+00 : f32
          %max3A_566 = vector.broadcast %max3A_565 : f32 to vector<16xf32>
          %max3A_567 = arith.maximumf %add3A_564, %max3A_566 : vector<16xf32>
          %get3A_568 = arith.constant 0 : i32
          %get3A_569 = arith.constant 15 : i32
          %get3A_570 = arith.index_cast %get3A_568 : i32 to index
          %get3A_571 = arith.index_cast %get3A_569 : i32 to index
          %get3A_572 = arith.constant 0 : index
          %get3A_573 = tpu.vector_load %arg15[%get3A_570, %get3A_571, %get3A_572] {strides = array<i32>} : memref<3x32x16xf32, #tpu.memory_space<vmem>>, vector<16xf32>,
          %mul3A_574 = arith.mulf %mul3A_95, %get3A_573 : vector<16xf32>
          %get3A_575 = arith.constant 1 : i32
          %get3A_576 = arith.constant 15 : i32
          %get3A_577 = arith.index_cast %get3A_575 : i32 to index
          %get3A_578 = arith.index_cast %get3A_576 : i32 to index
          %get3A_579 = arith.constant 0 : index
          %get3A_580 = tpu.vector_load %arg15[%get3A_577, %get3A_578, %get3A_579] {strides = array<i32>} : memref<3x32x16xf32, #tpu.memory_space<vmem>>, vector<16xf32>,
          %mul3A_581 = arith.mulf %mul3A_97, %get3A_580 : vector<16xf32>
          %add3A_582 = arith.addf %mul3A_574, %mul3A_581 : vector<16xf32>
          %get3A_583 = arith.constant 2 : i32
          %get3A_584 = arith.constant 15 : i32
          %get3A_585 = arith.index_cast %get3A_583 : i32 to index
          %get3A_586 = arith.index_cast %get3A_584 : i32 to index
          %get3A_587 = arith.constant 0 : index
          %get3A_588 = tpu.vector_load %arg15[%get3A_585, %get3A_586, %get3A_587] {strides = array<i32>} : memref<3x32x16xf32, #tpu.memory_space<vmem>>, vector<16xf32>,
          %mul3A_589 = arith.mulf %mul3A_99, %get3A_588 : vector<16xf32>
          %add3A_590 = arith.addf %add3A_582, %mul3A_589 : vector<16xf32>
          %get3A_591 = arith.constant 15 : i32
          %get3A_592 = arith.index_cast %get3A_591 : i32 to index
          %get3A_593 = arith.constant 0 : index
          %get3A_594 = tpu.vector_load %arg16[%get3A_592, %get3A_593] {strides = array<i32>} : memref<32x16xf32, #tpu.memory_space<vmem>>, vector<16xf32>,
          %add3A_595 = arith.addf %add3A_590, %get3A_594 : vector<16xf32>
          %max3A_596 = arith.constant 0.000000e+00 : f32
          %max3A_597 = vector.broadcast %max3A_596 : f32 to vector<16xf32>
          %max3A_598 = arith.maximumf %add3A_595, %max3A_597 : vector<16xf32>
          %get3A_599 = arith.constant 0 : i32
          %get3A_600 = arith.constant 16 : i32
          %get3A_601 = arith.index_cast %get3A_599 : i32 to index
          %get3A_602 = arith.index_cast %get3A_600 : i32 to index
          %get3A_603 = arith.constant 0 : index
          %get3A_604 = tpu.vector_load %arg15[%get3A_601, %get3A_602, %get3A_603] {strides = array<i32>} : memref<3x32x16xf32, #tpu.memory_space<vmem>>, vector<16xf32>,
          %mul3A_605 = arith.mulf %mul3A_95, %get3A_604 : vector<16xf32>
          %get3A_606 = arith.constant 1 : i32
          %get3A_607 = arith.constant 16 : i32
          %get3A_608 = arith.index_cast %get3A_606 : i32 to index
          %get3A_609 = arith.index_cast %get3A_607 : i32 to index
          %get3A_610 = arith.constant 0 : index
          %get3A_611 = tpu.vector_load %arg15[%get3A_608, %get3A_609, %get3A_610] {strides = array<i32>} : memref<3x32x16xf32, #tpu.memory_space<vmem>>, vector<16xf32>,
          %mul3A_612 = arith.mulf %mul3A_97, %get3A_611 : vector<16xf32>
          %add3A_613 = arith.addf %mul3A_605, %mul3A_612 : vector<16xf32>
          %get3A_614 = arith.constant 2 : i32
          %get3A_615 = arith.constant 16 : i32
          %get3A_616 = arith.index_cast %get3A_614 : i32 to index
          %get3A_617 = arith.index_cast %get3A_615 : i32 to index
          %get3A_618 = arith.constant 0 : index
          %get3A_619 = tpu.vector_load %arg15[%get3A_616, %get3A_617, %get3A_618] {strides = array<i32>} : memref<3x32x16xf32, #tpu.memory_space<vmem>>, vector<16xf32>,
          %mul3A_620 = arith.mulf %mul3A_99, %get3A_619 : vector<16xf32>
          %add3A_621 = arith.addf %add3A_613, %mul3A_620 : vector<16xf32>
          %get3A_622 = arith.constant 16 : i32
          %get3A_623 = arith.index_cast %get3A_622 : i32 to index
          %get3A_624 = arith.constant 0 : index
          %get3A_625 = tpu.vector_load %arg16[%get3A_623, %get3A_624] {strides = array<i32>} : memref<32x16xf32, #tpu.memory_space<vmem>>, vector<16xf32>,
          %add3A_626 = arith.addf %add3A_621, %get3A_625 : vector<16xf32>
          %max3A_627 = arith.constant 0.000000e+00 : f32
          %max3A_628 = vector.broadcast %max3A_627 : f32 to vector<16xf32>
          %max3A_629 = arith.maximumf %add3A_626, %max3A_628 : vector<16xf32>
          %get3A_630 = arith.constant 0 : i32
          %get3A_631 = arith.constant 17 : i32
          %get3A_632 = arith.index_cast %get3A_630 : i32 to index
          %get3A_633 = arith.index_cast %get3A_631 : i32 to index
          %get3A_634 = arith.constant 0 : index
          %get3A_635 = tpu.vector_load %arg15[%get3A_632, %get3A_633, %get3A_634] {strides = array<i32>} : memref<3x32x16xf32, #tpu.memory_space<vmem>>, vector<16xf32>,
          %mul3A_636 = arith.mulf %mul3A_95, %get3A_635 : vector<16xf32>
          %get3A_637 = arith.constant 1 : i32
          %get3A_638 = arith.constant 17 : i32
          %get3A_639 = arith.index_cast %get3A_637 : i32 to index
          %get3A_640 = arith.index_cast %get3A_638 : i32 to index
          %get3A_641 = arith.constant 0 : index
          %get3A_642 = tpu.vector_load %arg15[%get3A_639, %get3A_640, %get3A_641] {strides = array<i32>} : memref<3x32x16xf32, #tpu.memory_space<vmem>>, vector<16xf32>,
          %mul3A_643 = arith.mulf %mul3A_97, %get3A_642 : vector<16xf32>
          %add3A_644 = arith.addf %mul3A_636, %mul3A_643 : vector<16xf32>
          %get3A_645 = arith.constant 2 : i32
          %get3A_646 = arith.constant 17 : i32
          %get3A_647 = arith.index_cast %get3A_645 : i32 to index
          %get3A_648 = arith.index_cast %get3A_646 : i32 to index
          %get3A_649 = arith.constant 0 : index
          %get3A_650 = tpu.vector_load %arg15[%get3A_647, %get3A_648, %get3A_649] {strides = array<i32>} : memref<3x32x16xf32, #tpu.memory_space<vmem>>, vector<16xf32>,
          %mul3A_651 = arith.mulf %mul3A_99, %get3A_650 : vector<16xf32>
          %add3A_652 = arith.addf %add3A_644, %mul3A_651 : vector<16xf32>
          %get3A_653 = arith.constant 17 : i32
          %get3A_654 = arith.index_cast %get3A_653 : i32 to index
          %get3A_655 = arith.constant 0 : index
          %get3A_656 = tpu.vector_load %arg16[%get3A_654, %get3A_655] {strides = array<i32>} : memref<32x16xf32, #tpu.memory_space<vmem>>, vector<16xf32>,
          %add3A_657 = arith.addf %add3A_652, %get3A_656 : vector<16xf32>
          %max3A_658 = arith.constant 0.000000e+00 : f32
          %max3A_659 = vector.broadcast %max3A_658 : f32 to vector<16xf32>
          %max3A_660 = arith.maximumf %add3A_657, %max3A_659 : vector<16xf32>
          %get3A_661 = arith.constant 0 : i32
          %get3A_662 = arith.constant 18 : i32
          %get3A_663 = arith.index_cast %get3A_661 : i32 to index
          %get3A_664 = arith.index_cast %get3A_662 : i32 to index
          %get3A_665 = arith.constant 0 : index
          %get3A_666 = tpu.vector_load %arg15[%get3A_663, %get3A_664, %get3A_665] {strides = array<i32>} : memref<3x32x16xf32, #tpu.memory_space<vmem>>, vector<16xf32>,
          %mul3A_667 = arith.mulf %mul3A_95, %get3A_666 : vector<16xf32>
          %get3A_668 = arith.constant 1 : i32
          %get3A_669 = arith.constant 18 : i32
          %get3A_670 = arith.index_cast %get3A_668 : i32 to index
          %get3A_671 = arith.index_cast %get3A_669 : i32 to index
          %get3A_672 = arith.constant 0 : index
          %get3A_673 = tpu.vector_load %arg15[%get3A_670, %get3A_671, %get3A_672] {strides = array<i32>} : memref<3x32x16xf32, #tpu.memory_space<vmem>>, vector<16xf32>,
          %mul3A_674 = arith.mulf %mul3A_97, %get3A_673 : vector<16xf32>
          %add3A_675 = arith.addf %mul3A_667, %mul3A_674 : vector<16xf32>
          %get3A_676 = arith.constant 2 : i32
          %get3A_677 = arith.constant 18 : i32
          %get3A_678 = arith.index_cast %get3A_676 : i32 to index
          %get3A_679 = arith.index_cast %get3A_677 : i32 to index
          %get3A_680 = arith.constant 0 : index
          %get3A_681 = tpu.vector_load %arg15[%get3A_678, %get3A_679, %get3A_680] {strides = array<i32>} : memref<3x32x16xf32, #tpu.memory_space<vmem>>, vector<16xf32>,
          %mul3A_682 = arith.mulf %mul3A_99, %get3A_681 : vector<16xf32>
          %add3A_683 = arith.addf %add3A_675, %mul3A_682 : vector<16xf32>
          %get3A_684 = arith.constant 18 : i32
          %get3A_685 = arith.index_cast %get3A_684 : i32 to index
          %get3A_686 = arith.constant 0 : index
          %get3A_687 = tpu.vector_load %arg16[%get3A_685, %get3A_686] {strides = array<i32>} : memref<32x16xf32, #tpu.memory_space<vmem>>, vector<16xf32>,
          %add3A_688 = arith.addf %add3A_683, %get3A_687 : vector<16xf32>
          %max3A_689 = arith.constant 0.000000e+00 : f32
          %max3A_690 = vector.broadcast %max3A_689 : f32 to vector<16xf32>
          %max3A_691 = arith.maximumf %add3A_688, %max3A_690 : vector<16xf32>
          %get3A_692 = arith.constant 0 : i32
          %get3A_693 = arith.constant 19 : i32
          %get3A_694 = arith.index_cast %get3A_692 : i32 to index
          %get3A_695 = arith.index_cast %get3A_693 : i32 to index
          %get3A_696 = arith.constant 0 : index
          %get3A_697 = tpu.vector_load %arg15[%get3A_694, %get3A_695, %get3A_696] {strides = array<i32>} : memref<3x32x16xf32, #tpu.memory_space<vmem>>, vector<16xf32>,
          %mul3A_698 = arith.mulf %mul3A_95, %get3A_697 : vector<16xf32>
          %get3A_699 = arith.constant 1 : i32
          %get3A_700 = arith.constant 19 : i32
          %get3A_701 = arith.index_cast %get3A_699 : i32 to index
          %get3A_702 = arith.index_cast %get3A_700 : i32 to index
          %get3A_703 = arith.constant 0 : index
          %get3A_704 = tpu.vector_load %arg15[%get3A_701, %get3A_702, %get3A_703] {strides = array<i32>} : memref<3x32x16xf32, #tpu.memory_space<vmem>>, vector<16xf32>,
          %mul3A_705 = arith.mulf %mul3A_97, %get3A_704 : vector<16xf32>
          %add3A_706 = arith.addf %mul3A_698, %mul3A_705 : vector<16xf32>
          %get3A_707 = arith.constant 2 : i32
          %get3A_708 = arith.constant 19 : i32
          %get3A_709 = arith.index_cast %get3A_707 : i32 to index
          %get3A_710 = arith.index_cast %get3A_708 : i32 to index
          %get3A_711 = arith.constant 0 : index
          %get3A_712 = tpu.vector_load %arg15[%get3A_709, %get3A_710, %get3A_711] {strides = array<i32>} : memref<3x32x16xf32, #tpu.memory_space<vmem>>, vector<16xf32>,
          %mul3A_713 = arith.mulf %mul3A_99, %get3A_712 : vector<16xf32>
          %add3A_714 = arith.addf %add3A_706, %mul3A_713 : vector<16xf32>
          %get3A_715 = arith.constant 19 : i32
          %get3A_716 = arith.index_cast %get3A_715 : i32 to index
          %get3A_717 = arith.constant 0 : index
          %get3A_718 = tpu.vector_load %arg16[%get3A_716, %get3A_717] {strides = array<i32>} : memref<32x16xf32, #tpu.memory_space<vmem>>, vector<16xf32>,
          %add3A_719 = arith.addf %add3A_714, %get3A_718 : vector<16xf32>
          %max3A_720 = arith.constant 0.000000e+00 : f32
          %max3A_721 = vector.broadcast %max3A_720 : f32 to vector<16xf32>
          %max3A_722 = arith.maximumf %add3A_719, %max3A_721 : vector<16xf32>
          %get3A_723 = arith.constant 0 : i32
          %get3A_724 = arith.constant 20 : i32
          %get3A_725 = arith.index_cast %get3A_723 : i32 to index
          %get3A_726 = arith.index_cast %get3A_724 : i32 to index
          %get3A_727 = arith.constant 0 : index
          %get3A_728 = tpu.vector_load %arg15[%get3A_725, %get3A_726, %get3A_727] {strides = array<i32>} : memref<3x32x16xf32, #tpu.memory_space<vmem>>, vector<16xf32>,
          %mul3A_729 = arith.mulf %mul3A_95, %get3A_728 : vector<16xf32>
          %get3A_730 = arith.constant 1 : i32
          %get3A_731 = arith.constant 20 : i32
          %get3A_732 = arith.index_cast %get3A_730 : i32 to index
          %get3A_733 = arith.index_cast %get3A_731 : i32 to index
          %get3A_734 = arith.constant 0 : index
          %get3A_735 = tpu.vector_load %arg15[%get3A_732, %get3A_733, %get3A_734] {strides = array<i32>} : memref<3x32x16xf32, #tpu.memory_space<vmem>>, vector<16xf32>,
          %mul3A_736 = arith.mulf %mul3A_97, %get3A_735 : vector<16xf32>
          %add3A_737 = arith.addf %mul3A_729, %mul3A_736 : vector<16xf32>
          %get3A_738 = arith.constant 2 : i32
          %get3A_739 = arith.constant 20 : i32
          %get3A_740 = arith.index_cast %get3A_738 : i32 to index
          %get3A_741 = arith.index_cast %get3A_739 : i32 to index
          %get3A_742 = arith.constant 0 : index
          %get3A_743 = tpu.vector_load %arg15[%get3A_740, %get3A_741, %get3A_742] {strides = array<i32>} : memref<3x32x16xf32, #tpu.memory_space<vmem>>, vector<16xf32>,
          %mul3A_744 = arith.mulf %mul3A_99, %get3A_743 : vector<16xf32>
          %add3A_745 = arith.addf %add3A_737, %mul3A_744 : vector<16xf32>
          %get3A_746 = arith.constant 20 : i32
          %get3A_747 = arith.index_cast %get3A_746 : i32 to index
          %get3A_748 = arith.constant 0 : index
          %get3A_749 = tpu.vector_load %arg16[%get3A_747, %get3A_748] {strides = array<i32>} : memref<32x16xf32, #tpu.memory_space<vmem>>, vector<16xf32>,
          %add3A_750 = arith.addf %add3A_745, %get3A_749 : vector<16xf32>
          %max3A_751 = arith.constant 0.000000e+00 : f32
          %max3A_752 = vector.broadcast %max3A_751 : f32 to vector<16xf32>
          %max3A_753 = arith.maximumf %add3A_750, %max3A_752 : vector<16xf32>
          %get3A_754 = arith.constant 0 : i32
          %get3A_755 = arith.constant 21 : i32
          %get3A_756 = arith.index_cast %get3A_754 : i32 to index
          %get3A_757 = arith.index_cast %get3A_755 : i32 to index
          %get3A_758 = arith.constant 0 : index
          %get3A_759 = tpu.vector_load %arg15[%get3A_756, %get3A_757, %get3A_758] {strides = array<i32>} : memref<3x32x16xf32, #tpu.memory_space<vmem>>, vector<16xf32>,
          %mul3A_760 = arith.mulf %mul3A_95, %get3A_759 : vector<16xf32>
          %get3A_761 = arith.constant 1 : i32
          %get3A_762 = arith.constant 21 : i32
          %get3A_763 = arith.index_cast %get3A_761 : i32 to index
          %get3A_764 = arith.index_cast %get3A_762 : i32 to index
          %get3A_765 = arith.constant 0 : index
          %get3A_766 = tpu.vector_load %arg15[%get3A_763, %get3A_764, %get3A_765] {strides = array<i32>} : memref<3x32x16xf32, #tpu.memory_space<vmem>>, vector<16xf32>,
          %mul3A_767 = arith.mulf %mul3A_97, %get3A_766 : vector<16xf32>
          %add3A_768 = arith.addf %mul3A_760, %mul3A_767 : vector<16xf32>
          %get3A_769 = arith.constant 2 : i32
          %get3A_770 = arith.constant 21 : i32
          %get3A_771 = arith.index_cast %get3A_769 : i32 to index
          %get3A_772 = arith.index_cast %get3A_770 : i32 to index
          %get3A_773 = arith.constant 0 : index
          %get3A_774 = tpu.vector_load %arg15[%get3A_771, %get3A_772, %get3A_773] {strides = array<i32>} : memref<3x32x16xf32, #tpu.memory_space<vmem>>, vector<16xf32>,
          %mul3A_775 = arith.mulf %mul3A_99, %get3A_774 : vector<16xf32>
          %add3A_776 = arith.addf %add3A_768, %mul3A_775 : vector<16xf32>
          %get3A_777 = arith.constant 21 : i32
          %get3A_778 = arith.index_cast %get3A_777 : i32 to index
          %get3A_779 = arith.constant 0 : index
          %get3A_780 = tpu.vector_load %arg16[%get3A_778, %get3A_779] {strides = array<i32>} : memref<32x16xf32, #tpu.memory_space<vmem>>, vector<16xf32>,
          %add3A_781 = arith.addf %add3A_776, %get3A_780 : vector<16xf32>
          %max3A_782 = arith.constant 0.000000e+00 : f32
          %max3A_783 = vector.broadcast %max3A_782 : f32 to vector<16xf32>
          %max3A_784 = arith.maximumf %add3A_781, %max3A_783 : vector<16xf32>
          %get3A_785 = arith.constant 0 : i32
          %get3A_786 = arith.constant 22 : i32
          %get3A_787 = arith.index_cast %get3A_785 : i32 to index
          %get3A_788 = arith.index_cast %get3A_786 : i32 to index
          %get3A_789 = arith.constant 0 : index
          %get3A_790 = tpu.vector_load %arg15[%get3A_787, %get3A_788, %get3A_789] {strides = array<i32>} : memref<3x32x16xf32, #tpu.memory_space<vmem>>, vector<16xf32>,
          %mul3A_791 = arith.mulf %mul3A_95, %get3A_790 : vector<16xf32>
          %get3A_792 = arith.constant 1 : i32
          %get3A_793 = arith.constant 22 : i32
          %get3A_794 = arith.index_cast %get3A_792 : i32 to index
          %get3A_795 = arith.index_cast %get3A_793 : i32 to index
          %get3A_796 = arith.constant 0 : index
          %get3A_797 = tpu.vector_load %arg15[%get3A_794, %get3A_795, %get3A_796] {strides = array<i32>} : memref<3x32x16xf32, #tpu.memory_space<vmem>>, vector<16xf32>,
          %mul3A_798 = arith.mulf %mul3A_97, %get3A_797 : vector<16xf32>
          %add3A_799 = arith.addf %mul3A_791, %mul3A_798 : vector<16xf32>
          %get3A_800 = arith.constant 2 : i32
          %get3A_801 = arith.constant 22 : i32
          %get3A_802 = arith.index_cast %get3A_800 : i32 to index
          %get3A_803 = arith.index_cast %get3A_801 : i32 to index
          %get3A_804 = arith.constant 0 : index
          %get3A_805 = tpu.vector_load %arg15[%get3A_802, %get3A_803, %get3A_804] {strides = array<i32>} : memref<3x32x16xf32, #tpu.memory_space<vmem>>, vector<16xf32>,
          %mul3A_806 = arith.mulf %mul3A_99, %get3A_805 : vector<16xf32>
          %add3A_807 = arith.addf %add3A_799, %mul3A_806 : vector<16xf32>
          %get3A_808 = arith.constant 22 : i32
          %get3A_809 = arith.index_cast %get3A_808 : i32 to index
          %get3A_810 = arith.constant 0 : index
          %get3A_811 = tpu.vector_load %arg16[%get3A_809, %get3A_810] {strides = array<i32>} : memref<32x16xf32, #tpu.memory_space<vmem>>, vector<16xf32>,
          %add3A_812 = arith.addf %add3A_807, %get3A_811 : vector<16xf32>
          %max3A_813 = arith.constant 0.000000e+00 : f32
          %max3A_814 = vector.broadcast %max3A_813 : f32 to vector<16xf32>
          %max3A_815 = arith.maximumf %add3A_812, %max3A_814 : vector<16xf32>
          %get3A_816 = arith.constant 0 : i32
          %get3A_817 = arith.constant 23 : i32
          %get3A_818 = arith.index_cast %get3A_816 : i32 to index
          %get3A_819 = arith.index_cast %get3A_817 : i32 to index
          %get3A_820 = arith.constant 0 : index
          %get3A_821 = tpu.vector_load %arg15[%get3A_818, %get3A_819, %get3A_820] {strides = array<i32>} : memref<3x32x16xf32, #tpu.memory_space<vmem>>, vector<16xf32>,
          %mul3A_822 = arith.mulf %mul3A_95, %get3A_821 : vector<16xf32>
          %get3A_823 = arith.constant 1 : i32
          %get3A_824 = arith.constant 23 : i32
          %get3A_825 = arith.index_cast %get3A_823 : i32 to index
          %get3A_826 = arith.index_cast %get3A_824 : i32 to index
          %get3A_827 = arith.constant 0 : index
          %get3A_828 = tpu.vector_load %arg15[%get3A_825, %get3A_826, %get3A_827] {strides = array<i32>} : memref<3x32x16xf32, #tpu.memory_space<vmem>>, vector<16xf32>,
          %mul3A_829 = arith.mulf %mul3A_97, %get3A_828 : vector<16xf32>
          %add3A_830 = arith.addf %mul3A_822, %mul3A_829 : vector<16xf32>
          %get3A_831 = arith.constant 2 : i32
          %get3A_832 = arith.constant 23 : i32
          %get3A_833 = arith.index_cast %get3A_831 : i32 to index
          %get3A_834 = arith.index_cast %get3A_832 : i32 to index
          %get3A_835 = arith.constant 0 : index
          %get3A_836 = tpu.vector_load %arg15[%get3A_833, %get3A_834, %get3A_835] {strides = array<i32>} : memref<3x32x16xf32, #tpu.memory_space<vmem>>, vector<16xf32>,
          %mul3A_837 = arith.mulf %mul3A_99, %get3A_836 : vector<16xf32>
          %add3A_838 = arith.addf %add3A_830, %mul3A_837 : vector<16xf32>
          %get3A_839 = arith.constant 23 : i32
          %get3A_840 = arith.index_cast %get3A_839 : i32 to index
          %get3A_841 = arith.constant 0 : index
          %get3A_842 = tpu.vector_load %arg16[%get3A_840, %get3A_841] {strides = array<i32>} : memref<32x16xf32, #tpu.memory_space<vmem>>, vector<16xf32>,
          %add3A_843 = arith.addf %add3A_838, %get3A_842 : vector<16xf32>
          %max3A_844 = arith.constant 0.000000e+00 : f32
          %max3A_845 = vector.broadcast %max3A_844 : f32 to vector<16xf32>
          %max3A_846 = arith.maximumf %add3A_843, %max3A_845 : vector<16xf32>
          %get3A_847 = arith.constant 0 : i32
          %get3A_848 = arith.constant 24 : i32
          %get3A_849 = arith.index_cast %get3A_847 : i32 to index
          %get3A_850 = arith.index_cast %get3A_848 : i32 to index
          %get3A_851 = arith.constant 0 : index
          %get3A_852 = tpu.vector_load %arg15[%get3A_849, %get3A_850, %get3A_851] {strides = array<i32>} : memref<3x32x16xf32, #tpu.memory_space<vmem>>, vector<16xf32>,
          %mul3A_853 = arith.mulf %mul3A_95, %get3A_852 : vector<16xf32>
          %get3A_854 = arith.constant 1 : i32
          %get3A_855 = arith.constant 24 : i32
          %get3A_856 = arith.index_cast %get3A_854 : i32 to index
          %get3A_857 = arith.index_cast %get3A_855 : i32 to index
          %get3A_858 = arith.constant 0 : index
          %get3A_859 = tpu.vector_load %arg15[%get3A_856, %get3A_857, %get3A_858] {strides = array<i32>} : memref<3x32x16xf32, #tpu.memory_space<vmem>>, vector<16xf32>,
          %mul3A_860 = arith.mulf %mul3A_97, %get3A_859 : vector<16xf32>
          %add3A_861 = arith.addf %mul3A_853, %mul3A_860 : vector<16xf32>
          %get3A_862 = arith.constant 2 : i32
          %get3A_863 = arith.constant 24 : i32
          %get3A_864 = arith.index_cast %get3A_862 : i32 to index
          %get3A_865 = arith.index_cast %get3A_863 : i32 to index
          %get3A_866 = arith.constant 0 : index
          %get3A_867 = tpu.vector_load %arg15[%get3A_864, %get3A_865, %get3A_866] {strides = array<i32>} : memref<3x32x16xf32, #tpu.memory_space<vmem>>, vector<16xf32>,
          %mul3A_868 = arith.mulf %mul3A_99, %get3A_867 : vector<16xf32>
          %add3A_869 = arith.addf %add3A_861, %mul3A_868 : vector<16xf32>
          %get3A_870 = arith.constant 24 : i32
          %get3A_871 = arith.index_cast %get3A_870 : i32 to index
          %get3A_872 = arith.constant 0 : index
          %get3A_873 = tpu.vector_load %arg16[%get3A_871, %get3A_872] {strides = array<i32>} : memref<32x16xf32, #tpu.memory_space<vmem>>, vector<16xf32>,
          %add3A_874 = arith.addf %add3A_869, %get3A_873 : vector<16xf32>
          %max3A_875 = arith.constant 0.000000e+00 : f32
          %max3A_876 = vector.broadcast %max3A_875 : f32 to vector<16xf32>
          %max3A_877 = arith.maximumf %add3A_874, %max3A_876 : vector<16xf32>
          %get3A_878 = arith.constant 0 : i32
          %get3A_879 = arith.constant 25 : i32
          %get3A_880 = arith.index_cast %get3A_878 : i32 to index
          %get3A_881 = arith.index_cast %get3A_879 : i32 to index
          %get3A_882 = arith.constant 0 : index
          %get3A_883 = tpu.vector_load %arg15[%get3A_880, %get3A_881, %get3A_882] {strides = array<i32>} : memref<3x32x16xf32, #tpu.memory_space<vmem>>, vector<16xf32>,
          %mul3A_884 = arith.mulf %mul3A_95, %get3A_883 : vector<16xf32>
          %get3A_885 = arith.constant 1 : i32
          %get3A_886 = arith.constant 25 : i32
          %get3A_887 = arith.index_cast %get3A_885 : i32 to index
          %get3A_888 = arith.index_cast %get3A_886 : i32 to index
          %get3A_889 = arith.constant 0 : index
          %get3A_890 = tpu.vector_load %arg15[%get3A_887, %get3A_888, %get3A_889] {strides = array<i32>} : memref<3x32x16xf32, #tpu.memory_space<vmem>>, vector<16xf32>,
          %mul3A_891 = arith.mulf %mul3A_97, %get3A_890 : vector<16xf32>
          %add3A_892 = arith.addf %mul3A_884, %mul3A_891 : vector<16xf32>
          %get3A_893 = arith.constant 2 : i32
          %get3A_894 = arith.constant 25 : i32
          %get3A_895 = arith.index_cast %get3A_893 : i32 to index
          %get3A_896 = arith.index_cast %get3A_894 : i32 to index
          %get3A_897 = arith.constant 0 : index
          %get3A_898 = tpu.vector_load %arg15[%get3A_895, %get3A_896, %get3A_897] {strides = array<i32>} : memref<3x32x16xf32, #tpu.memory_space<vmem>>, vector<16xf32>,
          %mul3A_899 = arith.mulf %mul3A_99, %get3A_898 : vector<16xf32>
          %add3A_900 = arith.addf %add3A_892, %mul3A_899 : vector<16xf32>
          %get3A_901 = arith.constant 25 : i32
          %get3A_902 = arith.index_cast %get3A_901 : i32 to index
          %get3A_903 = arith.constant 0 : index
          %get3A_904 = tpu.vector_load %arg16[%get3A_902, %get3A_903] {strides = array<i32>} : memref<32x16xf32, #tpu.memory_space<vmem>>, vector<16xf32>,
          %add3A_905 = arith.addf %add3A_900, %get3A_904 : vector<16xf32>
          %max3A_906 = arith.constant 0.000000e+00 : f32
          %max3A_907 = vector.broadcast %max3A_906 : f32 to vector<16xf32>
          %max3A_908 = arith.maximumf %add3A_905, %max3A_907 : vector<16xf32>
          %get3A_909 = arith.constant 0 : i32
          %get3A_910 = arith.constant 26 : i32
          %get3A_911 = arith.index_cast %get3A_909 : i32 to index
          %get3A_912 = arith.index_cast %get3A_910 : i32 to index
          %get3A_913 = arith.constant 0 : index
          %get3A_914 = tpu.vector_load %arg15[%get3A_911, %get3A_912, %get3A_913] {strides = array<i32>} : memref<3x32x16xf32, #tpu.memory_space<vmem>>, vector<16xf32>,
          %mul3A_915 = arith.mulf %mul3A_95, %get3A_914 : vector<16xf32>
          %get3A_916 = arith.constant 1 : i32
          %get3A_917 = arith.constant 26 : i32
          %get3A_918 = arith.index_cast %get3A_916 : i32 to index
          %get3A_919 = arith.index_cast %get3A_917 : i32 to index
          %get3A_920 = arith.constant 0 : index
          %get3A_921 = tpu.vector_load %arg15[%get3A_918, %get3A_919, %get3A_920] {strides = array<i32>} : memref<3x32x16xf32, #tpu.memory_space<vmem>>, vector<16xf32>,
          %mul3A_922 = arith.mulf %mul3A_97, %get3A_921 : vector<16xf32>
          %add3A_923 = arith.addf %mul3A_915, %mul3A_922 : vector<16xf32>
          %get3A_924 = arith.constant 2 : i32
          %get3A_925 = arith.constant 26 : i32
          %get3A_926 = arith.index_cast %get3A_924 : i32 to index
          %get3A_927 = arith.index_cast %get3A_925 : i32 to index
          %get3A_928 = arith.constant 0 : index
          %get3A_929 = tpu.vector_load %arg15[%get3A_926, %get3A_927, %get3A_928] {strides = array<i32>} : memref<3x32x16xf32, #tpu.memory_space<vmem>>, vector<16xf32>,
          %mul3A_930 = arith.mulf %mul3A_99, %get3A_929 : vector<16xf32>
          %add3A_931 = arith.addf %add3A_923, %mul3A_930 : vector<16xf32>
          %get3A_932 = arith.constant 26 : i32
          %get3A_933 = arith.index_cast %get3A_932 : i32 to index
          %get3A_934 = arith.constant 0 : index
          %get3A_935 = tpu.vector_load %arg16[%get3A_933, %get3A_934] {strides = array<i32>} : memref<32x16xf32, #tpu.memory_space<vmem>>, vector<16xf32>,
          %add3A_936 = arith.addf %add3A_931, %get3A_935 : vector<16xf32>
          %max3A_937 = arith.constant 0.000000e+00 : f32
          %max3A_938 = vector.broadcast %max3A_937 : f32 to vector<16xf32>
          %max3A_939 = arith.maximumf %add3A_936, %max3A_938 : vector<16xf32>
          %get3A_940 = arith.constant 0 : i32
          %get3A_941 = arith.constant 27 : i32
          %get3A_942 = arith.index_cast %get3A_940 : i32 to index
          %get3A_943 = arith.index_cast %get3A_941 : i32 to index
          %get3A_944 = arith.constant 0 : index
          %get3A_945 = tpu.vector_load %arg15[%get3A_942, %get3A_943, %get3A_944] {strides = array<i32>} : memref<3x32x16xf32, #tpu.memory_space<vmem>>, vector<16xf32>,
          %mul3A_946 = arith.mulf %mul3A_95, %get3A_945 : vector<16xf32>
          %get3A_947 = arith.constant 1 : i32
          %get3A_948 = arith.constant 27 : i32
          %get3A_949 = arith.index_cast %get3A_947 : i32 to index
          %get3A_950 = arith.index_cast %get3A_948 : i32 to index
          %get3A_951 = arith.constant 0 : index
          %get3A_952 = tpu.vector_load %arg15[%get3A_949, %get3A_950, %get3A_951] {strides = array<i32>} : memref<3x32x16xf32, #tpu.memory_space<vmem>>, vector<16xf32>,
          %mul3A_953 = arith.mulf %mul3A_97, %get3A_952 : vector<16xf32>
          %add3A_954 = arith.addf %mul3A_946, %mul3A_953 : vector<16xf32>
          %get3A_955 = arith.constant 2 : i32
          %get3A_956 = arith.constant 27 : i32
          %get3A_957 = arith.index_cast %get3A_955 : i32 to index
          %get3A_958 = arith.index_cast %get3A_956 : i32 to index
          %get3A_959 = arith.constant 0 : index
          %get3A_960 = tpu.vector_load %arg15[%get3A_957, %get3A_958, %get3A_959] {strides = array<i32>} : memref<3x32x16xf32, #tpu.memory_space<vmem>>, vector<16xf32>,
          %mul3A_961 = arith.mulf %mul3A_99, %get3A_960 : vector<16xf32>
          %add3A_962 = arith.addf %add3A_954, %mul3A_961 : vector<16xf32>
          %get3A_963 = arith.constant 27 : i32
          %get3A_964 = arith.index_cast %get3A_963 : i32 to index
          %get3A_965 = arith.constant 0 : index
          %get3A_966 = tpu.vector_load %arg16[%get3A_964, %get3A_965] {strides = array<i32>} : memref<32x16xf32, #tpu.memory_space<vmem>>, vector<16xf32>,
          %add3A_967 = arith.addf %add3A_962, %get3A_966 : vector<16xf32>
          %max3A_968 = arith.constant 0.000000e+00 : f32
          %max3A_969 = vector.broadcast %max3A_968 : f32 to vector<16xf32>
          %max3A_970 = arith.maximumf %add3A_967, %max3A_969 : vector<16xf32>
          %get3A_971 = arith.constant 0 : i32
          %get3A_972 = arith.constant 28 : i32
          %get3A_973 = arith.index_cast %get3A_971 : i32 to index
          %get3A_974 = arith.index_cast %get3A_972 : i32 to index
          %get3A_975 = arith.constant 0 : index
          %get3A_976 = tpu.vector_load %arg15[%get3A_973, %get3A_974, %get3A_975] {strides = array<i32>} : memref<3x32x16xf32, #tpu.memory_space<vmem>>, vector<16xf32>,
          %mul3A_977 = arith.mulf %mul3A_95, %get3A_976 : vector<16xf32>
          %get3A_978 = arith.constant 1 : i32
          %get3A_979 = arith.constant 28 : i32
          %get3A_980 = arith.index_cast %get3A_978 : i32 to index
          %get3A_981 = arith.index_cast %get3A_979 : i32 to index
          %get3A_982 = arith.constant 0 : index
          %get3A_983 = tpu.vector_load %arg15[%get3A_980, %get3A_981, %get3A_982] {strides = array<i32>} : memref<3x32x16xf32, #tpu.memory_space<vmem>>, vector<16xf32>,
          %mul3A_984 = arith.mulf %mul3A_97, %get3A_983 : vector<16xf32>
          %add3A_985 = arith.addf %mul3A_977, %mul3A_984 : vector<16xf32>
          %get3A_986 = arith.constant 2 : i32
          %get3A_987 = arith.constant 28 : i32
          %get3A_988 = arith.index_cast %get3A_986 : i32 to index
          %get3A_989 = arith.index_cast %get3A_987 : i32 to index
          %get3A_990 = arith.constant 0 : index
          %get3A_991 = tpu.vector_load %arg15[%get3A_988, %get3A_989, %get3A_990] {strides = array<i32>} : memref<3x32x16xf32, #tpu.memory_space<vmem>>, vector<16xf32>,
          %mul3A_992 = arith.mulf %mul3A_99, %get3A_991 : vector<16xf32>
          %add3A_993 = arith.addf %add3A_985, %mul3A_992 : vector<16xf32>
          %get3A_994 = arith.constant 28 : i32
          %get3A_995 = arith.index_cast %get3A_994 : i32 to index
          %get3A_996 = arith.constant 0 : index
          %get3A_997 = tpu.vector_load %arg16[%get3A_995, %get3A_996] {strides = array<i32>} : memref<32x16xf32, #tpu.memory_space<vmem>>, vector<16xf32>,
          %add3A_998 = arith.addf %add3A_993, %get3A_997 : vector<16xf32>
          %max3A_999 = arith.constant 0.000000e+00 : f32
          %max3A_1000 = vector.broadcast %max3A_999 : f32 to vector<16xf32>
          %max3A_1001 = arith.maximumf %add3A_998, %max3A_1000 : vector<16xf32>
          %get3A_1002 = arith.constant 0 : i32
          %get3A_1003 = arith.constant 29 : i32
          %get3A_1004 = arith.index_cast %get3A_1002 : i32 to index
          %get3A_1005 = arith.index_cast %get3A_1003 : i32 to index
          %get3A_1006 = arith.constant 0 : index
          %get3A_1007 = tpu.vector_load %arg15[%get3A_1004, %get3A_1005, %get3A_1006] {strides = array<i32>} : memref<3x32x16xf32, #tpu.memory_space<vmem>>, vector<16xf32>,
          %mul3A_1008 = arith.mulf %mul3A_95, %get3A_1007 : vector<16xf32>
          %get3A_1009 = arith.constant 1 : i32
          %get3A_1010 = arith.constant 29 : i32
          %get3A_1011 = arith.index_cast %get3A_1009 : i32 to index
          %get3A_1012 = arith.index_cast %get3A_1010 : i32 to index
          %get3A_1013 = arith.constant 0 : index
          %get3A_1014 = tpu.vector_load %arg15[%get3A_1011, %get3A_1012, %get3A_1013] {strides = array<i32>} : memref<3x32x16xf32, #tpu.memory_space<vmem>>, vector<16xf32>,
          %mul3A_1015 = arith.mulf %mul3A_97, %get3A_1014 : vector<16xf32>
          %add3A_1016 = arith.addf %mul3A_1008, %mul3A_1015 : vector<16xf32>
          %get3A_1017 = arith.constant 2 : i32
          %get3A_1018 = arith.constant 29 : i32
          %get3A_1019 = arith.index_cast %get3A_1017 : i32 to index
          %get3A_1020 = arith.index_cast %get3A_1018 : i32 to index
          %get3A_1021 = arith.constant 0 : index
          %get3A_1022 = tpu.vector_load %arg15[%get3A_1019, %get3A_1020, %get3A_1021] {strides = array<i32>} : memref<3x32x16xf32, #tpu.memory_space<vmem>>, vector<16xf32>,
          %mul3A_1023 = arith.mulf %mul3A_99, %get3A_1022 : vector<16xf32>
          %add3A_1024 = arith.addf %add3A_1016, %mul3A_1023 : vector<16xf32>
          %get3A_1025 = arith.constant 29 : i32
          %get3A_1026 = arith.index_cast %get3A_1025 : i32 to index
          %get3A_1027 = arith.constant 0 : index
          %get3A_1028 = tpu.vector_load %arg16[%get3A_1026, %get3A_1027] {strides = array<i32>} : memref<32x16xf32, #tpu.memory_space<vmem>>, vector<16xf32>,
          %add3A_1029 = arith.addf %add3A_1024, %get3A_1028 : vector<16xf32>
          %max3A_1030 = arith.constant 0.000000e+00 : f32
          %max3A_1031 = vector.broadcast %max3A_1030 : f32 to vector<16xf32>
          %max3A_1032 = arith.maximumf %add3A_1029, %max3A_1031 : vector<16xf32>
          %get3A_1033 = arith.constant 0 : i32
          %get3A_1034 = arith.constant 30 : i32
          %get3A_1035 = arith.index_cast %get3A_1033 : i32 to index
          %get3A_1036 = arith.index_cast %get3A_1034 : i32 to index
          %get3A_1037 = arith.constant 0 : index
          %get3A_1038 = tpu.vector_load %arg15[%get3A_1035, %get3A_1036, %get3A_1037] {strides = array<i32>} : memref<3x32x16xf32, #tpu.memory_space<vmem>>, vector<16xf32>,
          %mul3A_1039 = arith.mulf %mul3A_95, %get3A_1038 : vector<16xf32>
          %get3A_1040 = arith.constant 1 : i32
          %get3A_1041 = arith.constant 30 : i32
          %get3A_1042 = arith.index_cast %get3A_1040 : i32 to index
          %get3A_1043 = arith.index_cast %get3A_1041 : i32 to index
          %get3A_1044 = arith.constant 0 : index
          %get3A_1045 = tpu.vector_load %arg15[%get3A_1042, %get3A_1043, %get3A_1044] {strides = array<i32>} : memref<3x32x16xf32, #tpu.memory_space<vmem>>, vector<16xf32>,
          %mul3A_1046 = arith.mulf %mul3A_97, %get3A_1045 : vector<16xf32>
          %add3A_1047 = arith.addf %mul3A_1039, %mul3A_1046 : vector<16xf32>
          %get3A_1048 = arith.constant 2 : i32
          %get3A_1049 = arith.constant 30 : i32
          %get3A_1050 = arith.index_cast %get3A_1048 : i32 to index
          %get3A_1051 = arith.index_cast %get3A_1049 : i32 to index
          %get3A_1052 = arith.constant 0 : index
          %get3A_1053 = tpu.vector_load %arg15[%get3A_1050, %get3A_1051, %get3A_1052] {strides = array<i32>} : memref<3x32x16xf32, #tpu.memory_space<vmem>>, vector<16xf32>,
          %mul3A_1054 = arith.mulf %mul3A_99, %get3A_1053 : vector<16xf32>
          %add3A_1055 = arith.addf %add3A_1047, %mul3A_1054 : vector<16xf32>
          %get3A_1056 = arith.constant 30 : i32
          %get3A_1057 = arith.index_cast %get3A_1056 : i32 to index
          %get3A_1058 = arith.constant 0 : index
          %get3A_1059 = tpu.vector_load %arg16[%get3A_1057, %get3A_1058] {strides = array<i32>} : memref<32x16xf32, #tpu.memory_space<vmem>>, vector<16xf32>,
          %add3A_1060 = arith.addf %add3A_1055, %get3A_1059 : vector<16xf32>
          %max3A_1061 = arith.constant 0.000000e+00 : f32
          %max3A_1062 = vector.broadcast %max3A_1061 : f32 to vector<16xf32>
          %max3A_1063 = arith.maximumf %add3A_1060, %max3A_1062 : vector<16xf32>
          %get3A_1064 = arith.constant 0 : i32
          %get3A_1065 = arith.constant 31 : i32
          %get3A_1066 = arith.index_cast %get3A_1064 : i32 to index
          %get3A_1067 = arith.index_cast %get3A_1065 : i32 to index
          %get3A_1068 = arith.constant 0 : index
          %get3A_1069 = tpu.vector_load %arg15[%get3A_1066, %get3A_1067, %get3A_1068] {strides = array<i32>} : memref<3x32x16xf32, #tpu.memory_space<vmem>>, vector<16xf32>,
          %mul3A_1070 = arith.mulf %mul3A_95, %get3A_1069 : vector<16xf32>
          %get3A_1071 = arith.constant 1 : i32
          %get3A_1072 = arith.constant 31 : i32
          %get3A_1073 = arith.index_cast %get3A_1071 : i32 to index
          %get3A_1074 = arith.index_cast %get3A_1072 : i32 to index
          %get3A_1075 = arith.constant 0 : index
          %get3A_1076 = tpu.vector_load %arg15[%get3A_1073, %get3A_1074, %get3A_1075] {strides = array<i32>} : memref<3x32x16xf32, #tpu.memory_space<vmem>>, vector<16xf32>,
          %mul3A_1077 = arith.mulf %mul3A_97, %get3A_1076 : vector<16xf32>
          %add3A_1078 = arith.addf %mul3A_1070, %mul3A_1077 : vector<16xf32>
          %get3A_1079 = arith.constant 2 : i32
          %get3A_1080 = arith.constant 31 : i32
          %get3A_1081 = arith.index_cast %get3A_1079 : i32 to index
          %get3A_1082 = arith.index_cast %get3A_1080 : i32 to index
          %get3A_1083 = arith.constant 0 : index
          %get3A_1084 = tpu.vector_load %arg15[%get3A_1081, %get3A_1082, %get3A_1083] {strides = array<i32>} : memref<3x32x16xf32, #tpu.memory_space<vmem>>, vector<16xf32>,
          %mul3A_1085 = arith.mulf %mul3A_99, %get3A_1084 : vector<16xf32>
          %add3A_1086 = arith.addf %add3A_1078, %mul3A_1085 : vector<16xf32>
          %get3A_1087 = arith.constant 31 : i32
          %get3A_1088 = arith.index_cast %get3A_1087 : i32 to index
          %get3A_1089 = arith.constant 0 : index
          %get3A_1090 = tpu.vector_load %arg16[%get3A_1088, %get3A_1089] {strides = array<i32>} : memref<32x16xf32, #tpu.memory_space<vmem>>, vector<16xf32>,
          %add3A_1091 = arith.addf %add3A_1086, %get3A_1090 : vector<16xf32>
          %max3A_1092 = arith.constant 0.000000e+00 : f32
          %max3A_1093 = vector.broadcast %max3A_1092 : f32 to vector<16xf32>
          %max3A_1094 = arith.maximumf %add3A_1091, %max3A_1093 : vector<16xf32>
          %scan3A_1095 = arith.constant 0 : i32
          %scan3A_1096 = arith.constant 64 : i32
          %scan3A_1097 = arith.addi %scan3A_1095, %scan3A_1096 : i32
          %scan3A_1098 = arith.constant 1 : i32
          scf.for %scan3A_1100 = %scan3A_1095 to %scan3A_1097 step %scan3A_1098  : i32 {
            %get3A_1101 = arith.index_cast %scan3A_1100 : i32 to index
            %get3A_1102 = arith.constant 0 : index
            %get3A_1103 = tpu.vector_load %arg18[%get3A_1101, %get3A_1102] {strides = array<i32>} : memref<64x16xf32, #tpu.memory_space<vmem>>, vector<16xf32>,
            %get3A_1104 = arith.constant 0 : i32
            %get3A_1105 = arith.index_cast %get3A_1104 : i32 to index
            %get3A_1106 = arith.index_cast %scan3A_1100 : i32 to index
            %get3A_1107 = arith.constant 0 : index
            %get3A_1108 = tpu.vector_load %arg17[%get3A_1105, %get3A_1106, %get3A_1107] {strides = array<i32>} : memref<32x64x16xf32, #tpu.memory_space<vmem>>, vector<16xf32>,
            %mul3A_1109 = arith.mulf %max3A_133, %get3A_1108 : vector<16xf32>
            %add3A_1110 = arith.addf %get3A_1103, %mul3A_1109 : vector<16xf32>
            %get3A_1111 = arith.constant 1 : i32
            %get3A_1112 = arith.index_cast %get3A_1111 : i32 to index
            %get3A_1113 = arith.index_cast %scan3A_1100 : i32 to index
            %get3A_1114 = arith.constant 0 : index
            %get3A_1115 = tpu.vector_load %arg17[%get3A_1112, %get3A_1113, %get3A_1114] {strides = array<i32>} : memref<32x64x16xf32, #tpu.memory_space<vmem>>, vector<16xf32>,
            %mul3A_1116 = arith.mulf %max3A_164, %get3A_1115 : vector<16xf32>
            %add3A_1117 = arith.addf %add3A_1110, %mul3A_1116 : vector<16xf32>
            %get3A_1118 = arith.constant 2 : i32
            %get3A_1119 = arith.index_cast %get3A_1118 : i32 to index
            %get3A_1120 = arith.index_cast %scan3A_1100 : i32 to index
            %get3A_1121 = arith.constant 0 : index
            %get3A_1122 = tpu.vector_load %arg17[%get3A_1119, %get3A_1120, %get3A_1121] {strides = array<i32>} : memref<32x64x16xf32, #tpu.memory_space<vmem>>, vector<16xf32>,
            %mul3A_1123 = arith.mulf %max3A_195, %get3A_1122 : vector<16xf32>
            %add3A_1124 = arith.addf %add3A_1117, %mul3A_1123 : vector<16xf32>
            %get3A_1125 = arith.constant 3 : i32
            %get3A_1126 = arith.index_cast %get3A_1125 : i32 to index
            %get3A_1127 = arith.index_cast %scan3A_1100 : i32 to index
            %get3A_1128 = arith.constant 0 : index
            %get3A_1129 = tpu.vector_load %arg17[%get3A_1126, %get3A_1127, %get3A_1128] {strides = array<i32>} : memref<32x64x16xf32, #tpu.memory_space<vmem>>, vector<16xf32>,
            %mul3A_1130 = arith.mulf %max3A_226, %get3A_1129 : vector<16xf32>
            %add3A_1131 = arith.addf %add3A_1124, %mul3A_1130 : vector<16xf32>
            %get3A_1132 = arith.constant 4 : i32
            %get3A_1133 = arith.index_cast %get3A_1132 : i32 to index
            %get3A_1134 = arith.index_cast %scan3A_1100 : i32 to index
            %get3A_1135 = arith.constant 0 : index
            %get3A_1136 = tpu.vector_load %arg17[%get3A_1133, %get3A_1134, %get3A_1135] {strides = array<i32>} : memref<32x64x16xf32, #tpu.memory_space<vmem>>, vector<16xf32>,
            %mul3A_1137 = arith.mulf %max3A_257, %get3A_1136 : vector<16xf32>
            %add3A_1138 = arith.addf %add3A_1131, %mul3A_1137 : vector<16xf32>
            %get3A_1139 = arith.constant 5 : i32
            %get3A_1140 = arith.index_cast %get3A_1139 : i32 to index
            %get3A_1141 = arith.index_cast %scan3A_1100 : i32 to index
            %get3A_1142 = arith.constant 0 : index
            %get3A_1143 = tpu.vector_load %arg17[%get3A_1140, %get3A_1141, %get3A_1142] {strides = array<i32>} : memref<32x64x16xf32, #tpu.memory_space<vmem>>, vector<16xf32>,
            %mul3A_1144 = arith.mulf %max3A_288, %get3A_1143 : vector<16xf32>
            %add3A_1145 = arith.addf %add3A_1138, %mul3A_1144 : vector<16xf32>
            %get3A_1146 = arith.constant 6 : i32
            %get3A_1147 = arith.index_cast %get3A_1146 : i32 to index
            %get3A_1148 = arith.index_cast %scan3A_1100 : i32 to index
            %get3A_1149 = arith.constant 0 : index
            %get3A_1150 = tpu.vector_load %arg17[%get3A_1147, %get3A_1148, %get3A_1149] {strides = array<i32>} : memref<32x64x16xf32, #tpu.memory_space<vmem>>, vector<16xf32>,
            %mul3A_1151 = arith.mulf %max3A_319, %get3A_1150 : vector<16xf32>
            %add3A_1152 = arith.addf %add3A_1145, %mul3A_1151 : vector<16xf32>
            %get3A_1153 = arith.constant 7 : i32
            %get3A_1154 = arith.index_cast %get3A_1153 : i32 to index
            %get3A_1155 = arith.index_cast %scan3A_1100 : i32 to index
            %get3A_1156 = arith.constant 0 : index
            %get3A_1157 = tpu.vector_load %arg17[%get3A_1154, %get3A_1155, %get3A_1156] {strides = array<i32>} : memref<32x64x16xf32, #tpu.memory_space<vmem>>, vector<16xf32>,
            %mul3A_1158 = arith.mulf %max3A_350, %get3A_1157 : vector<16xf32>
            %add3A_1159 = arith.addf %add3A_1152, %mul3A_1158 : vector<16xf32>
            %get3A_1160 = arith.constant 8 : i32
            %get3A_1161 = arith.index_cast %get3A_1160 : i32 to index
            %get3A_1162 = arith.index_cast %scan3A_1100 : i32 to index
            %get3A_1163 = arith.constant 0 : index
            %get3A_1164 = tpu.vector_load %arg17[%get3A_1161, %get3A_1162, %get3A_1163] {strides = array<i32>} : memref<32x64x16xf32, #tpu.memory_space<vmem>>, vector<16xf32>,
            %mul3A_1165 = arith.mulf %max3A_381, %get3A_1164 : vector<16xf32>
            %add3A_1166 = arith.addf %add3A_1159, %mul3A_1165 : vector<16xf32>
            %get3A_1167 = arith.constant 9 : i32
            %get3A_1168 = arith.index_cast %get3A_1167 : i32 to index
            %get3A_1169 = arith.index_cast %scan3A_1100 : i32 to index
            %get3A_1170 = arith.constant 0 : index
            %get3A_1171 = tpu.vector_load %arg17[%get3A_1168, %get3A_1169, %get3A_1170] {strides = array<i32>} : memref<32x64x16xf32, #tpu.memory_space<vmem>>, vector<16xf32>,
            %mul3A_1172 = arith.mulf %max3A_412, %get3A_1171 : vector<16xf32>
            %add3A_1173 = arith.addf %add3A_1166, %mul3A_1172 : vector<16xf32>
            %get3A_1174 = arith.constant 10 : i32
            %get3A_1175 = arith.index_cast %get3A_1174 : i32 to index
            %get3A_1176 = arith.index_cast %scan3A_1100 : i32 to index
            %get3A_1177 = arith.constant 0 : index
            %get3A_1178 = tpu.vector_load %arg17[%get3A_1175, %get3A_1176, %get3A_1177] {strides = array<i32>} : memref<32x64x16xf32, #tpu.memory_space<vmem>>, vector<16xf32>,
            %mul3A_1179 = arith.mulf %max3A_443, %get3A_1178 : vector<16xf32>
            %add3A_1180 = arith.addf %add3A_1173, %mul3A_1179 : vector<16xf32>
            %get3A_1181 = arith.constant 11 : i32
            %get3A_1182 = arith.index_cast %get3A_1181 : i32 to index
            %get3A_1183 = arith.index_cast %scan3A_1100 : i32 to index
            %get3A_1184 = arith.constant 0 : index
            %get3A_1185 = tpu.vector_load %arg17[%get3A_1182, %get3A_1183, %get3A_1184] {strides = array<i32>} : memref<32x64x16xf32, #tpu.memory_space<vmem>>, vector<16xf32>,
            %mul3A_1186 = arith.mulf %max3A_474, %get3A_1185 : vector<16xf32>
            %add3A_1187 = arith.addf %add3A_1180, %mul3A_1186 : vector<16xf32>
            %get3A_1188 = arith.constant 12 : i32
            %get3A_1189 = arith.index_cast %get3A_1188 : i32 to index
            %get3A_1190 = arith.index_cast %scan3A_1100 : i32 to index
            %get3A_1191 = arith.constant 0 : index
            %get3A_1192 = tpu.vector_load %arg17[%get3A_1189, %get3A_1190, %get3A_1191] {strides = array<i32>} : memref<32x64x16xf32, #tpu.memory_space<vmem>>, vector<16xf32>,
            %mul3A_1193 = arith.mulf %max3A_505, %get3A_1192 : vector<16xf32>
            %add3A_1194 = arith.addf %add3A_1187, %mul3A_1193 : vector<16xf32>
            %get3A_1195 = arith.constant 13 : i32
            %get3A_1196 = arith.index_cast %get3A_1195 : i32 to index
            %get3A_1197 = arith.index_cast %scan3A_1100 : i32 to index
            %get3A_1198 = arith.constant 0 : index
            %get3A_1199 = tpu.vector_load %arg17[%get3A_1196, %get3A_1197, %get3A_1198] {strides = array<i32>} : memref<32x64x16xf32, #tpu.memory_space<vmem>>, vector<16xf32>,
            %mul3A_1200 = arith.mulf %max3A_536, %get3A_1199 : vector<16xf32>
            %add3A_1201 = arith.addf %add3A_1194, %mul3A_1200 : vector<16xf32>
            %get3A_1202 = arith.constant 14 : i32
            %get3A_1203 = arith.index_cast %get3A_1202 : i32 to index
            %get3A_1204 = arith.index_cast %scan3A_1100 : i32 to index
            %get3A_1205 = arith.constant 0 : index
            %get3A_1206 = tpu.vector_load %arg17[%get3A_1203, %get3A_1204, %get3A_1205] {strides = array<i32>} : memref<32x64x16xf32, #tpu.memory_space<vmem>>, vector<16xf32>,
            %mul3A_1207 = arith.mulf %max3A_567, %get3A_1206 : vector<16xf32>
            %add3A_1208 = arith.addf %add3A_1201, %mul3A_1207 : vector<16xf32>
            %get3A_1209 = arith.constant 15 : i32
            %get3A_1210 = arith.index_cast %get3A_1209 : i32 to index
            %get3A_1211 = arith.index_cast %scan3A_1100 : i32 to index
            %get3A_1212 = arith.constant 0 : index
            %get3A_1213 = tpu.vector_load %arg17[%get3A_1210, %get3A_1211, %get3A_1212] {strides = array<i32>} : memref<32x64x16xf32, #tpu.memory_space<vmem>>, vector<16xf32>,
            %mul3A_1214 = arith.mulf %max3A_598, %get3A_1213 : vector<16xf32>
            %add3A_1215 = arith.addf %add3A_1208, %mul3A_1214 : vector<16xf32>
            %get3A_1216 = arith.constant 16 : i32
            %get3A_1217 = arith.index_cast %get3A_1216 : i32 to index
            %get3A_1218 = arith.index_cast %scan3A_1100 : i32 to index
            %get3A_1219 = arith.constant 0 : index
            %get3A_1220 = tpu.vector_load %arg17[%get3A_1217, %get3A_1218, %get3A_1219] {strides = array<i32>} : memref<32x64x16xf32, #tpu.memory_space<vmem>>, vector<16xf32>,
            %mul3A_1221 = arith.mulf %max3A_629, %get3A_1220 : vector<16xf32>
            %add3A_1222 = arith.addf %add3A_1215, %mul3A_1221 : vector<16xf32>
            %get3A_1223 = arith.constant 17 : i32
            %get3A_1224 = arith.index_cast %get3A_1223 : i32 to index
            %get3A_1225 = arith.index_cast %scan3A_1100 : i32 to index
            %get3A_1226 = arith.constant 0 : index
            %get3A_1227 = tpu.vector_load %arg17[%get3A_1224, %get3A_1225, %get3A_1226] {strides = array<i32>} : memref<32x64x16xf32, #tpu.memory_space<vmem>>, vector<16xf32>,
            %mul3A_1228 = arith.mulf %max3A_660, %get3A_1227 : vector<16xf32>
            %add3A_1229 = arith.addf %add3A_1222, %mul3A_1228 : vector<16xf32>
            %get3A_1230 = arith.constant 18 : i32
            %get3A_1231 = arith.index_cast %get3A_1230 : i32 to index
            %get3A_1232 = arith.index_cast %scan3A_1100 : i32 to index
            %get3A_1233 = arith.constant 0 : index
            %get3A_1234 = tpu.vector_load %arg17[%get3A_1231, %get3A_1232, %get3A_1233] {strides = array<i32>} : memref<32x64x16xf32, #tpu.memory_space<vmem>>, vector<16xf32>,
            %mul3A_1235 = arith.mulf %max3A_691, %get3A_1234 : vector<16xf32>
            %add3A_1236 = arith.addf %add3A_1229, %mul3A_1235 : vector<16xf32>
            %get3A_1237 = arith.constant 19 : i32
            %get3A_1238 = arith.index_cast %get3A_1237 : i32 to index
            %get3A_1239 = arith.index_cast %scan3A_1100 : i32 to index
            %get3A_1240 = arith.constant 0 : index
            %get3A_1241 = tpu.vector_load %arg17[%get3A_1238, %get3A_1239, %get3A_1240] {strides = array<i32>} : memref<32x64x16xf32, #tpu.memory_space<vmem>>, vector<16xf32>,
            %mul3A_1242 = arith.mulf %max3A_722, %get3A_1241 : vector<16xf32>
            %add3A_1243 = arith.addf %add3A_1236, %mul3A_1242 : vector<16xf32>
            %get3A_1244 = arith.constant 20 : i32
            %get3A_1245 = arith.index_cast %get3A_1244 : i32 to index
            %get3A_1246 = arith.index_cast %scan3A_1100 : i32 to index
            %get3A_1247 = arith.constant 0 : index
            %get3A_1248 = tpu.vector_load %arg17[%get3A_1245, %get3A_1246, %get3A_1247] {strides = array<i32>} : memref<32x64x16xf32, #tpu.memory_space<vmem>>, vector<16xf32>,
            %mul3A_1249 = arith.mulf %max3A_753, %get3A_1248 : vector<16xf32>
            %add3A_1250 = arith.addf %add3A_1243, %mul3A_1249 : vector<16xf32>
            %get3A_1251 = arith.constant 21 : i32
            %get3A_1252 = arith.index_cast %get3A_1251 : i32 to index
            %get3A_1253 = arith.index_cast %scan3A_1100 : i32 to index
            %get3A_1254 = arith.constant 0 : index
            %get3A_1255 = tpu.vector_load %arg17[%get3A_1252, %get3A_1253, %get3A_1254] {strides = array<i32>} : memref<32x64x16xf32, #tpu.memory_space<vmem>>, vector<16xf32>,
            %mul3A_1256 = arith.mulf %max3A_784, %get3A_1255 : vector<16xf32>
            %add3A_1257 = arith.addf %add3A_1250, %mul3A_1256 : vector<16xf32>
            %get3A_1258 = arith.constant 22 : i32
            %get3A_1259 = arith.index_cast %get3A_1258 : i32 to index
            %get3A_1260 = arith.index_cast %scan3A_1100 : i32 to index
            %get3A_1261 = arith.constant 0 : index
            %get3A_1262 = tpu.vector_load %arg17[%get3A_1259, %get3A_1260, %get3A_1261] {strides = array<i32>} : memref<32x64x16xf32, #tpu.memory_space<vmem>>, vector<16xf32>,
            %mul3A_1263 = arith.mulf %max3A_815, %get3A_1262 : vector<16xf32>
            %add3A_1264 = arith.addf %add3A_1257, %mul3A_1263 : vector<16xf32>
            %get3A_1265 = arith.constant 23 : i32
            %get3A_1266 = arith.index_cast %get3A_1265 : i32 to index
            %get3A_1267 = arith.index_cast %scan3A_1100 : i32 to index
            %get3A_1268 = arith.constant 0 : index
            %get3A_1269 = tpu.vector_load %arg17[%get3A_1266, %get3A_1267, %get3A_1268] {strides = array<i32>} : memref<32x64x16xf32, #tpu.memory_space<vmem>>, vector<16xf32>,
            %mul3A_1270 = arith.mulf %max3A_846, %get3A_1269 : vector<16xf32>
            %add3A_1271 = arith.addf %add3A_1264, %mul3A_1270 : vector<16xf32>
            %get3A_1272 = arith.constant 24 : i32
            %get3A_1273 = arith.index_cast %get3A_1272 : i32 to index
            %get3A_1274 = arith.index_cast %scan3A_1100 : i32 to index
            %get3A_1275 = arith.constant 0 : index
            %get3A_1276 = tpu.vector_load %arg17[%get3A_1273, %get3A_1274, %get3A_1275] {strides = array<i32>} : memref<32x64x16xf32, #tpu.memory_space<vmem>>, vector<16xf32>,
            %mul3A_1277 = arith.mulf %max3A_877, %get3A_1276 : vector<16xf32>
            %add3A_1278 = arith.addf %add3A_1271, %mul3A_1277 : vector<16xf32>
            %get3A_1279 = arith.constant 25 : i32
            %get3A_1280 = arith.index_cast %get3A_1279 : i32 to index
            %get3A_1281 = arith.index_cast %scan3A_1100 : i32 to index
            %get3A_1282 = arith.constant 0 : index
            %get3A_1283 = tpu.vector_load %arg17[%get3A_1280, %get3A_1281, %get3A_1282] {strides = array<i32>} : memref<32x64x16xf32, #tpu.memory_space<vmem>>, vector<16xf32>,
            %mul3A_1284 = arith.mulf %max3A_908, %get3A_1283 : vector<16xf32>
            %add3A_1285 = arith.addf %add3A_1278, %mul3A_1284 : vector<16xf32>
            %get3A_1286 = arith.constant 26 : i32
            %get3A_1287 = arith.index_cast %get3A_1286 : i32 to index
            %get3A_1288 = arith.index_cast %scan3A_1100 : i32 to index
            %get3A_1289 = arith.constant 0 : index
            %get3A_1290 = tpu.vector_load %arg17[%get3A_1287, %get3A_1288, %get3A_1289] {strides = array<i32>} : memref<32x64x16xf32, #tpu.memory_space<vmem>>, vector<16xf32>,
            %mul3A_1291 = arith.mulf %max3A_939, %get3A_1290 : vector<16xf32>
            %add3A_1292 = arith.addf %add3A_1285, %mul3A_1291 : vector<16xf32>
            %get3A_1293 = arith.constant 27 : i32
            %get3A_1294 = arith.index_cast %get3A_1293 : i32 to index
            %get3A_1295 = arith.index_cast %scan3A_1100 : i32 to index
            %get3A_1296 = arith.constant 0 : index
            %get3A_1297 = tpu.vector_load %arg17[%get3A_1294, %get3A_1295, %get3A_1296] {strides = array<i32>} : memref<32x64x16xf32, #tpu.memory_space<vmem>>, vector<16xf32>,
            %mul3A_1298 = arith.mulf %max3A_970, %get3A_1297 : vector<16xf32>
            %add3A_1299 = arith.addf %add3A_1292, %mul3A_1298 : vector<16xf32>
            %get3A_1300 = arith.constant 28 : i32
            %get3A_1301 = arith.index_cast %get3A_1300 : i32 to index
            %get3A_1302 = arith.index_cast %scan3A_1100 : i32 to index
            %get3A_1303 = arith.constant 0 : index
            %get3A_1304 = tpu.vector_load %arg17[%get3A_1301, %get3A_1302, %get3A_1303] {strides = array<i32>} : memref<32x64x16xf32, #tpu.memory_space<vmem>>, vector<16xf32>,
            %mul3A_1305 = arith.mulf %max3A_1001, %get3A_1304 : vector<16xf32>
            %add3A_1306 = arith.addf %add3A_1299, %mul3A_1305 : vector<16xf32>
            %get3A_1307 = arith.constant 29 : i32
            %get3A_1308 = arith.index_cast %get3A_1307 : i32 to index
            %get3A_1309 = arith.index_cast %scan3A_1100 : i32 to index
            %get3A_1310 = arith.constant 0 : index
            %get3A_1311 = tpu.vector_load %arg17[%get3A_1308, %get3A_1309, %get3A_1310] {strides = array<i32>} : memref<32x64x16xf32, #tpu.memory_space<vmem>>, vector<16xf32>,
            %mul3A_1312 = arith.mulf %max3A_1032, %get3A_1311 : vector<16xf32>
            %add3A_1313 = arith.addf %add3A_1306, %mul3A_1312 : vector<16xf32>
            %get3A_1314 = arith.constant 30 : i32
            %get3A_1315 = arith.index_cast %get3A_1314 : i32 to index
            %get3A_1316 = arith.index_cast %scan3A_1100 : i32 to index
            %get3A_1317 = arith.constant 0 : index
            %get3A_1318 = tpu.vector_load %arg17[%get3A_1315, %get3A_1316, %get3A_1317] {strides = array<i32>} : memref<32x64x16xf32, #tpu.memory_space<vmem>>, vector<16xf32>,
            %mul3A_1319 = arith.mulf %max3A_1063, %get3A_1318 : vector<16xf32>
            %add3A_1320 = arith.addf %add3A_1313, %mul3A_1319 : vector<16xf32>
            %get3A_1321 = arith.constant 31 : i32
            %get3A_1322 = arith.index_cast %get3A_1321 : i32 to index
            %get3A_1323 = arith.index_cast %scan3A_1100 : i32 to index
            %get3A_1324 = arith.constant 0 : index
            %get3A_1325 = tpu.vector_load %arg17[%get3A_1322, %get3A_1323, %get3A_1324] {strides = array<i32>} : memref<32x64x16xf32, #tpu.memory_space<vmem>>, vector<16xf32>,
            %mul3A_1326 = arith.mulf %max3A_1094, %get3A_1325 : vector<16xf32>
            %add3A_1327 = arith.addf %add3A_1320, %mul3A_1326 : vector<16xf32>
            %jit3A_1328 = arith.constant -3.000000e+38 : f32
            %broadcast_in_dim3A_1329 = vector.broadcast %jit3A_1328 : f32 to vector<16xf32>
            %select_n3A_1330 = arith.select %lt3A, %add3A_1327, %broadcast_in_dim3A_1329 : vector<16xi1>, vector<16xf32>
            %get3A_1331 = arith.index_cast %scan3A_1100 : i32 to index
            %get3A_1332 = arith.constant 0 : index
            %get3A_1333 = tpu.vector_load %arg21[%get3A_1331, %get3A_1332] {strides = array<i32>} : memref<64x16xf32, #tpu.memory_space<vmem>>, vector<16xf32>,
            %max3A_1334 = arith.maximumf %get3A_1333, %select_n3A_1330 : vector<16xf32>
            %swap3A_1335 = arith.index_cast %scan3A_1100 : i32 to index
            %swap3A_1336 = arith.constant 0 : index
            %swap3A_1337 = tpu.vector_load %arg21[%swap3A_1335, %swap3A_1336] {strides = array<i32>} : memref<64x16xf32, #tpu.memory_space<vmem>>, vector<16xf32>,
            tpu.vector_store %arg21[%swap3A_1335, %swap3A_1336], %max3A_1334 {strides = array<i32>} : memref<64x16xf32, #tpu.memory_space<vmem>>, vector<16xf32>,
            %get3A_1338 = arith.index_cast %scan3A_1100 : i32 to index
            %get3A_1339 = arith.constant 0 : index
            %get3A_1340 = tpu.vector_load %arg22[%get3A_1338, %get3A_1339] {strides = array<i32>} : memref<64x16xf32, #tpu.memory_space<vmem>>, vector<16xf32>,
            %mul3A_1341 = arith.mulf %select_n3A_103, %add3A_1327 : vector<16xf32>
            %add3A_1342 = arith.addf %get3A_1340, %mul3A_1341 : vector<16xf32>
            %swap3A_1343 = arith.index_cast %scan3A_1100 : i32 to index
            %swap3A_1344 = arith.constant 0 : index
            %swap3A_1345 = tpu.vector_load %arg22[%swap3A_1343, %swap3A_1344] {strides = array<i32>} : memref<64x16xf32, #tpu.memory_space<vmem>>, vector<16xf32>,
            tpu.vector_store %arg22[%swap3A_1343, %swap3A_1344], %add3A_1342 {strides = array<i32>} : memref<64x16xf32, #tpu.memory_space<vmem>>, vector<16xf32>,
          }
          %scan3A_1099 = arith.constant 64 : i32
        }
        %get3A_65 = arith.constant 0 : index
        %get3A_66 = tpu.vector_load %arg20[%get3A_65] {strides = array<i32>} : memref<16xf32, #tpu.memory_space<vmem>>, vector<16xf32>,
        %scan3A_67 = arith.constant 0 : i32
        %scan3A_68 = arith.constant 64 : i32
        %scan3A_69 = arith.addi %scan3A_67, %scan3A_68 : i32
        %scan3A_70 = arith.constant 1 : i32
        %scan3A_71 = scf.for %scan3A_76 = %scan3A_67 to %scan3A_69 step %scan3A_70 iter_args(%scan3A_77 = %get3A_66) -> (vector<16xf32>)  : i32 {
          %get3A_78 = arith.index_cast %scan3A_76 : i32 to index
          %get3A_79 = arith.constant 0 : index
          %get3A_80 = tpu.vector_load %arg21[%get3A_78, %get3A_79] {strides = array<i32>} : memref<64x16xf32, #tpu.memory_space<vmem>>, vector<16xf32>,
          %reduce_max3A_81 = arith.constant true
          %reduce_max3A_82 = vector.broadcast %reduce_max3A_81 : i1 to vector<16xi1>
          %reduce_max3A_83 = tpu.scan <max>, %get3A_80 masked %reduce_max3A_82 : vector<16xf32>, vector<16xi1> -> vector<16xf32>
          %reduce_max3A_84 = vector.extract %reduce_max3A_83[15] : f32 from vector<16xf32>
          %get3A_85 = arith.index_cast %scan3A_76 : i32 to index
          %get3A_86 = arith.constant 0 : index
          %get3A_87 = tpu.vector_load %arg22[%get3A_85, %get3A_86] {strides = array<i32>} : memref<64x16xf32, #tpu.memory_space<vmem>>, vector<16xf32>,
          %reduce_sum3A = arith.constant true
          %reduce_sum3A_88 = vector.broadcast %reduce_sum3A : i1 to vector<16xi1>
          %reduce_sum3A_89 = tpu.scan <sum>, %get3A_87 masked %reduce_sum3A_88 : vector<16xf32>, vector<16xi1> -> vector<16xf32>
          %reduce_sum3A_90 = vector.extract %reduce_sum3A_89[15] : f32 from vector<16xf32>
          %get3A_91 = arith.index_cast %scan3A_76 : i32 to index
          %get3A_92 = arith.constant 0 : index
          %get3A_93 = tpu.vector_load %arg19[%get3A_91, %get3A_92] {strides = array<i32>} : memref<128x16xf32, #tpu.memory_space<vmem>>, vector<16xf32>,
          %mul3A_94 = vector.broadcast %reduce_max3A_84 : f32 to vector<16xf32>
          %mul3A_95 = arith.mulf %mul3A_94, %get3A_93 : vector<16xf32>
          %add3A_96 = arith.addf %scan3A_77, %mul3A_95 : vector<16xf32>
          %add3A_97 = arith.constant 64 : i32
          %add3A_98 = arith.addi %add3A_97, %scan3A_76 : i32
          %get3A_99 = arith.index_cast %add3A_98 : i32 to index
          %get3A_100 = arith.constant 0 : index
          %get3A_101 = tpu.vector_load %arg19[%get3A_99, %get3A_100] {strides = array<i32>} : memref<128x16xf32, #tpu.memory_space<vmem>>, vector<16xf32>,
          %mul3A_102 = vector.broadcast %reduce_sum3A_90 : f32 to vector<16xf32>
          %mul3A_103 = arith.mulf %mul3A_102, %get3A_101 : vector<16xf32>
          %add3A_104 = arith.addf %add3A_96, %mul3A_103 : vector<16xf32>
          scf.yield %add3A_104 : vector<16xf32>
        }
        %scan3A_72 = arith.constant 64 : i32
        %swap3A_73 = arith.index_cast %scan3A_9 : i32 to index
        %swap3A_74 = arith.constant 0 : index
        %swap3A_75 = tpu.vector_load %arg23[%swap3A_73, %swap3A_74] {strides = array<i32>} : memref<16x16xf32, #tpu.memory_space<vmem>>, vector<16xf32>,
        tpu.vector_store %arg23[%swap3A_73, %swap3A_74], %scan3A_71 {strides = array<i32>} : memref<16x16xf32, #tpu.memory_space<vmem>>, vector<16xf32>,
      } else {
      }
    }
    %scan3A_8 = arith.constant 16 : i32
    "tpu.region"() ({
      %run_scoped3A = tpu.sem_alloc : memref<!tpu.dma_semaphore, #tpu.memory_space<semaphore_mem>>
      %dma_start3A = arith.constant 0 : i32
      %dma_start3A_9 = tpu.memref_slice %arg11[%add3A_4, %dma_start3A] : memref<512x16xf32, #tpu.memory_space<hbm>> -> memref<16x16xf32, #tpu.memory_space<hbm>>
      %dma_start3A_10 = arith.constant 0 : i32
      %dma_start3A_11 = tpu.memref_slice %arg11[%add3A_4, %dma_start3A_10] : memref<512x16xf32, #tpu.memory_space<hbm>> -> memref<16x16xf32, #tpu.memory_space<hbm>>
      tpu.enqueue_dma source(%arg23 : memref<16x16xf32, #tpu.memory_space<vmem>>) target(%dma_start3A_11 : memref<16x16xf32, #tpu.memory_space<hbm>>) target_semaphore(%run_scoped3A : memref<!tpu.dma_semaphore, #tpu.memory_space<semaphore_mem>>)
      %dma_wait3A = arith.constant 0 : i32
      %dma_wait3A_12 = tpu.memref_slice %arg11[%add3A_4, %dma_wait3A] : memref<512x16xf32, #tpu.memory_space<hbm>> -> memref<16x16xf32, #tpu.memory_space<hbm>>
      %dma_wait3A_13 = arith.constant 0 : i32
      %dma_wait3A_14 = tpu.memref_slice %arg11[%add3A_4, %dma_wait3A_13] : memref<512x16xf32, #tpu.memory_space<hbm>> -> memref<16x16xf32, #tpu.memory_space<hbm>>
      tpu.wait_dma2 semaphore(%run_scoped3A : memref<!tpu.dma_semaphore, #tpu.memory_space<semaphore_mem>>) src(%arg23 : memref<16x16xf32, #tpu.memory_space<vmem>>) dst(%dma_wait3A_14 : memref<16x16xf32, #tpu.memory_space<hbm>>)
      tpu.yield
    }) : () -> ()
    return
  }
}

module attributes {stable_mosaic.version = 14 : i64} {
  func.func @body(%arg0: i32, %arg1: memref<128x1024xf32, #tpu.memory_space<vmem>>, %arg2: memref<128x8xf32, #tpu.memory_space<vmem>>, %arg3: memref<128x8xf32, #tpu.memory_space<vmem>>, %arg4: memref<128x8xf32, #tpu.memory_space<vmem>>, %arg5: memref<128x4096xf32, #tpu.memory_space<vmem>>, %arg6: memref<8x4096xf32, #tpu.memory_space<vmem>>, %arg7: memref<128x128xbf16, #tpu.memory_space<vmem>>, %arg8: memref<8x128xf32, #tpu.memory_space<vmem>>, %arg9: memref<136x8xf32, #tpu.memory_space<vmem>>, %arg10: memref<128x8xf32, #tpu.memory_space<vmem>>) attributes {dimension_semantics = [#tpu.dimension_semantics<arbitrary>], iteration_bounds = array<i64: 28>, scalar_prefetch = 0 : i64, scratch_operands = 0 : i64, tpu.core_type = #tpu.core_type<tc>, window_params = [{transform_indices = @transform_0, window_bounds = array<i64: 128, 1024>}, {transform_indices = @transform_1, window_bounds = array<i64: 128, 8>}, {transform_indices = @transform_2, window_bounds = array<i64: 128, 8>}, {transform_indices = @transform_3, window_bounds = array<i64: 128, 8>}, {pipeline_mode = #tpu.pipeline_mode<synchronous>, transform_indices = @transform_4, window_bounds = array<i64: 128, 4096>}, {pipeline_mode = #tpu.pipeline_mode<synchronous>, transform_indices = @transform_5, window_bounds = array<i64: 8, 4096>}, {pipeline_mode = #tpu.pipeline_mode<synchronous>, transform_indices = @transform_6, window_bounds = array<i64: 128, 128>}, {pipeline_mode = #tpu.pipeline_mode<synchronous>, transform_indices = @transform_7, window_bounds = array<i64: 8, 128>}, {pipeline_mode = #tpu.pipeline_mode<synchronous>, transform_indices = @transform_8, window_bounds = array<i64: 136, 8>}, {transform_indices = @transform_9, window_bounds = array<i64: 128, 8>}]} {
    %get3A = arith.constant 0 : index
    %get3A_0 = arith.constant 0 : index
    %get3A_1 = vector.load %arg2[%get3A, %get3A_0] : memref<128x8xf32, #tpu.memory_space<vmem>>, vector<128x8xf32>
    %slice3A = vector.extract_strided_slice %get3A_1 {offsets = [0, 0], sizes = [128, 4], strides = [1, 1]} : vector<128x8xf32> to vector<128x4xf32>
    %get3A_2 = arith.constant 0 : index
    %get3A_3 = arith.constant 0 : index
    %get3A_4 = vector.load %arg3[%get3A_2, %get3A_3] : memref<128x8xf32, #tpu.memory_space<vmem>>, vector<128x8xf32>
    %slice3A_5 = vector.extract_strided_slice %get3A_4 {offsets = [0, 0], sizes = [128, 4], strides = [1, 1]} : vector<128x8xf32> to vector<128x4xf32>
    %concatenate3A = tpu.concatenate %slice3A, %slice3A, %slice3A, %slice3A, %slice3A, %slice3A, %slice3A, %slice3A, %slice3A, %slice3A, %slice3A, %slice3A, %slice3A, %slice3A, %slice3A, %slice3A, %slice3A, %slice3A, %slice3A, %slice3A, %slice3A, %slice3A, %slice3A, %slice3A, %slice3A, %slice3A, %slice3A, %slice3A, %slice3A, %slice3A, %slice3A, %slice3A in 1 : vector<128x4xf32>, vector<128x4xf32>, vector<128x4xf32>, vector<128x4xf32>, vector<128x4xf32>, vector<128x4xf32>, vector<128x4xf32>, vector<128x4xf32>, vector<128x4xf32>, vector<128x4xf32>, vector<128x4xf32>, vector<128x4xf32>, vector<128x4xf32>, vector<128x4xf32>, vector<128x4xf32>, vector<128x4xf32>, vector<128x4xf32>, vector<128x4xf32>, vector<128x4xf32>, vector<128x4xf32>, vector<128x4xf32>, vector<128x4xf32>, vector<128x4xf32>, vector<128x4xf32>, vector<128x4xf32>, vector<128x4xf32>, vector<128x4xf32>, vector<128x4xf32>, vector<128x4xf32>, vector<128x4xf32>, vector<128x4xf32>, vector<128x4xf32> -> vector<128x128xf32>
    %concatenate3A_6 = tpu.concatenate %slice3A_5, %slice3A_5, %slice3A_5, %slice3A_5, %slice3A_5, %slice3A_5, %slice3A_5, %slice3A_5, %slice3A_5, %slice3A_5, %slice3A_5, %slice3A_5, %slice3A_5, %slice3A_5, %slice3A_5, %slice3A_5, %slice3A_5, %slice3A_5, %slice3A_5, %slice3A_5, %slice3A_5, %slice3A_5, %slice3A_5, %slice3A_5, %slice3A_5, %slice3A_5, %slice3A_5, %slice3A_5, %slice3A_5, %slice3A_5, %slice3A_5, %slice3A_5 in 1 : vector<128x4xf32>, vector<128x4xf32>, vector<128x4xf32>, vector<128x4xf32>, vector<128x4xf32>, vector<128x4xf32>, vector<128x4xf32>, vector<128x4xf32>, vector<128x4xf32>, vector<128x4xf32>, vector<128x4xf32>, vector<128x4xf32>, vector<128x4xf32>, vector<128x4xf32>, vector<128x4xf32>, vector<128x4xf32>, vector<128x4xf32>, vector<128x4xf32>, vector<128x4xf32>, vector<128x4xf32>, vector<128x4xf32>, vector<128x4xf32>, vector<128x4xf32>, vector<128x4xf32>, vector<128x4xf32>, vector<128x4xf32>, vector<128x4xf32>, vector<128x4xf32>, vector<128x4xf32>, vector<128x4xf32>, vector<128x4xf32>, vector<128x4xf32> -> vector<128x128xf32>
    %broadcast_in_dim3A = vector.shape_cast %concatenate3A : vector<128x128xf32> to vector<128x1x128xf32>
    %broadcast_in_dim3A_7 = vector.shape_cast %broadcast_in_dim3A : vector<128x1x128xf32> to vector<128x1x128xf32>
    %broadcast_in_dim3A_8 = vector.broadcast %broadcast_in_dim3A_7 : vector<128x1x128xf32> to vector<128x8x128xf32>
    %reshape3A = vector.shape_cast %broadcast_in_dim3A_8 : vector<128x8x128xf32> to vector<1024x128xf32>
    %broadcast_in_dim3A_9 = vector.shape_cast %concatenate3A_6 : vector<128x128xf32> to vector<128x1x128xf32>
    %broadcast_in_dim3A_10 = vector.shape_cast %broadcast_in_dim3A_9 : vector<128x1x128xf32> to vector<128x1x128xf32>
    %broadcast_in_dim3A_11 = vector.broadcast %broadcast_in_dim3A_10 : vector<128x1x128xf32> to vector<128x8x128xf32>
    %reshape3A_12 = vector.shape_cast %broadcast_in_dim3A_11 : vector<128x8x128xf32> to vector<1024x128xf32>
    %get3A_13 = arith.constant 0 : index
    %get3A_14 = arith.constant 0 : index
    %get3A_15 = vector.load %arg1[%get3A_13, %get3A_14] : memref<128x1024xf32, #tpu.memory_space<vmem>>, vector<128x1024xf32>
    %reshape3A_16 = vector.shape_cast %get3A_15 : vector<128x1024xf32> to vector<1024x128xf32>
    %sub3A = arith.subf %reshape3A_16, %reshape3A : vector<1024x128xf32>
    %mul3A = arith.mulf %sub3A, %reshape3A_12 : vector<1024x128xf32>
    %get3A_17 = arith.constant 0 : index
    %get3A_18 = arith.constant 0 : index
    %get3A_19 = vector.load %arg5[%get3A_17, %get3A_18] : memref<128x4096xf32, #tpu.memory_space<vmem>>, vector<128x4096xf32>
    %dot_general3A = arith.constant dense<0.000000e+00> : vector<1024x4096xf32>
    %dot_general3A_20 = tpu.matmul %mul3A, %get3A_19, %dot_general3A {dimension_numbers = #tpu.dot_dimension_numbers<[1], [0], [0], [1], [0, 0, 1, 1], [], []>, transpose_lhs_hint = false} : vector<1024x128xf32>, vector<128x4096xf32>, vector<1024x4096xf32> -> vector<1024x4096xf32>
    %get3A_21 = arith.constant 0 : index
    %get3A_22 = arith.constant 0 : index
    %get3A_23 = vector.load %arg6[%get3A_21, %get3A_22] : memref<8x4096xf32, #tpu.memory_space<vmem>>, vector<8x4096xf32>
    %slice3A_24 = vector.extract_strided_slice %get3A_23 {offsets = [0, 0], sizes = [1, 4096], strides = [1, 1]} : vector<8x4096xf32> to vector<1x4096xf32>
    %squeeze3A = vector.shape_cast %slice3A_24 : vector<1x4096xf32> to vector<4096xf32>
    %broadcast_in_dim3A_25 = vector.shape_cast %squeeze3A : vector<4096xf32> to vector<1x4096xf32>
    %add3A = vector.broadcast %broadcast_in_dim3A_25 : vector<1x4096xf32> to vector<1024x4096xf32>
    %add3A_26 = arith.addf %dot_general3A_20, %add3A : vector<1024x4096xf32>
    %max3A = arith.constant 0.000000e+00 : f32
    %max3A_27 = vector.broadcast %max3A : f32 to vector<1024x4096xf32>
    %max3A_28 = arith.maximumf %add3A_26, %max3A_27 : vector<1024x4096xf32>
    %convert_element_type3A = arith.truncf %max3A_28 : vector<1024x4096xf32> to vector<1024x4096xbf16>
    %reshape3A_29 = vector.shape_cast %convert_element_type3A : vector<1024x4096xbf16> to vector<32768x128xbf16>
    %get3A_30 = arith.constant 0 : index
    %get3A_31 = arith.constant 0 : index
    %get3A_32 = vector.load %arg7[%get3A_30, %get3A_31] : memref<128x128xbf16, #tpu.memory_space<vmem>>, vector<128x128xbf16>
    %dot_general3A_33 = arith.constant dense<0.000000e+00> : vector<32768x128xf32>
    %dot_general3A_34 = tpu.matmul %reshape3A_29, %get3A_32, %dot_general3A_33 {dimension_numbers = #tpu.dot_dimension_numbers<[1], [0], [0], [1], [0, 0, 1, 1], [], []>, transpose_lhs_hint = false} : vector<32768x128xbf16>, vector<128x128xbf16>, vector<32768x128xf32> -> vector<32768x128xf32>
    %get3A_35 = arith.constant 0 : index
    %get3A_36 = arith.constant 0 : index
    %get3A_37 = vector.load %arg8[%get3A_35, %get3A_36] : memref<8x128xf32, #tpu.memory_space<vmem>>, vector<8x128xf32>
    %slice3A_38 = vector.extract_strided_slice %get3A_37 {offsets = [0, 0], sizes = [1, 128], strides = [1, 1]} : vector<8x128xf32> to vector<1x128xf32>
    %squeeze3A_39 = vector.shape_cast %slice3A_38 : vector<1x128xf32> to vector<128xf32>
    %broadcast_in_dim3A_40 = vector.shape_cast %squeeze3A_39 : vector<128xf32> to vector<1x128xf32>
    %add3A_41 = vector.broadcast %broadcast_in_dim3A_40 : vector<1x128xf32> to vector<32768x128xf32>
    %add3A_42 = arith.addf %dot_general3A_34, %add3A_41 : vector<32768x128xf32>
    %slice3A_43 = vector.extract_strided_slice %add3A_42 {offsets = [0, 64], sizes = [32768, 1], strides = [1, 1]} : vector<32768x128xf32> to vector<32768x1xf32>
    %reshape3A_44 = vector.shape_cast %slice3A_43 : vector<32768x1xf32> to vector<128x256x1xf32>
    %slice3A_45 = vector.extract_strided_slice %add3A_42 {offsets = [0, 0], sizes = [32768, 64], strides = [1, 1]} : vector<32768x128xf32> to vector<32768x64xf32>
    %reshape3A_46 = vector.shape_cast %slice3A_45 : vector<32768x64xf32> to vector<128x256x64xf32>
    %mul3A_47 = vector.broadcast %reshape3A_44 : vector<128x256x1xf32> to vector<128x256x64xf32>
    %mul3A_48 = arith.mulf %reshape3A_46, %mul3A_47 : vector<128x256x64xf32>
    %reduce_max3A = arith.constant dense<0xFF800000> : vector<128x64xf32>
    %reduce_max3A_49 = vector.multi_reduction <maximumf>, %reshape3A_46, %reduce_max3A [1] : vector<128x256x64xf32> to vector<128x64xf32>
    %reduce_sum3A = arith.constant dense<0.000000e+00> : vector<128x64xf32>
    %reduce_sum3A_50 = vector.multi_reduction <add>, %mul3A_48, %reduce_sum3A [1] : vector<128x256x64xf32> to vector<128x64xf32>
    %get3A_51 = arith.constant 0 : index
    %get3A_52 = arith.constant 0 : index
    %get3A_53 = vector.load %arg4[%get3A_51, %get3A_52] : memref<128x8xf32, #tpu.memory_space<vmem>>, vector<128x8xf32>
    %slice3A_54 = vector.extract_strided_slice %get3A_53 {offsets = [0, 0], sizes = [128, 1], strides = [1, 1]} : vector<128x8xf32> to vector<128x1xf32>
    %gt3A = arith.constant 0.000000e+00 : f32
    %gt3A_55 = vector.broadcast %gt3A : f32 to vector<128x1xf32>
    %gt3A_56 = arith.cmpf ogt, %slice3A_54, %gt3A_55 : vector<128x1xf32>
    %jit3A = arith.constant 0.000000e+00 : f32
    %broadcast_in_dim3A_57 = vector.shape_cast %gt3A_56 : vector<128x1xi1> to vector<128x1xi1>
    %broadcast_in_dim3A_58 = vector.broadcast %broadcast_in_dim3A_57 : vector<128x1xi1> to vector<128x64xi1>
    %broadcast_in_dim3A_59 = vector.broadcast %jit3A : f32 to vector<128x64xf32>
    %select_n3A = arith.select %broadcast_in_dim3A_58, %reduce_max3A_49, %broadcast_in_dim3A_59 : vector<128x64xi1>, vector<128x64xf32>
    %jit3A_60 = arith.constant 0.000000e+00 : f32
    %broadcast_in_dim3A_61 = vector.shape_cast %gt3A_56 : vector<128x1xi1> to vector<128x1xi1>
    %broadcast_in_dim3A_62 = vector.broadcast %broadcast_in_dim3A_61 : vector<128x1xi1> to vector<128x64xi1>
    %broadcast_in_dim3A_63 = vector.broadcast %jit3A_60 : f32 to vector<128x64xf32>
    %select_n3A_64 = arith.select %broadcast_in_dim3A_62, %reduce_sum3A_50, %broadcast_in_dim3A_63 : vector<128x64xi1>, vector<128x64xf32>
    %broadcast_in_dim3A_65 = arith.constant 1.000000e+00 : f32
    %broadcast_in_dim3A_66 = vector.broadcast %broadcast_in_dim3A_65 : f32 to vector<128x8xf32>
    %concatenate3A_67 = tpu.concatenate %select_n3A, %select_n3A_64, %broadcast_in_dim3A_66 in 1 : vector<128x64xf32>, vector<128x64xf32>, vector<128x8xf32> -> vector<128x136xf32>
    %get3A_68 = arith.constant 0 : index
    %get3A_69 = arith.constant 0 : index
    %get3A_70 = vector.load %arg9[%get3A_68, %get3A_69] : memref<136x8xf32, #tpu.memory_space<vmem>>, vector<136x8xf32>
    %dot_general3A_71 = arith.constant dense<0.000000e+00> : vector<128x8xf32>
    %dot_general3A_72 = tpu.matmul %concatenate3A_67, %get3A_70, %dot_general3A_71 {dimension_numbers = #tpu.dot_dimension_numbers<[1], [0], [0], [1], [0, 0, 1, 1], [], []>, transpose_lhs_hint = false} : vector<128x136xf32>, vector<136x8xf32>, vector<128x8xf32> -> vector<128x8xf32>
    %swap3A = arith.constant 0 : index
    %swap3A_73 = arith.constant 0 : index
    %swap3A_74 = vector.load %arg10[%swap3A, %swap3A_73] : memref<128x8xf32, #tpu.memory_space<vmem>>, vector<128x8xf32>
    tpu.vector_store %arg10[%swap3A, %swap3A_73], %dot_general3A_72 {strides = array<i32>} : memref<128x8xf32, #tpu.memory_space<vmem>>, vector<128x8xf32>,
    return
  }
  func.func @transform_0(%arg0: i32) -> (i32, i32) {
    %c0_i32 = arith.constant 0 : i32
    %c0_i32_0 = arith.constant 0 : i32
    return %arg0, %c0_i32 : i32, i32
  }
  func.func @transform_1(%arg0: i32) -> (i32, i32) {
    %c0_i32 = arith.constant 0 : i32
    %c0_i32_0 = arith.constant 0 : i32
    return %arg0, %c0_i32 : i32, i32
  }
  func.func @transform_2(%arg0: i32) -> (i32, i32) {
    %c0_i32 = arith.constant 0 : i32
    %c0_i32_0 = arith.constant 0 : i32
    return %arg0, %c0_i32 : i32, i32
  }
  func.func @transform_3(%arg0: i32) -> (i32, i32) {
    %c0_i32 = arith.constant 0 : i32
    %c0_i32_0 = arith.constant 0 : i32
    return %arg0, %c0_i32 : i32, i32
  }
  func.func @transform_4(%arg0: i32) -> (i32, i32) {
    %c0_i32 = arith.constant 0 : i32
    %c0_i32_0 = arith.constant 0 : i32
    %c0_i32_1 = arith.constant 0 : i32
    return %c0_i32, %c0_i32_0 : i32, i32
  }
  func.func @transform_5(%arg0: i32) -> (i32, i32) {
    %c0_i32 = arith.constant 0 : i32
    %c0_i32_0 = arith.constant 0 : i32
    %c0_i32_1 = arith.constant 0 : i32
    return %c0_i32, %c0_i32_0 : i32, i32
  }
  func.func @transform_6(%arg0: i32) -> (i32, i32) {
    %c0_i32 = arith.constant 0 : i32
    %c0_i32_0 = arith.constant 0 : i32
    %c0_i32_1 = arith.constant 0 : i32
    return %c0_i32, %c0_i32_0 : i32, i32
  }
  func.func @transform_7(%arg0: i32) -> (i32, i32) {
    %c0_i32 = arith.constant 0 : i32
    %c0_i32_0 = arith.constant 0 : i32
    %c0_i32_1 = arith.constant 0 : i32
    return %c0_i32, %c0_i32_0 : i32, i32
  }
  func.func @transform_8(%arg0: i32) -> (i32, i32) {
    %c0_i32 = arith.constant 0 : i32
    %c0_i32_0 = arith.constant 0 : i32
    %c0_i32_1 = arith.constant 0 : i32
    return %c0_i32, %c0_i32_0 : i32, i32
  }
  func.func @transform_9(%arg0: i32) -> (i32, i32) {
    %c0_i32 = arith.constant 0 : i32
    %c0_i32_0 = arith.constant 0 : i32
    return %arg0, %c0_i32 : i32, i32
  }
}

</mosaic_0001>

<sc_bundles>
// kernel: kernel.4.cloned.1.call-start
scs
__scs_entry_jumppad:
0x0: {  	(pc) =	sbr.rel $0x88, $3  }
0x1: {  	(tag) =	ssettag $0x0;
	lr =	simm.s32 $0x1  }
0x2: {  	[smem:$0x3F96] =	sst lr;
	_ =	strace $0xD0000000  }
0x3: {  	_ = 	snop  }
0x4: {  	_ = 	snop  }
0x5: {  	_ = 	snop  }
0x6: {  	_ = 	snop  }
0x7: {  	_ = 	snop  }
__scs_overlays_trampoline_lowered:
0x8: {  	[smem:$0x3FA5] =	sst s0  }
0x9: {  	[smem:$0x3FA6] =	sst s1  }
0xa: {  	[smem:$0x3FA7] =	sst s2  }
0xb: {  	[smem:$0x3FA8] =	sst s3  }
0xc: {  	[smem:$0x3FA9] =	sst s4  }
0xd: {  	[smem:$0x3FAA] =	sst s5  }
0xe: {  	[smem:$0x3FAB] =	sst s6  }
0xf: {  	[smem:$0x3FAC] =	sst s7  }
0x10: {  	[smem:$0x3FAD] =	sst s8  }
0x11: {  	[smem:$0x3FAE] =	sst s9;
	s0 =	simm.s32 @!p0 $0x0  }
0x12: {  	s1 =	sld [smem:$0x3F94];
	s0 =	simm.s32 @p0 $0x1  }
0x13: {  	[smem:$0x3FAF] =	sst s0;
	s0 =	simm.s32 @!p1 $0x0  }
0x14: {  	s2 =	sld [smem:$0x3F93];
	s0 =	simm.s32 @p1 $0x1  }
0x15: {  	[smem:$0x3FB0] =	sst s0;
	s0 =	simm.s32 @!p2 $0x0  }
0x16: {  	s3 =	sld [smem:$0x3FDB];
	s0 =	simm.s32 @p2 $0x1  }
0x17: {  	s4 =	simm.s32 $0x1BF5;
	[smem:$0x3FB2] =	sst s0  }
0x18: {  	s0 =	sld [smem:$0x3F95];
	_ =	swait.ge [sflag:s4], $0x0  }
0x19: {  	s7 =	sld [smem:$0x3F96]  }
0x1a: {  	s8 =	sadd.s32 $0xFFFFE003, lr  }
0x1b: {  	s9 =	sadd.s32 $0xFFFFFEF7, lr;
	s5 =	simm.s32 $0xFFFFFFFF;
	p2 =	slt.u32 s8, $0xFFFFF086  }
0x1c: {  	p1 =	slt.u32 s9, $0xF7A;
	s5 =	simm.s32 @!p2 $0x0  }
0x1d: {  	s5 =	simm.s32 @p1 $0x1;
	p0 =	seq.s32 s7, s2  }
0x1e: {  	s7 =	smul.u32 @!p0 $0xF7A, s2;
	p2 =	seq.s32 @!p0 s5, $0x0  }
0x1f: {  	s9 =	smul.u32 $0xF7A, s1;
	s8 =	simm.s32 @!p0 $0x1BF5;
	p2 =	por !p2, p0  }
0x20: {  	[sflag:s8] =	ssyncset.s32 @!p0 $0xFFFFF086;
	s6 =	sadd.s32 @!p0 s3, s7;
	s7 =	simm.s32 @!p0 $0x108  }
0x21: {  	s3 =	sadd.s32 s3, s9;
	s6 =	sadd.s32 @!p0 $0x88, s6;
	s7 =	simm.s32 @p2 $0x1082  }
0x22: {  	[simem:s7], [sflag:s8] =	dma.local @!p0 [hbm:s6], $0xF7A  }
0x23: {  	s9 =	sor.u32 $0xD0000000, s2;
	s6 =	simm.s32 $0x108;
	_ =	swait.ge @!p0 [sflag:s8], $0x0  }
0x24: {  	s3 =	sadd.s32 $0x88, s3;
	s6 =	simm.s32 @!p1 $0x1082;
	[sflag:s4] =	ssyncset.s32 $0xFFFFF086  }
0x25: {  	[simem:s6], [sflag:s4] =	dma.local [hbm:s3], $0xF7A  }
0x26: {  	[smem:$0x3F96] =	sst s1;
	(tag) =	ssettag s2;
	_ =	strace s9  }
0x27: {  	s1 =	sld [smem:$0x3FA6]  }
0x28: {  	s2 =	sld [smem:$0x3FA7]  }
0x29: {  	s4 =	sld [smem:$0x3FA9]  }
0x2a: {  	p0 =	seq.s32 s5, $0x0;
	s5 =	sld [smem:$0x3FAA]  }
0x2b: {  	s6 =	sld [smem:$0x3FAB]  }
0x2c: {  	s7 =	sld [smem:$0x3FAC]  }
0x2d: {  	s3 =	simm.s32 $0x108;
	s8 =	sld [smem:$0x3FAD]  }
0x2e: {  	s3 =	simm.s32 @!p0 $0x1082;
	s9 =	sld [smem:$0x3FAE]  }
0x2f: {  	lr =	sadd.s32 s0, s3;
	s0 =	sld [smem:$0x3FA5]  }
0x30: {  	s3 =	sld [smem:$0x3FA8]  }
0x31: {  	[smem:$0x3FB1] =	sst s10  }
0x32: {  	s10 =	sld [smem:$0x3FAF];
	_ =	sdelay $0x3  }
0x33: {  	p0 =	seq.s32 s10, $0x1;
	s10 =	sld [smem:$0x3FB1];
	_ =	sdelay $0x3  }
0x34: {  	[smem:$0x3FB1] =	sst s10  }
0x35: {  	s10 =	sld [smem:$0x3FB0];
	_ =	sdelay $0x3  }
0x36: {  	p1 =	seq.s32 s10, $0x1;
	s10 =	sld [smem:$0x3FB1];
	_ =	sdelay $0x3  }
0x37: {  	[smem:$0x3FB1] =	sst s10  }
0x38: {  	s10 =	sld [smem:$0x3FB2]  }
0x39: {  	_ = 	snop;
	(pc) =	sbr.ind lr, $3  }
0x3a: {  	_ = 	snop  }
0x3b: {  	_ = 	snop  }
0x3c: {  	p2 =	seq.s32 s10, $0x1;
	s10 =	sld [smem:$0x3FB1]  }
0x3d: {  	_ =	shalt  }
0x3e: {  	_ =	shalt  }
0x3f: {  	_ =	shalt  }
0x40: {  	_ =	shalt  }
0x41: {  	_ =	shalt  }
0x42: {  	_ =	shalt  }
0x43: {  	_ =	shalt  }
0x44: {  	_ =	shalt  }
0x45: {  	_ =	shalt  }
0x46: {  	_ =	shalt  }
0x47: {  	_ =	shalt  }
0x48: {  	_ =	shalt  }
0x49: {  	_ =	shalt  }
0x4a: {  	_ =	shalt  }
0x4b: {  	_ =	shalt  }
0x4c: {  	_ =	shalt  }
0x4d: {  	_ =	shalt  }
0x4e: {  	_ =	shalt  }
0x4f: {  	_ =	shalt  }
0x50: {  	_ =	shalt  }
0x51: {  	_ =	shalt  }
0x52: {  	_ =	shalt  }
0x53: {  	_ =	shalt  }
0x54: {  	_ =	shalt  }
0x55: {  	_ =	shalt  }
0x56: {  	_ =	shalt  }
0x57: {  	_ =	shalt  }
0x58: {  	_ =	shalt  }
0x59: {  	_ =	shalt  }
0x5a: {  	_ =	shalt  }
0x5b: {  	_ =	shalt  }
0x5c: {  	_ =	shalt  }
0x5d: {  	_ =	shalt  }
0x5e: {  	_ =	shalt  }
0x5f: {  	_ =	shalt  }
0x60: {  	_ =	shalt  }
0x61: {  	_ =	shalt  }
0x62: {  	_ =	shalt  }
0x63: {  	_ =	shalt  }
0x64: {  	_ =	shalt  }
0x65: {  	_ =	shalt  }
0x66: {  	_ =	shalt  }
0x67: {  	_ =	shalt  }
0x68: {  	_ =	shalt  }
0x69: {  	_ =	shalt  }
0x6a: {  	_ =	shalt  }
0x6b: {  	_ =	shalt  }
0x6c: {  	_ =	shalt  }
0x6d: {  	_ =	shalt  }
0x6e: {  	_ =	shalt  }
0x6f: {  	_ =	shalt  }
0x70: {  	_ =	shalt  }
0x71: {  	_ =	shalt  }
0x72: {  	_ =	shalt  }
0x73: {  	_ =	shalt  }
0x74: {  	_ =	shalt  }
0x75: {  	_ =	shalt  }
0x76: {  	_ =	shalt  }
0x77: {  	_ =	shalt  }
0x78: {  	_ =	shalt  }
0x79: {  	_ =	shalt  }
0x7a: {  	_ =	shalt  }
0x7b: {  	_ =	shalt  }
0x7c: {  	_ =	shalt  }
0x7d: {  	_ =	shalt  }
0x7e: {  	_ =	shalt  }
0x7f: {  	_ =	shalt  }
0x80: {  	_ =	shalt  }
0x81: {  	_ =	shalt  }
0x82: {  	_ =	shalt  }
0x83: {  	_ =	shalt  }
0x84: {  	_ =	shalt  }
0x85: {  	_ =	shalt  }
0x86: {  	_ =	shalt  }
0x87: {  	_ =	shalt  }
.Lfunc_end0:
.L_simem_size_0:
called_computation_lowered:
.L_overlay_start_0:
0x88: {  	s2 =	sld [smem:$0x3FD9]  }
0x89: {  	s3 =	sld [smem:$0x3FFE];
	_ =	sdelay $0x1  }
0x8a: {  	s1 =	srdreg.scid  }
0x8b: {  	s0 =	sand.u32 $0x1, s1  }
0x8c: {  	s14 =	sshll.u32 s0, $0xA;
	s2 =	sadd.s32 s3, s2  }
0x8d: {  	s2 =	sadd.s32 s2, s14  }
0x8e: {  	[smem:$0x3FBD] =	sst s2  }
0x8f: {  	_ = 	snop  }
0x90: {  	s2 =	sld [smem:$0x3FD0];
	_ =	sdelay $0x2  }
0x91: {  	s15 =	simm.s32 $0xA;
	s4 =	simm.s32 $0x10  }
0x92: {  	[smem:s4], [sflag:s15] =	dma.local [hbm:s2], $0x1  }
0x93: {  	_ =	swait.eq [sflag:s15], $0x1  }
0x94: {  	[sflag:s15] =	ssyncset.done $0x0  }
0x95: {  	[sflag:s15] =	ssyncadd.s32 $0xFFFFFFFF  }
0x96: {  	s16 =	sld [smem:$0x10];
	(tm) =	ssettm $0x1  }
0x97: {  	s17 =	sld [smem:$0x3FFB];
	_ =	sdelay $0x3  }
0x98: {  	_ =	strace s17  }
0x99: {  	s3 =	sld [smem:$0x3FFC];
	_ =	sdelay $0x3  }
0x9a: {  	_ =	strace s3  }
0x9b: {  	s3 =	sld [smem:$0x3FFD];
	_ =	sdelay $0x3  }
0x9c: {  	_ =	strace s3  }
0x9d: {  	_ =	strace $0x8FFFFFFF  }
0x9e: {  	s18 =	sld [smem:$0x3FDB];
	_ =	sdelay $0x1  }
0x9f: {  	s19 =	simm.s32 $_scs_section_size  }
0xa0: {  	s5 =	simm.s32 $_size__tile_overlayer_lowered;
	s6 =	simm.s32 $_tile_overlayer_lowered  }
0xa1: {  	s22 =	simm.s32 $0x1BFF;
	s21 =	sshll.u32 s6, $0x1;
	s3 =	sadd.s32 s19, s18  }
0xa2: {  	s7 =	simm.s32 $0x0;
	s20 =	sshll.u32 s5, $0x1;
	s5 =	sadd.s32 s21, s3  }
0xa3: {  	[timem:s7], [sflag:s22] =	dma.local [hbm:s5], s20  }
0xa4: {  	_ =	swait.ge [sflag:s22], s20  }
0xa5: {  	s4 =	ssub.s32 $0x0, s20;
	[sflag:s22] =	ssyncset.done $0x0  }
0xa6: {  	[sflag:s22] =	ssyncadd.s32 s4;
	_ =	sdelay $0x1  }
0xa7: {  	s23 =	simm.s32 $0x1B8B  }
0xa8: {  	_ =	swait.ge [sflag:s23], $0x1  }
0xa9: {  	[sflag:s23] =	ssyncset.done $0x0  }
0xaa: {  	s25 =	simm.s32 $0x1B8E;
	s24 =	sld [smem:$0x3FFE];
	[sflag:s23] =	ssyncadd.s32 $0xFFFFFFFF  }
0xab: {  	s26 =	simm.s32 $execute0_lowered;
	[smem:$0x3FD2] =	sst s25  }
0xac: {  	s5 =	sshll.u32 s26, $0x1;
	_ =	strace $0x80000046;
	[dreg:$0x1] =	wrdreg $0xFFFFFFFF  }
0xad: {  	s28 =	simm.s32 $_size_execute0_lowered;
	s3 =	sadd.s32 s3, s5;
	[dreg:$0x0] =	wrdreg $0x0  }
0xae: {  	s5 =	sshll.u32 s28, $0x1;
	[dreg:$0x2] =	wrdreg s3  }
0xaf: {  	[dreg:$0x3] =	wrdreg s5  }
0xb0: {  	[dreg:$0x4] =	wrdreg $0xC0  }
0xb1: {  	_ =	task [dreg:s7], $0x5FFFF  }
0xb2: {  	[dreg:$0x1] =	wrdreg $0xFFFFFFFF  }
0xb3: {  	[dreg:$0x0] =	wrdreg $0x60  }
0xb4: {  	[dreg:$0x2] =	wrdreg s24  }
0xb5: {  	[dreg:$0x3] =	wrdreg s16  }
0xb6: {  	[dreg:$0x4] =	wrdreg $0x9  }
0xb7: {  	_ =	task.clear_ibuf [dreg:s7], $0x5FFFF;
	_ =	strace $0x90000046  }
0xb8: {  	s29 =	simm.s32 $0x9;
	_ =	strace $0x80000048  }
0xb9: {  	_ =	swait.ge [sflag:s29], $0x1  }
0xba: {  	[sflag:s29] =	ssyncadd.s32 $0xFFFFFFFF  }
0xbb: {  	_ =	strace $0x90000048  }
0xbc: {  	_ =	sfence  }
0xbd: {  	s30 =	sld [smem:$0x0];
	_ =	sdelay $0x2  }
0xbe: {  	s31 =	sshll.u32 s1, $0xD;
	s1 =	sshrl.u32 s1, $0x2  }
0xbf: {  	s3 =	sand.u32 $0x4000, s31;
	s1 =	sadd.s32 s1, s30  }
0xc0: {  	s0 =	sor.u32 s3, s0;
	s1 =	sshll.u32 s1, $0x11  }
0xc1: {  	s0 =	sor.u32 s1, s0  }
0xc2: {  	s0 =	sadd.s32 $0x8F2B, s0  }
0xc3: {  	[sflag:s0] =	ssyncadd.remote.s32 $0x1  }
0xc4: {  	_ =	sfence.sel $0xFFFF  }
0xc5: {  	[dreg:$0x0] =	wrdreg $0xFFFFFFFF;
	(pc) =	sbr.abs _section_cstart, $3  }
0xc6: {  	[dreg:$0x1] =	wrdreg $0xFFFFFFFF  }
0xc7: {  	_ =	task.clear_ibuf [dreg:s7], $0x2FFFF;
	_ =	strace $0x9FFFFFFF  }
0xc8: {  	(tm) =	ssettm $0x7FFFFFFF  }
0xc9: {  	_ =	shalt  }
tec
execute0_lowered:
.L_overlay_start_1:
0x0: {  	(tag) =	ssettag $0x1  }
0x1: {  	s0 =	srdreg.scid;
	s1 =	rddreg [dreg:$0x0]  }
0x2: {  	s2 =	stileid.u32;
	s3 =	simm.s32 $0x0;
	s14 =	simm.s32 $0x3110  }
0x3: {  	s15 =	simm.s32 $0x1;
	s16 =	simm.s32 $0x3710;
	s17 =	simm.s32 $0x3910  }
0x4: {  	s18 =	simm.s32 $0xB910;
	s19 =	simm.s32 $0xBD10;
	s20 =	simm.s32 $0xC510  }
0x5: {  	s21 =	simm.s32 $0x3000;
	s22 =	simm.s32 $0x3100;
	s23 =	simm.s32 $0xCD20  }
0x6: {  	s24 =	simm.s32 $0x0;
	s29 =	simm.s32 $0x0;
	s0 =	sand.u32 $0x1, s0  }
0x7: {  	s2 =	sshll.u32 s2, $0x5;
	[smem:$0x7FF] =	sst s3;
	s4 =	sshll.u32 s0, $0x4  }
0x8: {  	s6 =	sadd.s32 $0xF000, s1;
	s7 =	sadd.s32 $0xA00, s1;
	s2 =	sor.u32 s4, s2  }
0x9: {  	s8 =	sadd.s32 $0x600, s1;
	s0 =	ssub.s32 $0x2, s0;
	s4 =	smul.u32 $0x60, s2  }
.Ltmp0:
0xa: {  	_ =	strace $0x80000047;
	s9 =	sshrl.u32 s0, $0x1;
	(pc) =	sbr.rel .LBB2_1-.Ltmp0, $4  }
0xb: {  	s5 =	sshrl.u32 s2, $0x3;
	s2 =	sshll.u32 s2, $0x1;
	s0 =	ssub.s32 s0, s9  }
0xc: {  	s11 =	sadd.s32 s5, s1;
	s5 =	sadd.s32 $0xE000, s1;
	s9 =	sadd.s32 s1, s2  }
0xd: {  	s13 =	smax.u32 s0, $0x1;
	s10 =	sadd.s32 s4, s1;
	s4 =	sadd.s32 $0x400, s1  }
0xe: {  	v0 =	vimm.f32 $-3.000000010e+38;
	v1 =	vimm.f32 $0.0e+00;
	s11 =	sadd.s32 $0x800, s11;
	s12 =	sadd.s32 $0xF200, s9;
	s10 =	sadd.s32 $0x2000, s10  }
.LBB2_13:
0xf: {  	s24 =	sadd.s32 $0x1, s24  }
0x10: {  	p0 =	sne.s32 s24, s13  }
.Ltmp1:
0x11: {  	_ = 	snop;
	(pc) =	sbr.rel @!p0 .LBB2_14-.Ltmp1, $4  }
0x12: {  	[hbm4b:s12+s3] =	stream.linear.scatter [tilespmem:s23], [sflag:$0x1], $0x100, $0x38;
	[tilespmem:$0xCE20] =	vst v63  }
0x13: {  	_ =	swait.ge [sflag:s15], $0x100  }
0x14: {  	[sflag:s15] =	ssyncset.done $0x0  }
0x15: {  	[sflag:s15] =	ssyncadd.s32 $0xFFFFFF00  }
.LBB2_1:
0x16: {  	s0 =	rddreg [dreg:$0x1]  }
0x17: {  	[tilespmem:s14], [sflag:$0x1] =	stream.linear.gather [hbm4b:s0+s3], $0x600, $0x38;
	[tilespmem:$0xCE20] =	vst v63  }
0x18: {  	_ =	swait.ge [sflag:s15], $0x600  }
0x19: {  	[sflag:s15] =	ssyncset.done $0x0  }
0x1a: {  	[sflag:s15] =	ssyncadd.s32 $0xFFFFFA00  }
0x1b: {  	[tilespmem:s16], [sflag:$0x1] =	stream.linear.gather [hbm4b:s4+s3], $0x200, $0x38;
	[tilespmem:$0xCE20] =	vst v63  }
0x1c: {  	_ =	swait.ge [sflag:s15], $0x200  }
0x1d: {  	[sflag:s15] =	ssyncset.done $0x0  }
0x1e: {  	[sflag:s15] =	ssyncadd.s32 $0xFFFFFE00  }
0x1f: {  	[tilespmem:s17], [sflag:$0x1] =	stream.linear.gather [hbm4b:s5+s3], $0x8000, $0x38;
	[tilespmem:$0xCE20] =	vst v63  }
0x20: {  	_ =	swait.ge [sflag:s15], $0x8000  }
0x21: {  	[sflag:s15] =	ssyncset.done $0x0  }
0x22: {  	[sflag:s15] =	ssyncadd.s32 $0xFFFF8000  }
0x23: {  	[tilespmem:s18], [sflag:$0x1] =	stream.linear.gather [hbm4b:s6+s3], $0x400, $0x38;
	[tilespmem:$0xCE20] =	vst v63  }
0x24: {  	_ =	swait.ge [sflag:s15], $0x400  }
0x25: {  	[sflag:s15] =	ssyncset.done $0x0  }
0x26: {  	[sflag:s15] =	ssyncadd.s32 $0xFFFFFC00  }
0x27: {  	[tilespmem:s19], [sflag:$0x1] =	stream.linear.gather [hbm4b:s7+s3], $0x800, $0x38;
	[tilespmem:$0xCE20] =	vst v63  }
0x28: {  	_ =	swait.ge [sflag:s15], $0x800  }
0x29: {  	[sflag:s15] =	ssyncset.done $0x0  }
0x2a: {  	[sflag:s15] =	ssyncadd.s32 $0xFFFFF800  }
0x2b: {  	[tilespmem:s20], [sflag:$0x1] =	stream.linear.gather [hbm4b:s8+s3], $0x10, $0x38;
	[tilespmem:$0xCE20] =	vst v63  }
0x2c: {  	_ =	swait.ge [sflag:s15], $0x10  }
0x2d: {  	[sflag:s15] =	ssyncset.done $0x0  }
0x2e: {  	[sflag:s15] =	ssyncadd.s32 $0xFFFFFFF0  }
0x2f: {  	[tilespmem:s3], [sflag:$0x1] =	stream.linear.gather [hbm4b:s10+s3], $0x3000, $0x38;
	[tilespmem:$0xCE20] =	vst v63  }
0x30: {  	_ =	swait.ge [sflag:s15], $0x3000  }
0x31: {  	[sflag:s15] =	ssyncset.done $0x0  }
0x32: {  	[sflag:s15] =	ssyncadd.s32 $0xFFFFD000  }
0x33: {  	[tilespmem:s21], [sflag:$0x1] =	stream.linear.gather [hbm4b:s9+s3], $0x100, $0x38;
	[tilespmem:$0xCE20] =	vst v63  }
0x34: {  	_ =	swait.ge [sflag:s15], $0x100  }
0x35: {  	[sflag:s15] =	ssyncset.done $0x0  }
.Ltmp2:
0x36: {  	[sflag:s15] =	ssyncadd.s32 $0xFFFFFF00;
	(pc) =	sbr.rel .LBB2_2-.Ltmp2, $4  }
0x37: {  	[tilespmem:s22], [sflag:$0x1] =	stream.linear.gather [hbm4b:s11+s3], $0x10, $0x38;
	[tilespmem:$0xCE20] =	vst v63  }
0x38: {  	_ =	swait.ge [sflag:s15], $0x10  }
0x39: {  	[sflag:s15] =	ssyncset.done $0x0  }
0x3a: {  	s25 =	simm.s32 $0x0;
	[sflag:s15] =	ssyncadd.s32 $0xFFFFFFF0  }
.LBB2_12:
0x3b: {  	s25 =	sadd.s32 $0x1, s25  }
0x3c: {  	p0 =	sne.s32 s25, $0x10  }
.Ltmp3:
0x3d: {  	_ = 	snop;
	(pc) =	sbr.rel @!p0 .LBB2_13-.Ltmp3, $1  }
0x3e: {  	_ =	sdelay $0x3  }
.LBB2_2:
0x3f: {  	v13 =	vmov s25;
	_ =	sdelay $0x4  }
0x40: {  	v9 =	vshll.u32 v13, $0x4;
	v2 =	vld.idx.msk [tilespmem:v13+s22+$0x0], $0xffff;
	_ =	sdelay $0x4  }
0x41: {  	v5 =	vor.u32 $0x1, v9;
	[tilespmem:$0x1FF60] =	vst v2;
	v4 =	vxor.u32 $0x80000000, v2;
	v2 =	vld.idx.msk [tilespmem:v9+s21+$0x0], $0xffff;
	_ =	sdelay $0x4  }
0x42: {  	v6 =	vor.u32 $0x2, v9;
	[tilespmem:$0x1FF70] =	vst v2;
	v2 =	vld.idx.msk [tilespmem:v5+s21+$0x0], $0xffff;
	_ =	sdelay $0x4  }
0x43: {  	v7 =	vor.u32 $0x3, v9;
	[tilespmem:$0x1FF80] =	vst v2;
	v2 =	vld.idx.msk [tilespmem:v6+s21+$0x0], $0xffff;
	_ =	sdelay $0x4  }
0x44: {  	v8 =	vor.u32 $0x4, v9;
	[tilespmem:$0x1FF90] =	vst v2;
	v2 =	vld.idx.msk [tilespmem:v7+s21+$0x0], $0xffff;
	_ =	sdelay $0x1  }
0x45: {  	(xrf0) =	vmax.scan.msk.u32 $0xffff, v4;
	_ =	sdelay $0x2  }
0x46: {  	v10 =	vor.u32 $0x5, v9;
	[tilespmem:$0x1FFA0] =	vst v2;
	v2 =	vld.idx.msk [tilespmem:v8+s21+$0x0], $0xffff;
	_ =	sdelay $0x2  }
0x47: {  	v4, _, _ =	vpop (xrf0)  }
0x48: {  	(v2sf) =	vpush v4, $0xF  }
0x49: {  	v11 =	vor.u32 $0x6, v9;
	[tilespmem:$0x1FFB0] =	vst v2;
	v2 =	vld.idx.msk [tilespmem:v10+s21+$0x0], $0xffff;
	_ =	sdelay $0x4  }
0x4a: {  	v12 =	vor.u32 $0x7, v9;
	[tilespmem:$0x1FFC0] =	vst v2;
	v2 =	vld.idx.msk [tilespmem:v11+s21+$0x0], $0xffff;
	_ =	sdelay $0x4  }
0x4b: {  	v14 =	vor.u32 $0x8, v9;
	[tilespmem:$0x1FFD0] =	vst v2;
	v2 =	vld.idx.msk [tilespmem:v12+s21+$0x0], $0xffff;
	_ =	sdelay $0x3  }
0x4c: {  	v15 =	vld [tilespmem:$0xC510];
	s0 =	spop (v2sf)  }
0x4d: {  	p0 =	slt.u32 s0, $0x80000004;
	[tilespmem:$0x1FFE0] =	vst v2;
	v2 =	vld.idx.msk [tilespmem:v14+s21+$0x0], $0xffff  }
.Ltmp4:
0x4e: {  	_ = 	snop;
	(pc) =	sbr.rel @p0 .LBB2_12-.Ltmp4, $4  }
0x4f: {  	s1 =	sshll.u32 s25, $0x6  }
0x50: {  	s26 =	sshrl.u32 s1, $0x2  }
0x51: {  	[tilespmem:s26+$0xCD20] =	vst v15  }
0x52: {  	[tilespmem:$0x1FFF0] =	vst v2  }
0x53: {  	s1 =	simm.s32 $0x40;
	s2 =	simm.s32 $0x0  }
.LBB2_4:
0x54: {  	p0 =	sne.s32 s1, $0xFC0;
	[tilespmem:s2+$0xC520] =	vst v0;
	s28 =	smov.u32 s1;
	s1 =	sadd.s32 $0x40, s1  }
.Ltmp5:
0x55: {  	[tilespmem:s2+$0xC920] =	vst v1;
	(pc) =	sbr.rel @p0 .LBB2_4-.Ltmp5, $2  }
0x56: {  	_ =	sdelay $0x2  }
0x57: {  	s2 =	sshra.s32 s28, $0x2  }
0x58: {  	[tilespmem:s2+$0xC520] =	vst v0;
	v0 =	vmul.u32 $0x300, v13  }
0x59: {  	s0 =	sadd.s32 $0x8000000F, s0;
	[tilespmem:s2+$0xC920] =	vst v1  }
0x5a: {  	s30 =	simm.s32 $0x0;
	s28 =	sshrl.u32 s0, $0x4;
	[tilespmem:$0x1FF50] =	vst v0  }
.LBB2_6:
0x5b: {  	v20 =	vld [tilespmem:$0x3310]  }
0x5c: {  	v21 =	vld [tilespmem:$0x3510]  }
0x5d: {  	s0 =	sshll.u32 s30, $0x4;
	v0 =	vlaneseq.u32;
	v22 =	vld [tilespmem:$0x3710]  }
0x5e: {  	v23 =	vld [tilespmem:$0x3120];
	v0 =	vor.u32 s0, v0  }
0x5f: {  	v25 =	vld [tilespmem:$0x3320];
	vm0 =	vlt.s32 v0, $0xFF  }
0x60: {  	[tilespmem:$0x1FF40] =	vst v0;
	v15 =	vnsel vm0, $0xFF, v0;
	v0 =	vld [tilespmem:$0x1FF50]  }
0x61: {  	v26 =	vld [tilespmem:$0x3520]  }
0x62: {  	v40 =	vld [tilespmem:$0x3600];
	v15 =	vmul.u32 $0x3, v15  }
0x63: {  	v36 =	vld [tilespmem:$0x3720]  }
0x64: {  	v38 =	vld [tilespmem:$0x3130];
	v16 =	vand.u32 $0xFFFFFFF8, v15  }
0x65: {  	v43 =	vld [tilespmem:$0x3330];
	v17 =	vand.u32 $0x7, v15;
	v18 =	vadd.s32 $0x1, v15;
	v16 =	vadd.s32 v0, v16  }
0x66: {  	v47 =	vld [tilespmem:$0x3530];
	v16 =	vor.u32 v17, v16;
	v17 =	vand.u32 $0xFFFFFFF8, v18  }
0x67: {  	[tilespmem:$0x1FE70] =	vst v40;
	v40 =	vld [tilespmem:$0x3410];
	v18 =	vand.u32 $0x7, v18;
	v17 =	vadd.s32 v0, v17  }
0x68: {  	v49 =	vld [tilespmem:$0x3730];
	v17 =	vor.u32 v18, v17  }
0x69: {  	v50 =	vld [tilespmem:$0x3140]  }
0x6a: {  	v51 =	vld [tilespmem:$0x3340]  }
0x6b: {  	v35 =	vld [tilespmem:$0x37D0]  }
0x6c: {  	[tilespmem:$0x1FEA0] =	vst v40;
	v40 =	vld [tilespmem:$0x1FF80]  }
0x6d: {  	v17 =	vld.idx.msk [tilespmem:v17+s29+$0x0], $0xffff  }
0x6e: {  	v53 =	vld [tilespmem:$0x3540];
	v15 =	vadd.s32 $0x2, v15  }
0x6f: {  	v62 =	vld [tilespmem:$0x3740];
	v19 =	vand.u32 $0xFFFFFFF8, v15  }
0x70: {  	v63 =	vld [tilespmem:$0x3150];
	v15 =	vand.u32 $0x7, v15;
	v18 =	vadd.s32 v0, v19  }
0x71: {  	v2 =	vld [tilespmem:$0x3350];
	v15 =	vor.u32 v15, v18  }
0x72: {  	[tilespmem:$0x1FE60] =	vst v35;
	v35 =	vsub.f32 v17, v40;
	v17 =	vld [tilespmem:$0x3810]  }
0x73: {  	v4 =	vld [tilespmem:$0x3550]  }
0x74: {  	v39 =	vld [tilespmem:$0x37F0]  }
0x75: {  	v5 =	vld [tilespmem:$0x3750]  }
0x76: {  	v15 =	vld.idx.msk [tilespmem:v15+s29+$0x0], $0xffff  }
0x77: {  	[tilespmem:$0x1FF00] =	vst v17;
	v17 =	vld [tilespmem:$0x1FF90]  }
0x78: {  	v6 =	vld [tilespmem:$0x3160]  }
0x79: {  	[tilespmem:$0x1FEB0] =	vst v39;
	v39 =	vld [tilespmem:$0x3210]  }
0x7a: {  	v7 =	vld [tilespmem:$0x3360]  }
0x7b: {  	v8 =	vld [tilespmem:$0x3560]  }
0x7c: {  	v15 =	vsub.f32 v15, v17;
	v17 =	vld [tilespmem:$0x3220]  }
0x7d: {  	v29 =	vld [tilespmem:$0x3760]  }
0x7e: {  	[tilespmem:$0x1FE90] =	vst v39;
	v39 =	vld [tilespmem:$0x1FF70]  }
0x7f: {  	v16 =	vld.idx.msk [tilespmem:v16+s29+$0x0], $0xffff  }
0x80: {  	v10 =	vld [tilespmem:$0x3170]  }
0x81: {  	[tilespmem:$0x1FED0] =	vst v17;
	v17 =	vld [tilespmem:$0x1FFA0]  }
0x82: {  	v11 =	vld [tilespmem:$0x3370]  }
0x83: {  	v12 =	vld [tilespmem:$0x3570]  }
0x84: {  	v28 =	vld [tilespmem:$0x3770];
	v16 =	vsub.f32 v16, v39  }
0x85: {  	v13 =	vld [tilespmem:$0x3180]  }
0x86: {  	v40 =	vmul.f32 v16, v17;
	v16 =	vld [tilespmem:$0x1FFB0]  }
0x87: {  	v56 =	vld [tilespmem:$0x3580]  }
0x88: {  	v61 =	vld [tilespmem:$0x37E0]  }
0x89: {  	v30 =	vld [tilespmem:$0x3780]  }
0x8a: {  	v57 =	vld [tilespmem:$0x3190]  }
0x8b: {  	v39 =	vmul.f32 v35, v16;
	v16 =	vld [tilespmem:$0x3420]  }
0x8c: {  	v58 =	vld [tilespmem:$0x3390]  }
0x8d: {  	[tilespmem:$0x1FE80] =	vst v61;
	v61 =	vld [tilespmem:$0x3800]  }
0x8e: {  	v18 =	vld [tilespmem:$0x3110]  }
0x8f: {  	v59 =	vld [tilespmem:$0x3590]  }
0x90: {  	[tilespmem:$0x1FEF0] =	vst v16;
	v16 =	vld [tilespmem:$0x1FFC0]  }
0x91: {  	v37 =	vld [tilespmem:$0x3790]  }
0x92: {  	[tilespmem:$0x1FEE0] =	vst v61;
	v61 =	vld [tilespmem:$0x3610]  }
0x93: {  	v60 =	vld [tilespmem:$0x31A0];
	v18 =	vmul.f32 v18, v40  }
0x94: {  	v3 =	vld [tilespmem:$0x33A0];
	v23 =	vmul.f32 v23, v40;
	v38 =	vmul.f32 v38, v40  }
0x95: {  	v9 =	vld [tilespmem:$0x35A0];
	v20 =	vmul.f32 v20, v39;
	v35 =	vmul.f32 v15, v16  }
0x96: {  	v14 =	vld [tilespmem:$0x37A0];
	v6 =	vmul.f32 v6, v40;
	v25 =	vmul.f32 v25, v39  }
0x97: {  	v31 =	vld [tilespmem:$0x35B0];
	[tilespmem:$0x1FEC0] =	vst v61;
	v43 =	vmul.f32 v43, v39;
	v20 =	vadd.f32 v20, v18;
	v61 =	vmul.f32 v21, v35  }
0x98: {  	v52 =	vld [tilespmem:$0x37B0];
	v2 =	vmul.f32 v2, v39;
	v23 =	vadd.f32 v25, v23;
	v26 =	vmul.f32 v26, v35  }
0x99: {  	v24 =	vld [tilespmem:$0x31C0];
	v25 =	vmul.f32 v50, v40;
	v50 =	vmul.f32 v51, v39;
	v20 =	vadd.f32 v61, v20  }
0x9a: {  	v0 =	vld [tilespmem:$0x3380];
	v23 =	vadd.f32 v26, v23;
	v26 =	vmul.f32 v53, v35;
	v53 =	vmul.f32 v63, v40  }
0x9b: {  	v27 =	vld [tilespmem:$0x33C0];
	v51 =	vmul.f32 v47, v35;
	v20 =	vadd.f32 v20, v22;
	v22 =	vadd.f32 v43, v38  }
0x9c: {  	v32 =	vld [tilespmem:$0x35C0];
	v7 =	vmul.f32 v7, v39;
	v4 =	vmul.f32 v4, v35;
	v2 =	vadd.f32 v2, v53  }
0x9d: {  	v33 =	vld [tilespmem:$0x37C0];
	v22 =	vadd.f32 v51, v22  }
0x9e: {  	v34 =	vld [tilespmem:$0x33D0];
	v6 =	vadd.f32 v7, v6;
	v8 =	vmul.f32 v8, v35;
	v2 =	vadd.f32 v4, v2  }
0x9f: {  	v41 =	vld [tilespmem:$0x35D0];
	v0 =	vmul.f32 v0, v39;
	v38 =	vmul.f32 v10, v40;
	v63 =	vadd.f32 v22, v49  }
0xa0: {  	v42 =	vld [tilespmem:$0x31E0];
	v49 =	vmul.f32 v11, v39;
	v7 =	vadd.f32 v2, v5;
	v2 =	vadd.f32 v8, v6  }
0xa1: {  	v44 =	vld [tilespmem:$0x33E0];
	v58 =	vmul.f32 v58, v39;
	v51 =	vmul.f32 v13, v40  }
0xa2: {  	v55 =	vld [tilespmem:$0x35E0];
	v4 =	vadd.f32 v49, v38;
	v38 =	vadd.f32 v2, v29;
	v2 =	vmul.f32 v57, v40  }
0xa3: {  	v45 =	vld [tilespmem:$0x31F0];
	v56 =	vmul.f32 v56, v35;
	v0 =	vadd.f32 v0, v51  }
0xa4: {  	v46 =	vld [tilespmem:$0x33F0];
	v5 =	vmul.f32 v59, v35;
	v2 =	vadd.f32 v58, v2  }
0xa5: {  	v48 =	vld [tilespmem:$0x35F0];
	v25 =	vadd.f32 v50, v25;
	v0 =	vadd.f32 v56, v0  }
0xa6: {  	v19 =	vld [tilespmem:$0x33B0];
	v60 =	vmul.f32 v60, v40;
	v36 =	vadd.f32 v23, v36;
	v2 =	vadd.f32 v5, v2  }
0xa7: {  	[tilespmem:$0x1FE30] =	vst v14;
	v14 =	vld [tilespmem:$0x31B0];
	v23 =	vadd.f32 v26, v25;
	v26 =	vadd.f32 v0, v30;
	v0 =	vmul.f32 v3, v39  }
0xa8: {  	v6 =	vadd.f32 v2, v37;
	v37 =	vld [tilespmem:$0x1FE30]  }
0xa9: {  	v54 =	vld [tilespmem:$0x3200];
	v3 =	vmul.f32 v9, v35;
	v0 =	vadd.f32 v0, v60  }
0xaa: {  	[tilespmem:$0x1FE40] =	vst v33;
	v33 =	vld [tilespmem:$0x31D0];
	v50 =	vmul.f32 v12, v35  }
0xab: {  	[tilespmem:$0x1FE50] =	vst v55;
	v55 =	vld [tilespmem:$0x3400];
	v59 =	vmul.f32 v19, v39;
	v19 =	vmul.f32 v24, v40;
	v0 =	vadd.f32 v3, v0  }
0xac: {  	v17 =	vld [tilespmem:$0x3620];
	v24 =	vmul.f32 v27, v39;
	v58 =	vmul.f32 v14, v40  }
0xad: {  	v4 =	vadd.f32 v50, v4;
	v60 =	vmul.f32 v31, v35;
	v5 =	vadd.f32 v0, v37;
	v0 =	vld [tilespmem:$0x1FE40]  }
0xae: {  	v18 =	vld [tilespmem:$0x3630];
	v2 =	vadd.f32 v59, v58;
	v3 =	vadd.f32 v24, v19;
	v19 =	vmul.f32 v32, v35  }
0xaf: {  	v15 =	vld [tilespmem:$0x3820];
	v4 =	vadd.f32 v4, v28  }
0xb0: {  	v16 =	vld [tilespmem:$0x3230];
	v2 =	vadd.f32 v60, v2;
	v3 =	vadd.f32 v19, v3  }
0xb1: {  	v21 =	vld [tilespmem:$0x3430]  }
0xb2: {  	[tilespmem:$0x1FF30] =	vst v4;
	v4 =	vadd.f32 v2, v52;
	v2 =	vadd.f32 v3, v0;
	v0 =	vld [tilespmem:$0x1FE50]  }
0xb3: {  	v47 =	vld [tilespmem:$0x3840]  }
0xb4: {  	v12 =	vld [tilespmem:$0x3260]  }
0xb5: {  	v61 =	vld [tilespmem:$0x3830]  }
0xb6: {  	[tilespmem:$0x1FF10] =	vst v15;
	v15 =	vld [tilespmem:$0x3240];
	v28 =	vmul.f32 v34, v39;
	v24 =	vmul.f32 v33, v40  }
0xb7: {  	v31 =	vmul.f32 v0, v35;
	v0 =	vld [tilespmem:$0x1FE60]  }
0xb8: {  	v43 =	vld [tilespmem:$0x3440];
	v19 =	vadd.f32 v28, v24;
	v24 =	vmul.f32 v41, v35  }
0xb9: {  	v25 =	vld [tilespmem:$0x3250]  }
0xba: {  	v53 =	vld [tilespmem:$0x3850];
	v29 =	vmul.f32 v44, v39;
	v28 =	vmul.f32 v42, v40;
	v19 =	vadd.f32 v24, v19  }
0xbb: {  	v10 =	vld [tilespmem:$0x3270]  }
0xbc: {  	v29 =	vadd.f32 v29, v28;
	v28 =	vadd.f32 v19, v0;
	v0 =	vld [tilespmem:$0x1FE70]  }
0xbd: {  	[tilespmem:$0x1FF20] =	vst v20;
	v20 =	vld [tilespmem:$0x3640]  }
0xbe: {  	v16 =	vmul.f32 v16, v40;
	v21 =	vmul.f32 v21, v39;
	v62 =	vadd.f32 v23, v62;
	v23 =	vld [tilespmem:$0x3650]  }
0xbf: {  	s31 =	simm.s32 $0x0;
	v13 =	vld [tilespmem:$0x3460]  }
0xc0: {  	v16 =	vadd.f32 v21, v16;
	v21 =	vld [tilespmem:s31+$0x3910]  }
0xc1: {  	v19 =	vadd.f32 v31, v29;
	v31 =	vmul.f32 v0, v35;
	v0 =	vld [tilespmem:$0x1FE80]  }
0xc2: {  	v22 =	vld [tilespmem:$0x3450];
	v30 =	vmul.f32 v46, v39;
	v24 =	vmul.f32 v45, v40  }
0xc3: {  	v8 =	vld [tilespmem:$0x3660]  }
0xc4: {  	v51 =	vld [tilespmem:$0x3860];
	v42 =	vmul.f32 v55, v39;
	v24 =	vadd.f32 v30, v24;
	v30 =	vmul.f32 v54, v40  }
0xc5: {  	v11 =	vld [tilespmem:$0x3470]  }
0xc6: {  	v30 =	vadd.f32 v42, v30;
	v42 =	vadd.f32 v19, v0;
	v0 =	vld [tilespmem:$0x1FE90]  }
0xc7: {  	v27 =	vld [tilespmem:$0x3480]  }
0xc8: {  	v56 =	vld [tilespmem:$0x3670]  }
0xc9: {  	v49 =	vld [tilespmem:$0x3870]  }
0xca: {  	v57 =	vld [tilespmem:$0x3290]  }
0xcb: {  	v19 =	vmul.f32 v0, v40;
	v0 =	vld [tilespmem:$0x1FEA0]  }
0xcc: {  	v14 =	vld [tilespmem:$0x3280]  }
0xcd: {  	v12 =	vmul.f32 v12, v40;
	v13 =	vmul.f32 v13, v39;
	v9 =	vld [tilespmem:$0x3680]  }
0xce: {  	v50 =	vld [tilespmem:$0x3880]  }
0xcf: {  	v10 =	vmul.f32 v10, v40;
	v12 =	vadd.f32 v13, v12;
	v13 =	vld [tilespmem:$0x36D0]  }
0xd0: {  	v11 =	vmul.f32 v11, v39;
	v44 =	vmul.f32 v0, v39;
	v0 =	vld [tilespmem:$0x1FEB0]  }
0xd1: {  	v34 =	vld [tilespmem:$0x36B0];
	v41 =	vmul.f32 v48, v35  }
0xd2: {  	v10 =	vadd.f32 v11, v10;
	v11 =	vld [tilespmem:s31+$0x4910]  }
0xd3: {  	v8 =	vmul.f32 v8, v35;
	v58 =	vld [tilespmem:$0x3490];
	v24 =	vadd.f32 v41, v24  }
0xd4: {  	v59 =	vld [tilespmem:$0x32A0]  }
0xd5: {  	v8 =	vadd.f32 v8, v12;
	v29 =	vadd.f32 v24, v0;
	v0 =	vld [tilespmem:$0x1FEC0]  }
0xd6: {  	v33 =	vld [tilespmem:$0x32D0]  }
0xd7: {  	v8 =	vadd.f32 v8, v51;
	v51 =	vld [tilespmem:$0x34E0]  }
0xd8: {  	v48 =	vld [tilespmem:$0x34A0]  }
0xd9: {  	v55 =	vld [tilespmem:$0x32B0]  }
0xda: {  	v18 =	vmul.f32 v18, v35;
	v24 =	vadd.f32 v31, v30;
	v31 =	vmul.f32 v0, v35;
	v0 =	vld [tilespmem:$0x1FED0]  }
0xdb: {  	v60 =	vld [tilespmem:$0x34B0]  }
0xdc: {  	v16 =	vadd.f32 v18, v16;
	v18 =	vmul.f32 v25, v40;
	v25 =	vmax.f32 v6, $0.0e+00;
	v6 =	vld [tilespmem:s31+$0x6110]  }
0xdd: {  	v52 =	vld [tilespmem:$0x3690]  }
0xde: {  	v45 =	vld [tilespmem:$0x38A0]  }
0xdf: {  	v19 =	vadd.f32 v44, v19;
	v46 =	vmul.f32 v0, v40;
	v0 =	vld [tilespmem:$0x1FEE0]  }
0xe0: {  	v37 =	vmul.f32 v43, v39;
	v43 =	vld [tilespmem:$0x36C0]  }
0xe1: {  	v19 =	vadd.f32 v31, v19;
	v31 =	vld [tilespmem:$0x1FF00]  }
0xe2: {  	v54 =	vld [tilespmem:$0x36A0]  }
0xe3: {  	v41 =	vld [tilespmem:$0x34C0]  }
0xe4: {  	v15 =	vmul.f32 v15, v40;
	v32 =	vadd.f32 v24, v0;
	v0 =	vld [tilespmem:$0x1FEF0]  }
0xe5: {  	v3 =	vld [tilespmem:$0x3890]  }
0xe6: {  	v15 =	vadd.f32 v37, v15;
	v44 =	vld [tilespmem:$0x38C0];
	v31 =	vadd.f32 v19, v31;
	v19 =	vmul.f32 v20, v35  }
0xe7: {  	v30 =	vld [tilespmem:$0x38B0]  }
0xe8: {  	v20 =	vmul.f32 v22, v39;
	v22 =	vld [tilespmem:$0x1FF10];
	v15 =	vadd.f32 v19, v15  }
0xe9: {  	v19 =	vld [tilespmem:s31+$0xB910];
	v24 =	vmul.f32 v0, v39  }
0xea: {  	v17 =	vmul.f32 v17, v35;
	v61 =	vadd.f32 v16, v61;
	v47 =	vadd.f32 v15, v47;
	v15 =	vld [tilespmem:$0x1FF20]  }
0xeb: {  	v16 =	vadd.f32 v20, v18;
	v18 =	vmul.f32 v23, v35;
	v20 =	vld [tilespmem:s31+$0x3D10];
	v24 =	vadd.f32 v24, v46  }
0xec: {  	v23 =	vld [tilespmem:s31+$0x4D10]  }
0xed: {  	v16 =	vadd.f32 v18, v16;
	v18 =	vld [tilespmem:s31+$0x4110];
	v17 =	vadd.f32 v17, v24  }
0xee: {  	v57 =	vmul.f32 v57, v40;
	v0 =	vld [tilespmem:$0x32C0]  }
0xef: {  	v14 =	vmul.f32 v14, v40;
	v46 =	vld [tilespmem:$0x34D0];
	v37 =	vadd.f32 v17, v22;
	v17 =	vmax.f32 v15, $0.0e+00  }
0xf0: {  	v9 =	vmul.f32 v9, v35;
	v22 =	vld [tilespmem:s31+$0x4510];
	v21 =	vmul.f32 v21, v17  }
0xf1: {  	v13 =	vmul.f32 v13, v35;
	v33 =	vmul.f32 v33, v40;
	v24 =	vld [tilespmem:s31+$0x5510];
	v15 =	vmax.f32 v36, $0.0e+00  }
0xf2: {  	v36 =	vadd.f32 v16, v53;
	v53 =	vld [tilespmem:$0x38D0];
	v20 =	vmul.f32 v20, v15;
	v12 =	vadd.f32 v21, v19  }
0xf3: {  	v16 =	vmax.f32 v62, $0.0e+00;
	v62 =	vld [tilespmem:$0x36E0];
	v19 =	vmax.f32 v63, $0.0e+00;
	v21 =	vmul.f32 v56, v35  }
0xf4: {  	v56 =	vld [tilespmem:$0x32E0];
	v18 =	vmul.f32 v18, v19;
	v12 =	vadd.f32 v20, v12;
	v20 =	vmul.f32 v27, v39  }
0xf5: {  	v10 =	vadd.f32 v21, v10;
	v22 =	vmul.f32 v22, v16;
	v27 =	vmul.f32 v59, v40;
	v59 =	vld [tilespmem:s31+$0x6510]  }
0xf6: {  	v21 =	vmax.f32 v7, $0.0e+00;
	v12 =	vadd.f32 v18, v12;
	v7 =	vadd.f32 v20, v14;
	v14 =	vld [tilespmem:s31+$0x5110]  }
0xf7: {  	v48 =	vmul.f32 v48, v39;
	v11 =	vmul.f32 v11, v21;
	v20 =	vld [tilespmem:$0x1FF30]  }
0xf8: {  	v18 =	vmax.f32 v38, $0.0e+00;
	v38 =	vadd.f32 v10, v49;
	v49 =	vld [tilespmem:s31+$0x5D10];
	v12 =	vadd.f32 v22, v12  }
0xf9: {  	v0 =	vmul.f32 v0, v40;
	v63 =	vadd.f32 v48, v27;
	v48 =	vld [tilespmem:$0x36F0];
	v22 =	vmul.f32 v58, v39  }
0xfa: {  	v27 =	vmul.f32 v54, v35;
	v54 =	vld [tilespmem:$0x38F0];
	v7 =	vadd.f32 v9, v7;
	v58 =	vadd.f32 v11, v12  }
0xfb: {  	v11 =	vld [tilespmem:$0x38E0];
	v12 =	vmul.f32 v23, v18;
	v10 =	vadd.f32 v22, v57;
	v22 =	vmul.f32 v52, v35  }
0xfc: {  	v7 =	vadd.f32 v7, v50;
	v23 =	vmax.f32 v20, $0.0e+00;
	v20 =	vmax.f32 v26, $0.0e+00;
	v26 =	vld [tilespmem:s31+$0x5910]  }
0xfd: {  	v57 =	vmul.f32 v55, v40;
	v55 =	vld [tilespmem:s31+$0x6D10];
	v9 =	vadd.f32 v12, v58;
	v14 =	vmul.f32 v14, v23  }
0xfe: {  	v50 =	vmul.f32 v41, v39;
	v10 =	vadd.f32 v22, v10;
	v58 =	vmul.f32 v60, v39;
	v60 =	vld [tilespmem:s31+$0x6910]  }
0xff: {  	v12 =	vld [tilespmem:$0x32F0];
	v24 =	vmul.f32 v24, v20;
	v22 =	vmax.f32 v5, $0.0e+00;
	v9 =	vadd.f32 v14, v9  }
0x100: {  	v28 =	vmax.f32 v28, $0.0e+00;
	v5 =	vadd.f32 v27, v63;
	v27 =	vmul.f32 v49, v22;
	v49 =	vld [tilespmem:$0x3300]  }
0x101: {  	v0 =	vadd.f32 v50, v0;
	v14 =	vld [tilespmem:$0x34F0];
	v9 =	vadd.f32 v24, v9;
	v24 =	vmul.f32 v26, v25  }
0x102: {  	v63 =	vmul.f32 v34, v35;
	v3 =	vadd.f32 v10, v3;
	v5 =	vadd.f32 v5, v45;
	v10 =	vld [tilespmem:$0x3700]  }
0x103: {  	s1 =	simm.s32 $0x10;
	v45 =	vld [tilespmem:$0x3900];
	v26 =	vmax.f32 v4, $0.0e+00;
	v4 =	vmul.f32 v60, v28;
	v9 =	vadd.f32 v24, v9  }
0x104: {  	v60 =	vmul.f32 v46, v39;
	v46 =	vld [tilespmem:s1+$0x5D10];
	v24 =	vmax.f32 v2, $0.0e+00;
	v2 =	vadd.f32 v58, v57  }
0x105: {  	v6 =	vmul.f32 v6, v26;
	v58 =	vld [tilespmem:s31+$0x7110];
	v57 =	vmul.f32 v59, v24;
	v9 =	vadd.f32 v27, v9  }
0x106: {  	v59 =	vmul.f32 v43, v35;
	v2 =	vadd.f32 v63, v2;
	v27 =	vmax.f32 v42, $0.0e+00;
	v63 =	vld [tilespmem:s31+$0x7510]  }
0x107: {  	v52 =	vadd.f32 v60, v33;
	v50 =	vmul.f32 v55, v27;
	v55 =	vld [tilespmem:s31+$0x7910];
	v6 =	vadd.f32 v6, v9  }
0x108: {  	v12 =	vmul.f32 v12, v40;
	v14 =	vmul.f32 v14, v39;
	v0 =	vadd.f32 v59, v0;
	v59 =	vld [tilespmem:s1+$0x3910]  }
0x109: {  	v13 =	vadd.f32 v13, v52;
	v52 =	vld [tilespmem:s1+$0x3D10];
	v6 =	vadd.f32 v57, v6  }
0x10a: {  	v12 =	vadd.f32 v14, v12;
	v14 =	vld [tilespmem:s1+$0x4510]  }
0x10b: {  	v9 =	vld [tilespmem:$0x3500];
	v2 =	vadd.f32 v2, v30;
	v30 =	vmax.f32 v29, $0.0e+00;
	v4 =	vadd.f32 v4, v6  }
0x10c: {  	v29 =	vmax.f32 v32, $0.0e+00;
	v34 =	vmul.f32 v58, v30;
	v58 =	vld [tilespmem:s31+$0x7D10]  }
0x10d: {  	v60 =	vmul.f32 v63, v29;
	v63 =	vld [tilespmem:s1+$0xB910];
	v4 =	vadd.f32 v50, v4  }
0x10e: {  	v31 =	vmax.f32 v31, $0.0e+00;
	v56 =	vmul.f32 v56, v40;
	v57 =	vmul.f32 v51, v39;
	v6 =	vld [tilespmem:s31+$0x8110]  }
0x10f: {  	v33 =	vmul.f32 v55, v31;
	v55 =	vld [tilespmem:s31+$0x8510];
	v4 =	vadd.f32 v34, v4  }
0x110: {  	v62 =	vmul.f32 v62, v35;
	v32 =	vmax.f32 v37, $0.0e+00;
	v41 =	vadd.f32 v57, v56;
	v56 =	vld [tilespmem:s1+$0x4110]  }
0x111: {  	v43 =	vmul.f32 v58, v32;
	v58 =	vld [tilespmem:s31+$0x8910];
	v4 =	vadd.f32 v60, v4  }
0x112: {  	v13 =	vadd.f32 v13, v53;
	v57 =	vmul.f32 v59, v17;
	v53 =	vadd.f32 v62, v41;
	v62 =	vld [tilespmem:s1+$0x4910]  }
0x113: {  	v50 =	vld [tilespmem:s31+$0xA910];
	v4 =	vadd.f32 v33, v4  }
0x114: {  	v36 =	vmax.f32 v36, $0.0e+00;
	v37 =	vadd.f32 v57, v63;
	v63 =	vld [tilespmem:s31+$0x9110];
	v33 =	vmax.f32 v61, $0.0e+00  }
0x115: {  	v11 =	vadd.f32 v53, v11;
	v53 =	vld [tilespmem:s31+$0x9510];
	v6 =	vmul.f32 v6, v33;
	v4 =	vadd.f32 v43, v4  }
0x116: {  	v0 =	vadd.f32 v0, v44;
	v59 =	vmul.f32 v52, v15;
	v34 =	vmax.f32 v47, $0.0e+00;
	v60 =	vld [tilespmem:s31+$0x8D10]  }
0x117: {  	v9 =	vmul.f32 v9, v39;
	v57 =	vld [tilespmem:s1+$0x5510];
	v41 =	vmul.f32 v55, v34;
	v4 =	vadd.f32 v6, v4  }
0x118: {  	v42 =	vmul.f32 v56, v19;
	v55 =	vld [tilespmem:s1+$0x5110];
	v56 =	vmul.f32 v49, v40;
	v43 =	vadd.f32 v59, v37  }
0x119: {  	v51 =	vmul.f32 v58, v36;
	v61 =	vmul.f32 v48, v35;
	v48 =	vld [tilespmem:s1+$0x4D10];
	v4 =	vadd.f32 v41, v4  }
0x11a: {  	v14 =	vmul.f32 v14, v16;
	v49 =	vld [tilespmem:s31+$0xA510];
	v37 =	vmax.f32 v8, $0.0e+00;
	v52 =	vadd.f32 v42, v43  }
0x11b: {  	v9 =	vadd.f32 v9, v56;
	v56 =	vld [tilespmem:s1+$0x6D10];
	v44 =	vmul.f32 v60, v37;
	v4 =	vadd.f32 v51, v4  }
0x11c: {  	v38 =	vmax.f32 v38, $0.0e+00;
	v6 =	vmul.f32 v62, v21;
	v8 =	vadd.f32 v14, v52;
	v14 =	vld [tilespmem:s31+$0x9910]  }
0x11d: {  	v47 =	vmul.f32 v63, v38;
	v63 =	vld [tilespmem:s31+$0xA110];
	v4 =	vadd.f32 v44, v4  }
0x11e: {  	v40 =	vmax.f32 v7, $0.0e+00;
	v59 =	vld [tilespmem:s31+$0x9D10];
	v58 =	vmul.f32 v48, v18;
	v6 =	vadd.f32 v6, v8  }
0x11f: {  	v12 =	vadd.f32 v61, v12;
	v61 =	vmul.f32 v53, v40;
	v60 =	vld [tilespmem:s1+$0x5910];
	v4 =	vadd.f32 v47, v4  }
0x120: {  	v39 =	vmax.f32 v3, $0.0e+00;
	v53 =	vld [tilespmem:$0x1FF40];
	v62 =	vmul.f32 v55, v23;
	v3 =	vadd.f32 v58, v6  }
0x121: {  	v12 =	vadd.f32 v12, v54;
	v54 =	vld [tilespmem:s1+$0x6910];
	v14 =	vmul.f32 v14, v39;
	v4 =	vadd.f32 v61, v4  }
0x122: {  	v55 =	vld [tilespmem:s31+$0xB110];
	v48 =	vmul.f32 v57, v20;
	v41 =	vmax.f32 v5, $0.0e+00;
	v3 =	vadd.f32 v62, v3  }
0x123: {  	v10 =	vmul.f32 v10, v35;
	v8 =	vmul.f32 v59, v41;
	v4 =	vadd.f32 v14, v4;
	v14 =	vld [tilespmem:s1+$0x6110]  }
0x124: {  	v35 =	vmax.f32 v2, $0.0e+00;
	v57 =	vld [tilespmem:s31+$0xB510];
	v2 =	vadd.f32 v48, v3;
	v3 =	vmul.f32 v60, v25  }
0x125: {  	v7 =	vmul.f32 v63, v35;
	v51 =	vld [tilespmem:s1+$0x6510];
	v4 =	vadd.f32 v8, v4  }
0x126: {  	v42 =	vmax.f32 v0, $0.0e+00;
	v0 =	vadd.f32 v3, v2;
	v2 =	vmul.f32 v46, v22;
	v3 =	vld [tilespmem:s31+$0xAD10]  }
0x127: {  	v9 =	vadd.f32 v10, v9;
	v52 =	vld [tilespmem:$0x1FF60];
	v6 =	vmul.f32 v49, v42;
	v4 =	vadd.f32 v7, v4  }
0x128: {  	v43 =	vmax.f32 v13, $0.0e+00;
	v59 =	vld [tilespmem:$0x1FFF0];
	v0 =	vadd.f32 v2, v0;
	v2 =	vmul.f32 v14, v26  }
0x129: {  	v9 =	vadd.f32 v9, v45;
	v5 =	vmul.f32 v50, v43;
	v58 =	vld [tilespmem:s1+$0x7110];
	v4 =	vadd.f32 v6, v4  }
0x12a: {  	v62 =	vld [tilespmem:$0x1FFE0];
	v14 =	vmax.f32 v11, $0.0e+00;
	v0 =	vadd.f32 v2, v0;
	v2 =	vmul.f32 v51, v24  }
0x12b: {  	v45 =	vmax.f32 v9, $0.0e+00;
	v61 =	vld [tilespmem:$0x1FFD0];
	v3 =	vmul.f32 v3, v14;
	v4 =	vadd.f32 v5, v4  }
0x12c: {  	v50 =	vld [tilespmem:s31+$0xC520];
	v44 =	vmax.f32 v12, $0.0e+00;
	v0 =	vadd.f32 v2, v0;
	v2 =	vmul.f32 v54, v28  }
0x12d: {  	v13 =	vcvt.s32.f32 v53;
	v49 =	vld [tilespmem:s1+$0x7510];
	v60 =	vmul.f32 v55, v44;
	v3 =	vadd.f32 v3, v4  }
0x12e: {  	vm0 =	vlt.s32 v53, v52;
	v52 =	vld [tilespmem:s1+$0x7D10];
	v0 =	vadd.f32 v2, v0;
	v2 =	vmul.f32 v56, v27  }
0x12f: {  	v63 =	vmul.f32 v57, v45;
	vm1 =	vgt.f32 v59, v13;
	v48 =	vld [tilespmem:s1+$0x7910];
	v3 =	vadd.f32 v60, v3  }
0x130: {  	v55 =	vmul.f32 v58, v30;
	v7 =	vsel vm1, v62, v61;
	v51 =	vld [tilespmem:s31+$0xC920];
	v54 =	vadd.f32 v2, v0  }
0x131: {  	s2 =	simm.s32 $0xC0;
	s0 =	simm.s32 $0x20;
	v47 =	vld [tilespmem:s1+$0x8110];
	v46 =	vnsel vm0, $0x0, v7;
	v53 =	vadd.f32 v63, v3  }
.LBB2_7:
0x132: {  	p0 =	sne.s32 s2, $0xFC0;
	v0 =	vld [tilespmem:s0+$0x3910];
	v2 =	vadd.f32 v55, v54;
	v3 =	vmul.f32 v49, v29  }
0x133: {  	v4 =	vld [tilespmem:s0+$0xB910];
	v5 =	vmul.f32 v53, v46  }
0x134: {  	v7 =	vnsel vm0, $0xFF61B1E6, v53;
	v6 =	vld [tilespmem:s0+$0x3D10];
	v2 =	vadd.f32 v3, v2;
	v3 =	vmul.f32 v48, v31  }
0x135: {  	v7 =	vmax.f32 v50, v7;
	v8 =	vld [tilespmem:s1+$0x8510];
	v5 =	vadd.f32 v5, v51  }
0x136: {  	v9 =	vld [tilespmem:s0+$0x4110];
	v2 =	vadd.f32 v3, v2;
	v3 =	vmul.f32 v52, v32;
	[tilespmem:s31+$0xC520] =	vst v7  }
0x137: {  	v0 =	vmul.f32 v0, v17;
	v7 =	vld [tilespmem:s1+$0x8910];
	[tilespmem:s31+$0xC920] =	vst v5;
	s31 =	smov.u32 s1;
	s1 =	smov.u32 s0  }
0x138: {  	v5 =	vld [tilespmem:s1+$0x4510];
	v2 =	vadd.f32 v3, v2;
	v3 =	vmul.f32 v47, v33  }
0x139: {  	v0 =	vadd.f32 v0, v4;
	v4 =	vmul.f32 v6, v15;
	v6 =	vld [tilespmem:s31+$0x8D10]  }
0x13a: {  	v10 =	vld [tilespmem:s1+$0x4910];
	v2 =	vadd.f32 v3, v2;
	v3 =	vmul.f32 v8, v34  }
0x13b: {  	v0 =	vadd.f32 v4, v0;
	v4 =	vmul.f32 v9, v19;
	v8 =	vld [tilespmem:s31+$0x9110]  }
0x13c: {  	v9 =	vld [tilespmem:s1+$0x4D10];
	v2 =	vadd.f32 v3, v2;
	v3 =	vmul.f32 v7, v36  }
0x13d: {  	v0 =	vadd.f32 v4, v0;
	v4 =	vmul.f32 v5, v16;
	v5 =	vld [tilespmem:s31+$0x9510]  }
0x13e: {  	v7 =	vld [tilespmem:s1+$0x5110];
	v2 =	vadd.f32 v3, v2;
	v3 =	vmul.f32 v6, v37  }
0x13f: {  	v0 =	vadd.f32 v4, v0;
	v4 =	vmul.f32 v10, v21;
	v6 =	vld [tilespmem:s31+$0x9910]  }
0x140: {  	v10 =	vld [tilespmem:s1+$0x5510];
	v2 =	vadd.f32 v3, v2;
	v3 =	vmul.f32 v8, v38  }
0x141: {  	v0 =	vadd.f32 v4, v0;
	v4 =	vmul.f32 v9, v18;
	v8 =	vld [tilespmem:s31+$0x9D10]  }
0x142: {  	v9 =	vld [tilespmem:s1+$0x5910];
	v2 =	vadd.f32 v3, v2;
	v3 =	vmul.f32 v5, v40  }
0x143: {  	v0 =	vadd.f32 v4, v0;
	v4 =	vmul.f32 v7, v23;
	v5 =	vld [tilespmem:s31+$0xA110]  }
0x144: {  	v7 =	vld [tilespmem:s1+$0x5D10];
	v2 =	vadd.f32 v3, v2;
	v3 =	vmul.f32 v6, v39  }
0x145: {  	v0 =	vadd.f32 v4, v0;
	v4 =	vmul.f32 v10, v20;
	v6 =	vld [tilespmem:s31+$0xA510]  }
0x146: {  	v10 =	vld [tilespmem:s1+$0x6110];
	v2 =	vadd.f32 v3, v2;
	v3 =	vmul.f32 v8, v41  }
0x147: {  	v0 =	vadd.f32 v4, v0;
	v4 =	vmul.f32 v9, v25;
	v8 =	vld [tilespmem:s31+$0xA910]  }
0x148: {  	v9 =	vld [tilespmem:s1+$0x6510];
	v2 =	vadd.f32 v3, v2;
	v3 =	vmul.f32 v5, v35  }
0x149: {  	v0 =	vadd.f32 v4, v0;
	v4 =	vmul.f32 v7, v22;
	v5 =	vld [tilespmem:s31+$0xAD10]  }
0x14a: {  	v7 =	vld [tilespmem:s1+$0x6910];
	v2 =	vadd.f32 v3, v2;
	v3 =	vmul.f32 v6, v42  }
0x14b: {  	v0 =	vadd.f32 v4, v0;
	v4 =	vmul.f32 v10, v26;
	v6 =	vld [tilespmem:s31+$0xB110]  }
0x14c: {  	v10 =	vld [tilespmem:s1+$0x6D10];
	v2 =	vadd.f32 v3, v2;
	v3 =	vmul.f32 v8, v43  }
0x14d: {  	v0 =	vadd.f32 v4, v0;
	v4 =	vmul.f32 v9, v24;
	v8 =	vld [tilespmem:s31+$0xB510]  }
0x14e: {  	v9 =	vld [tilespmem:s1+$0x7110];
	v2 =	vadd.f32 v3, v2;
	v3 =	vmul.f32 v5, v14  }
0x14f: {  	v0 =	vadd.f32 v4, v0;
	v4 =	vmul.f32 v7, v28;
	v47 =	vld [tilespmem:s1+$0x8110]  }
.Ltmp6:
0x150: {  	v49 =	vld [tilespmem:s1+$0x7510];
	v2 =	vadd.f32 v3, v2;
	v3 =	vmul.f32 v6, v44;
	(pc) =	sbr.rel @p0 .LBB2_7-.Ltmp6, $4  }
0x151: {  	v0 =	vadd.f32 v4, v0;
	v4 =	vmul.f32 v10, v27;
	v48 =	vld [tilespmem:s1+$0x7910]  }
0x152: {  	v2 =	vadd.f32 v3, v2;
	v3 =	vmul.f32 v8, v45;
	v50 =	vld [tilespmem:s31+$0xC520]  }
0x153: {  	v54 =	vadd.f32 v4, v0;
	v55 =	vmul.f32 v9, v30;
	v51 =	vld [tilespmem:s31+$0xC920]  }
0x154: {  	s0 =	sshra.s32 s2, $0x2;
	s2 =	sadd.s32 $0x40, s2;
	v52 =	vld [tilespmem:s1+$0x7D10];
	v53 =	vadd.f32 v3, v2  }
0x155: {  	v0 =	vld [tilespmem:s0+$0x3910];
	v3 =	vadd.f32 v55, v54;
	v4 =	vmul.f32 v49, v29  }
0x156: {  	v2 =	vld [tilespmem:s0+$0xB910];
	v6 =	vmul.f32 v53, v46  }
0x157: {  	v5 =	vld [tilespmem:s0+$0x3D10];
	v7 =	vnsel vm0, $0xFF61B1E6, v53;
	v63 =	vmul.f32 v48, v31;
	v3 =	vadd.f32 v4, v3  }
0x158: {  	v8 =	vld [tilespmem:s1+$0x8510];
	v7 =	vmax.f32 v50, v7;
	v6 =	vadd.f32 v6, v51  }
0x159: {  	v9 =	vld [tilespmem:s0+$0x4110];
	[tilespmem:s31+$0xC520] =	vst v7;
	v3 =	vadd.f32 v63, v3;
	v12 =	vmul.f32 v52, v32  }
0x15a: {  	v7 =	vld [tilespmem:s1+$0x8910];
	v0 =	vmul.f32 v0, v17;
	[tilespmem:s31+$0xC920] =	vst v6  }
0x15b: {  	v13 =	vmul.f32 v47, v33;
	v6 =	vld [tilespmem:s0+$0x4510];
	v3 =	vadd.f32 v12, v3  }
0x15c: {  	v0 =	vadd.f32 v0, v2;
	v2 =	vmul.f32 v5, v15;
	v15 =	vld [tilespmem:s1+$0x8D10]  }
0x15d: {  	v17 =	vmul.f32 v8, v34;
	v10 =	vld [tilespmem:s0+$0x4910];
	v3 =	vadd.f32 v13, v3  }
0x15e: {  	v47 =	vld [tilespmem:s1+$0x9110];
	v0 =	vadd.f32 v2, v0;
	v2 =	vmul.f32 v9, v19  }
0x15f: {  	v48 =	vld [tilespmem:s0+$0x4D10];
	v49 =	vmul.f32 v7, v36;
	v3 =	vadd.f32 v17, v3  }
0x160: {  	v50 =	vld [tilespmem:s1+$0x9510];
	v0 =	vadd.f32 v2, v0;
	v2 =	vmul.f32 v6, v16  }
0x161: {  	v51 =	vld [tilespmem:s0+$0x5110];
	v3 =	vadd.f32 v49, v3;
	v52 =	vmul.f32 v15, v37  }
0x162: {  	v53 =	vld [tilespmem:s1+$0x9910];
	v0 =	vadd.f32 v2, v0;
	v2 =	vmul.f32 v10, v21  }
0x163: {  	v54 =	vld [tilespmem:s0+$0x5510];
	v55 =	vmul.f32 v47, v38;
	v3 =	vadd.f32 v52, v3  }
0x164: {  	v56 =	vld [tilespmem:s1+$0x9D10];
	v0 =	vadd.f32 v2, v0;
	v2 =	vmul.f32 v48, v18  }
0x165: {  	v57 =	vld [tilespmem:s0+$0x5910];
	v58 =	vmul.f32 v50, v40;
	v3 =	vadd.f32 v55, v3  }
0x166: {  	v59 =	vld [tilespmem:s1+$0xA110];
	v0 =	vadd.f32 v2, v0;
	v2 =	vmul.f32 v51, v23  }
0x167: {  	v60 =	vld [tilespmem:s0+$0x5D10];
	v61 =	vmul.f32 v53, v39;
	v3 =	vadd.f32 v58, v3  }
0x168: {  	v62 =	vld [tilespmem:s1+$0xA510];
	v0 =	vadd.f32 v2, v0;
	v2 =	vmul.f32 v54, v20  }
0x169: {  	v63 =	vld [tilespmem:s0+$0x6110];
	v12 =	vmul.f32 v56, v41;
	v3 =	vadd.f32 v61, v3  }
0x16a: {  	v13 =	vld [tilespmem:s1+$0xA910];
	v0 =	vadd.f32 v2, v0;
	v2 =	vmul.f32 v57, v25  }
0x16b: {  	v16 =	vmul.f32 v59, v35;
	v15 =	vld [tilespmem:s0+$0x6510];
	v3 =	vadd.f32 v12, v3  }
0x16c: {  	v17 =	vld [tilespmem:s1+$0xAD10];
	v0 =	vadd.f32 v2, v0;
	v2 =	vmul.f32 v60, v22  }
0x16d: {  	v19 =	vmul.f32 v62, v42;
	v18 =	vld [tilespmem:s0+$0x6910];
	v3 =	vadd.f32 v16, v3  }
0x16e: {  	v20 =	vld [tilespmem:s1+$0xB110];
	v0 =	vadd.f32 v2, v0;
	v2 =	vmul.f32 v63, v26  }
0x16f: {  	v21 =	vld [tilespmem:s0+$0x6D10];
	v22 =	vmul.f32 v13, v43;
	v3 =	vadd.f32 v19, v3  }
0x170: {  	v23 =	vld [tilespmem:s1+$0xB510];
	v0 =	vadd.f32 v2, v0;
	v2 =	vmul.f32 v15, v24  }
0x171: {  	v25 =	vmul.f32 v17, v14;
	v24 =	vld [tilespmem:s0+$0x7110];
	v3 =	vadd.f32 v22, v3  }
0x172: {  	v0 =	vadd.f32 v2, v0;
	v2 =	vmul.f32 v18, v28  }
0x173: {  	v26 =	vld [tilespmem:s0+$0x7510];
	v28 =	vmul.f32 v20, v44;
	v3 =	vadd.f32 v25, v3  }
0x174: {  	v47 =	vld [tilespmem:s0+$0x7910];
	v0 =	vadd.f32 v2, v0;
	v2 =	vmul.f32 v21, v27  }
0x175: {  	v50 =	vld [tilespmem:s1+$0xC920];
	v48 =	vmul.f32 v23, v45;
	v3 =	vadd.f32 v28, v3  }
0x176: {  	v49 =	vld [tilespmem:s1+$0xC520];
	v0 =	vadd.f32 v2, v0;
	v2 =	vmul.f32 v24, v30  }
0x177: {  	v51 =	vld [tilespmem:s0+$0x7D10];
	v3 =	vadd.f32 v48, v3  }
0x178: {  	v0 =	vadd.f32 v2, v0;
	v2 =	vmul.f32 v26, v29  }
0x179: {  	v52 =	vld [tilespmem:s0+$0x8110];
	v53 =	vmul.f32 v3, v46  }
0x17a: {  	v3 =	vnsel vm0, $0xFF61B1E6, v3;
	v0 =	vadd.f32 v2, v0;
	v2 =	vmul.f32 v47, v31  }
0x17b: {  	v54 =	vld [tilespmem:s0+$0x8510];
	v3 =	vmax.f32 v49, v3  }
0x17c: {  	v6 =	vadd.f32 v53, v50;
	[tilespmem:s1+$0xC520] =	vst v3;
	v0 =	vadd.f32 v2, v0;
	v2 =	vmul.f32 v51, v32  }
0x17d: {  	v3 =	vld [tilespmem:s0+$0x8910]  }
0x17e: {  	[tilespmem:s1+$0xC920] =	vst v6;
	v0 =	vadd.f32 v2, v0;
	v2 =	vmul.f32 v52, v33  }
0x17f: {  	v55 =	vld [tilespmem:s0+$0x8D10]  }
0x180: {  	v0 =	vadd.f32 v2, v0;
	v2 =	vmul.f32 v54, v34  }
0x181: {  	v56 =	vld [tilespmem:s0+$0x9110]  }
0x182: {  	v0 =	vadd.f32 v2, v0;
	v2 =	vmul.f32 v3, v36  }
0x183: {  	v3 =	vld [tilespmem:s0+$0x9510]  }
0x184: {  	v0 =	vadd.f32 v2, v0;
	v2 =	vmul.f32 v55, v37  }
0x185: {  	v57 =	vld [tilespmem:s0+$0x9910]  }
0x186: {  	v0 =	vadd.f32 v2, v0;
	v2 =	vmul.f32 v56, v38  }
0x187: {  	v58 =	vld [tilespmem:s0+$0x9D10]  }
0x188: {  	v0 =	vadd.f32 v2, v0;
	v2 =	vmul.f32 v3, v40  }
0x189: {  	v3 =	vld [tilespmem:s0+$0xA110]  }
0x18a: {  	v0 =	vadd.f32 v2, v0;
	v2 =	vmul.f32 v57, v39  }
0x18b: {  	v59 =	vld [tilespmem:s0+$0xA510]  }
0x18c: {  	v0 =	vadd.f32 v2, v0;
	v2 =	vmul.f32 v58, v41  }
0x18d: {  	v60 =	vld [tilespmem:s0+$0xA910]  }
0x18e: {  	v0 =	vadd.f32 v2, v0;
	v2 =	vmul.f32 v3, v35  }
0x18f: {  	v3 =	vld [tilespmem:s0+$0xAD10]  }
0x190: {  	v0 =	vadd.f32 v2, v0;
	v2 =	vmul.f32 v59, v42  }
0x191: {  	v61 =	vld [tilespmem:s0+$0xB110]  }
0x192: {  	v0 =	vadd.f32 v2, v0;
	v2 =	vmul.f32 v60, v43  }
0x193: {  	v62 =	vld [tilespmem:s0+$0xB510]  }
0x194: {  	v0 =	vadd.f32 v2, v0;
	v2 =	vmul.f32 v3, v14;
	_ =	sdelay $0x1  }
0x195: {  	v0 =	vadd.f32 v2, v0;
	v2 =	vmul.f32 v61, v44;
	_ =	sdelay $0x1  }
0x196: {  	v63 =	vld [tilespmem:s0+$0xC920];
	v0 =	vadd.f32 v2, v0;
	v2 =	vmul.f32 v62, v45  }
0x197: {  	v3 =	vld [tilespmem:s0+$0xC520]  }
0x198: {  	s30 =	sadd.s32 $0x1, s30;
	v0 =	vadd.f32 v2, v0  }
0x199: {  	p0 =	sne.s32 s30, s28  }
.Ltmp7:
0x19a: {  	v2 =	vmul.f32 v0, v46;
	(pc) =	sbr.rel @p0 .LBB2_6-.Ltmp7, $4  }
0x19b: {  	v0 =	vnsel vm0, $0xFF61B1E6, v0  }
0x19c: {  	v0 =	vmax.f32 v3, v0;
	v2 =	vadd.f32 v2, v63  }
0x19d: {  	[tilespmem:s0+$0xC520] =	vst v0  }
0x19e: {  	[tilespmem:s0+$0xC920] =	vst v2  }
0x19f: {  	s2 =	simm.s32 $0x0  }
0x1a0: {  	v0 =	vld [tilespmem:s2+$0xC920]  }
0x1a1: {  	v2 =	vld [tilespmem:s2+$0xC520];
	_ =	sdelay $0x3  }
0x1a2: {  	s1 =	simm.s32 $0x10;
	(xrf2) =	vadd.scan.msk.f32 $0xffff, v0  }
0x1a3: {  	(xrf0) =	vmax.scan.msk.f32 $0xffff, v2;
	v0 =	vld [tilespmem:s1+$0xC920];
	_ =	sdelay $0x1  }
0x1a4: {  	v2 =	vld [tilespmem:s1+$0xC520];
	_ =	sdelay $0x1  }
0x1a5: {  	v5 =	vld [tilespmem:$0xC510]  }
0x1a6: {  	s0 =	simm.s32 $0x20;
	v7 =	vld [tilespmem:s2+$0xBD10];
	(xrf2) =	vadd.scan.msk.f32 $0xffff, v0  }
0x1a7: {  	v4 =	vld [tilespmem:s0+$0xC920];
	v3, _, _ =	vpop (xrf0)  }
0x1a8: {  	(xrf0) =	vmax.scan.msk.f32 $0xffff, v2;
	v8 =	vbroadcast v3, $0xF;
	v3 =	vld [tilespmem:s2+$0xC110]  }
0x1a9: {  	v6 =	vld [tilespmem:s0+$0xC520]  }
0x1aa: {  	v0, _, _ =	vpop (xrf2)  }
0x1ab: {  	s2 =	simm.s32 $0xC0;
	v7 =	vmul.f32 v8, v7;
	v8 =	vbroadcast v0, $0xF  }
.LBB2_10:
0x1ac: {  	s28 =	sshra.s32 s2, $0x2;
	p0 =	sne.s32 s2, $0xFC0;
	s2 =	sadd.s32 $0x40, s2;
	(xrf2) =	vadd.scan.msk.f32 $0xffff, v4;
	v0 =	vld [tilespmem:s1+$0xBD10]  }
.Ltmp8:
0x1ad: {  	v4 =	vld [tilespmem:s28+$0xC920];
	v9 =	vadd.f32 v7, v5;
	v5 =	vmul.f32 v8, v3;
	(pc) =	sbr.rel @p0 .LBB2_10-.Ltmp8, $4  }
0x1ae: {  	(xrf0) =	vmax.scan.msk.f32 $0xffff, v6;
	v3 =	vld [tilespmem:s1+$0xC110];
	v7, _, _ =	vpop (xrf0);
	s1 =	smov.u32 s0;
	s0 =	smov.u32 s28  }
0x1af: {  	v6 =	vld [tilespmem:s0+$0xC520];
	v7 =	vbroadcast v7, $0xF;
	v5 =	vadd.f32 v5, v9  }
0x1b0: {  	v2, _, _ =	vpop (xrf2)  }
0x1b1: {  	v7 =	vmul.f32 v7, v0;
	v8 =	vbroadcast v2, $0xF  }
0x1b2: {  	(xrf2) =	vadd.scan.msk.f32 $0xffff, v4;
	_ =	sdelay $0x1  }
0x1b3: {  	v0 =	vld [tilespmem:s1+$0xBD10];
	(xrf0) =	vmax.scan.msk.f32 $0xffff, v6;
	_ =	sdelay $0x1  }
0x1b4: {  	v2 =	vld [tilespmem:s1+$0xC110];
	v57, _, _ =	vpop (xrf0)  }
0x1b5: {  	v5 =	vadd.f32 v7, v5;
	v3 =	vmul.f32 v8, v3;
	v4 =	vbroadcast v57, $0xF  }
0x1b6: {  	v59 =	vld [tilespmem:s0+$0xBD10];
	v58, _, _ =	vpop (xrf2)  }
0x1b7: {  	v3 =	vadd.f32 v3, v5;
	v0 =	vmul.f32 v4, v0;
	v60 =	vbroadcast v58, $0xF  }
0x1b8: {  	v61 =	vld [tilespmem:s0+$0xC110];
	v62, _, _ =	vpop (xrf0)  }
0x1b9: {  	v0 =	vadd.f32 v0, v3;
	v2 =	vmul.f32 v60, v2;
	v3 =	vbroadcast v62, $0xF  }
0x1ba: {  	v63, _, _ =	vpop (xrf2)  }
0x1bb: {  	v0 =	vadd.f32 v2, v0;
	v2 =	vmul.f32 v3, v59;
	v3 =	vbroadcast v63, $0xF;
	_ =	sdelay $0x1  }
.Ltmp9:
0x1bc: {  	v0 =	vadd.f32 v2, v0;
	v2 =	vmul.f32 v3, v61;
	(pc) =	sbr.rel .LBB2_12-.Ltmp9, $3  }
0x1bd: {  	_ = 	snop  }
0x1be: {  	v0 =	vadd.f32 v2, v0;
	_ =	sdelay $0x1  }
0x1bf: {  	[tilespmem:s26+$0xCD20] =	vst v0;
	v0 =	vimm.f32 $-3.000000010e+38  }
.LBB2_14:
0x1c0: {  	_ =	sfence.sel $0x180000  }
0x1c1: {  	[bflag:$0x0] =	sbarrier.arrive $0xFFFF  }
0x1c2: {  	_ =	strace $0x90000047  }
0x1c3: {  	s0 =	stileid.u32;
	[bflag:$0x2] =	sbarrier.arrive $0xFFFF  }
0x1c4: {  	p0 =	sne.s32 s0, $0x0;
	s0 =	rddreg [dreg:$0x2]  }
0x1c5: {  	s0 =	sadd.s32 @!p0 $0x100000, s0  }
0x1c6: {  	[sflag:s0] =	ssyncadd.tile.s32 @!p0 $0x1;
	_ =	shalt  }
.Lfunc_end2:
_tile_overlayer_lowered:
.L_overlay_start_2:
0x1c7: {  	(tag) =	ssettag $0x2  }
0x1c8: {  	s0 =	rddreg [dreg:$0x0];
	s2 =	stileid.u32  }
0x1c9: {  	s1 =	rddreg [dreg:$0x1];
	p0 =	sne.s32 s2, $0x0  }
0x1ca: {  	s3 =	rddreg [dreg:$0x2];
	[bflag:$0x3] =	sbarrier.arrive $0xFFFF;
	s2 =	simm.s32 @!p0 $0x1C01  }
0x1cb: {  	[timem:s3], [sflag:s2] =	dma.local @!p0 [hbm:s0], s1  }
0x1cc: {  	s0 =	simm.s32 @!p0 $0x1  }
0x1cd: {  	_ =	swait.ge @!p0 [sflag:s0], s1  }
0x1ce: {  	s1 =	ssub.s32 @!p0 $0x0, s1;
	[sflag:s0] =	ssyncset.done @!p0 $0x0  }
0x1cf: {  	[sflag:s0] =	ssyncadd.s32 @!p0 s1  }
0x1d0: {  	[bflag:$0x3] =	sbarrier.arrive $0xFFFF  }
0x1d1: {  	_ =	shalt  }

</sc_bundles>
